<compile_context>
chip_gen: v7x
topology: tpu7x:2x2x1
jax: 0.10.2.dev20260603
libtpu: 0.0.44.dev20260713+nightly
codegen_flags: <defaults>
</compile_context>

<pallas_src>
import functools

import jax
import jax.numpy as jnp
from jax import lax
from jax.experimental import pallas as pl
from jax.experimental.pallas import tpu as pltpu
from jax.experimental.pallas import tpu_sc as plsc

MAX_DIST = 10.0
BOX = 21
NV = BOX * BOX * BOX
F = 32

NC = 2
NS = 16
NW = NC * NS
L = 16

CH = 128
CPW = 244
NSUP = 61
CPS = CPW // NSUP
N_MAIN = NW * CPW * CH

NV_PAD = 9344
TRASH = 128
NROWS = NV_PAD + TRASH
ZROWS = NROWS // NS
OROWS = NV_PAD // NS


def _sc_scatter_kernel():
    mesh = plsc.VectorSubcoreMesh(core_axis_name="c", subcore_axis_name="s")

    @functools.partial(
        pl.kernel,
        out_type=jax.ShapeDtypeStruct((NC, NV_PAD, 128), jnp.float32),
        mesh=mesh,
        compiler_params=pltpu.CompilerParams(needs_layout_passes=False),
        scratch_types=[
            pltpu.VMEM((CPS * CH,), jnp.float32),
            pltpu.VMEM((CPS * CH,), jnp.float32),
            pltpu.VMEM((CPS * CH,), jnp.float32),
            pltpu.VMEM((2 * CPS, CH), jnp.int32),
            pltpu.VMEM((F, CH), jnp.float32),
            pltpu.VMEM((F, CH), jnp.float32),
            pltpu.VMEM((CH, 128), jnp.float32),
            pltpu.VMEM((CH, 128), jnp.float32),
            pltpu.VMEM((80, 128), jnp.float32),
            pltpu.VMEM_SHARED((NROWS, 128), jnp.float32),
            pltpu.SemaphoreType.DMA,
            pltpu.SemaphoreType.DMA,
            pltpu.SemaphoreType.DMA,
            pltpu.SemaphoreType.DMA,
        ],
    )
    def k(xs, ys, zs, feats, out_hbm, xb, yb, zb, ib, tb, tb2, pb, pb2, ob,
          acc, st0, st1, ss0, ss1):
        c = lax.axis_index("c")
        s = lax.axis_index("s")
        w = s * NC + c

        zeros = jnp.zeros((L,), jnp.float32)

        def _zrow(r, carry):
            for v in range(128 // L):
                ob[r, pl.ds(v * L, L)] = zeros
            return carry
        lax.fori_loop(0, 80, _zrow, None)

        def _prow(r, carry):
            for v in range(F // L, 128 // L):
                pb[r, pl.ds(v * L, L)] = zeros
                pb2[r, pl.ds(v * L, L)] = zeros
            return carry
        lax.fori_loop(0, CH, _prow, None)
        for kk in range(7):
            pltpu.sync_copy(ob, acc.at[pl.ds(s * ZROWS + kk * 80, 80)])
        pltpu.sync_copy(ob.at[pl.ds(0, 32)], acc.at[pl.ds(s * ZROWS + 560, 32)])

        plsc.subcore_barrier()

        lanes = lax.iota(jnp.int32, L)
        base = w * (CPW * CH)
        pbs_outer = [pb, pb2]
        ssem_outer = [ss0, ss1]

        def _stage(sj, carry):
            p0 = pl.multiple_of(base + sj * (CPS * CH), CPS * CH)
            pltpu.sync_copy(xs.at[pl.ds(p0, CPS * CH)], xb)
            pltpu.sync_copy(ys.at[pl.ds(p0, CPS * CH)], yb)
            pltpu.sync_copy(zs.at[pl.ds(p0, CPS * CH)], zb)

            parity = (sj % 2) * CPS

            def _quant(cc, carry):
                for v in range(CH // L):
                    pos = cc * CH + v * L
                    tx = xb[pl.ds(pos, L)] + MAX_DIST
                    ty = yb[pl.ds(pos, L)] + MAX_DIST
                    tz = zb[pl.ds(pos, L)] + MAX_DIST
                    ok = (
                        (tx >= -0.5) & (tx <= 20.5)
                        & (ty >= -0.5) & (ty <= 20.5)
                        & (tz >= -0.5) & (tz <= 20.5)
                    )
                    gx = jnp.minimum((tx + 0.5).astype(jnp.int32), BOX - 1)
                    gy = jnp.minimum((ty + 0.5).astype(jnp.int32), BOX - 1)
                    gz = jnp.minimum((tz + 0.5).astype(jnp.int32), BOX - 1)
                    flat = (gx * (BOX * BOX) + gy * BOX) + gz
                    trash = NV_PAD + (v * L) + lanes
                    ib[parity + cc, pl.ds(v * L, L)] = jnp.where(ok, flat, trash)
                return carry
            lax.fori_loop(0, CPS, _quant, None)

            tbs = [tb, tb2]
            pbs = [pb, pb2]
            tsem = [st0, st1]
            ssem = [ss0, ss1]

            def _mk_xpose(tbuf, pbuf):
                def _xpose(pp, carry):
                    for u in range(8):
                        p = pp * 8 + u
                        pvec = jnp.full((L,), p, jnp.int32)
                        lo = plsc.load_gather(tbuf, [lanes, pvec])
                        hi = plsc.load_gather(tbuf, [lanes + L, pvec])
                        pbuf[p, pl.ds(0, L)] = lo
                        pbuf[p, pl.ds(L, L)] = hi
                    return carry
                return _xpose

            def _tile_dma(cc, b):
                pc = pl.multiple_of(p0 + cc * CH, CH)
                return pltpu.async_copy(
                    feats.at[:, pl.ds(pc, CH)], tbs[b], tsem[b]
                )

            d = [_tile_dma(0, 0), _tile_dma(1, 1)]
            for cc in range(CPS):
                b = cc % 2
                d[b].wait()

                def _scat_wait(b=b, cc=cc):
                    pltpu.make_async_copy(
                        pbs[b], acc.at[ib.at[parity + cc]], ssem[b]
                    ).wait()

                if cc < 2:
                    pl.when(sj > 0)(_scat_wait)
                else:
                    _scat_wait()
                lax.fori_loop(0, CH // 8, _mk_xpose(tbs[b], pbs[b]), None)
                pltpu.async_copy(
                    pbs[b], acc.at[ib.at[parity + cc]], ssem[b], add=True
                )
                if cc + 2 < CPS:
                    d[b] = _tile_dma(cc + 2, b)
            return carry

        lax.fori_loop(0, NSUP, _stage, None)
        for b in range(2):
            pltpu.make_async_copy(pbs_outer[b], acc.at[ib.at[b]], ssem_outer[b]).wait()

        plsc.subcore_barrier()

        for kk in range(7):
            pltpu.sync_copy(acc.at[pl.ds(s * OROWS + kk * 80, 80)], ob)
            pltpu.sync_copy(ob, out_hbm.at[c, pl.ds(s * OROWS + kk * 80, 80), :])
        pltpu.sync_copy(acc.at[pl.ds(s * OROWS + 560, 24)], ob.at[pl.ds(0, 24)])
        pltpu.sync_copy(ob.at[pl.ds(0, 24)], out_hbm.at[c, pl.ds(s * OROWS + 560, 24), :])

    return k


def _combine(p_ref, tx_ref, ty_ref, tz_ref, tf_ref, o_ref):
    g = p_ref[0, :NV, :F] + p_ref[1, :NV, :F]
    tx = tx_ref[...] + MAX_DIST
    ty = ty_ref[...] + MAX_DIST
    tz = tz_ref[...] + MAX_DIST
    ok = (
        (tx >= -0.5) & (tx <= 20.5)
        & (ty >= -0.5) & (ty <= 20.5)
        & (tz >= -0.5) & (tz <= 20.5)
    )
    gx = jnp.minimum((tx + 0.5).astype(jnp.int32), BOX - 1)
    gy = jnp.minimum((ty + 0.5).astype(jnp.int32), BOX - 1)
    gz = jnp.minimum((tz + 0.5).astype(jnp.int32), BOX - 1)
    flat = jnp.where(ok, (gx * (BOX * BOX) + gy * BOX) + gz, -1)
    onehot = (
        lax.broadcasted_iota(jnp.int32, (NV, flat.shape[0]), 0) == flat[None, :]
    ).astype(jnp.float32)
    o_ref[...] = g + jnp.dot(onehot, tf_ref[...],
                             preferred_element_type=jnp.float32)


def kernel(coords, features):
    n = coords.shape[1]
    featT = jnp.swapaxes(features, 1, 2).reshape(F, n)
    xs = coords[0, :, 0]
    ys = coords[0, :, 1]
    zs = coords[0, :, 2]
    partial = _sc_scatter_kernel()(xs, ys, zs, featT)
    grid = pl.pallas_call(
        _combine,
        out_shape=jax.ShapeDtypeStruct((NV, F), jnp.float32),
    )(
        partial,
        coords[0, N_MAIN:, 0],
        coords[0, N_MAIN:, 1],
        coords[0, N_MAIN:, 2],
        features[0, N_MAIN:, :],
    )
    return grid.reshape(1, BOX, BOX, BOX, F)

# --- scband reference (transcript-rebuilt; emitter-appended) ---
"""Pipeline reference for scband-make-grid-23063974379611 (READ-ONLY COPY).

The authoritative reference and input builder live on the scoring server;
editing this copy changes nothing except your own understanding.
"""

import jax, jax.numpy as jnp
import numpy as np
import math

MAX_DIST = 10.0
GRID_RESOLUTION = 1.0
BOX_SIZE = int(math.ceil(2 * MAX_DIST / GRID_RESOLUTION + 1))  # 21


def setup_inputs(seed: int = 0) -> dict:
    key = jax.random.key(seed)
    k1, k2 = jax.random.split(key)
    # coords ~ randn scaled so most points land in the [-10, 10] box but some fall outside
    coords = jax.random.normal(k1, (1, 1000000, 3), dtype=jnp.float32) * 4.0
    features = jax.random.normal(k2, (1, 1000000, 32), dtype=jnp.float32)
    return {"coords": coords, "features": features}


def reference(coords, features):
    B = features.shape[0]
    F = features.shape[2]
    grid_coords = (coords + MAX_DIST) / GRID_RESOLUTION
    grid_coords = jnp.round(grid_coords).astype(jnp.int32)  # [B, N, 3]
    # in-box mask; original squeezes over batch (batch must be 1)
    in_box = jnp.all((grid_coords >= 0) & (grid_coords < BOX_SIZE), axis=2)  # [B, N]
    in_box_sq = jnp.squeeze(in_box, axis=0)  # [N]
    mask = in_box_sq[None, :, None]
    # boolean_mask + scatter_nd (additive) == zero-out masked updates and route
    # their indices to a safe slot (adding zeros leaves the grid unchanged)
    feats_masked = jnp.where(mask, features, jnp.zeros_like(features))
    gc = jnp.clip(grid_coords, 0, BOX_SIZE - 1)
    gc = jnp.where(mask, gc, jnp.zeros_like(gc))
    b_idx = jnp.zeros(gc.shape[:2], dtype=jnp.int32)  # original hardcodes batch index 0
    grid = jnp.zeros((B, BOX_SIZE, BOX_SIZE, BOX_SIZE, F), dtype=features.dtype)
    grid = grid.at[b_idx, gc[..., 0], gc[..., 1], gc[..., 2]].add(feats_masked)
    return grid

if __name__ == "__main__":
    import jax
    _d = setup_inputs()
    print(jax.jit(kernel)(*tuple(_d.values())))

</pallas_src>

<mosaic_0001>
#map = affine_map<(d0, d1) -> (0)>
#map1 = affine_map<(d0, d1) -> (0, 0)>
#map2 = affine_map<(d0, d1) -> (0, 0, 0)>
module attributes {stable_mosaic.version = 14 : i64} {
  func.func @k(%arg0: i32, %arg1: i32, %arg2: memref<1000000xf32, #tpu.memory_space<hbm>>, %arg3: memref<1000000xf32, #tpu.memory_space<hbm>>, %arg4: memref<1000000xf32, #tpu.memory_space<hbm>>, %arg5: memref<32x1000000xf32, #tpu.memory_space<hbm>>, %arg6: memref<2x9344x128xf32, #tpu.memory_space<hbm>>, %arg7: memref<512xf32, #tpu.memory_space<vmem>>, %arg8: memref<512xf32, #tpu.memory_space<vmem>>, %arg9: memref<512xf32, #tpu.memory_space<vmem>>, %arg10: memref<8x128xi32, #tpu.memory_space<vmem>>, %arg11: memref<32x128xf32, #tpu.memory_space<vmem>>, %arg12: memref<32x128xf32, #tpu.memory_space<vmem>>, %arg13: memref<128x128xf32, #tpu.memory_space<vmem>>, %arg14: memref<128x128xf32, #tpu.memory_space<vmem>>, %arg15: memref<80x128xf32, #tpu.memory_space<vmem>>, %arg16: memref<9472x128xf32, #tpu.memory_space<vmem_shared>>, %arg17: memref<!tpu.dma_semaphore, #tpu.memory_space<semaphore_mem>>, %arg18: memref<!tpu.dma_semaphore, #tpu.memory_space<semaphore_mem>>, %arg19: memref<!tpu.dma_semaphore, #tpu.memory_space<semaphore_mem>>, %arg20: memref<!tpu.dma_semaphore, #tpu.memory_space<semaphore_mem>>) attributes {dimension_semantics = [#tpu.dimension_semantics<core_parallel>, #tpu.dimension_semantics<subcore_parallel>], iteration_bounds = array<i64: 2, 16>, scalar_prefetch = 0 : i64, scratch_operands = 14 : i64, tpu.core_type = #tpu.core_type<sc_vector_subcore>, window_params = [{transform_indices = #map}, {transform_indices = #map}, {transform_indices = #map}, {transform_indices = #map1}, {transform_indices = #map2}]} {
    %mul3A = arith.constant 2 : i32
    %mul3A_0 = arith.muli %arg1, %mul3A : i32
    %add3A = arith.addi %mul3A_0, %arg0 : i32
    %broadcast_in_dim3A = arith.constant 0.000000e+00 : f32
    %broadcast_in_dim3A_1 = vector.broadcast %broadcast_in_dim3A : f32 to vector<16xf32>
    %scan3A = arith.constant 0 : i32
    %scan3A_2 = arith.constant 80 : i32
    %scan3A_3 = arith.addi %scan3A, %scan3A_2 : i32
    %scan3A_4 = arith.constant 1 : i32
    scf.for %scan3A_128 = %scan3A to %scan3A_3 step %scan3A_4  : i32 {
      %swap3A = arith.index_cast %scan3A_128 : i32 to index
      %swap3A_129 = arith.constant 0 : index
      %swap3A_130 = tpu.vector_load %arg15[%swap3A, %swap3A_129] {strides = array<i32>} : memref<80x128xf32, #tpu.memory_space<vmem>>, vector<16xf32>,
      tpu.vector_store %arg15[%swap3A, %swap3A_129], %broadcast_in_dim3A_1 {strides = array<i32>} : memref<80x128xf32, #tpu.memory_space<vmem>>, vector<16xf32>,
      %swap3A_131 = arith.index_cast %scan3A_128 : i32 to index
      %swap3A_132 = arith.constant 16 : index
      %swap3A_133 = tpu.vector_load %arg15[%swap3A_131, %swap3A_132] {strides = array<i32>} : memref<80x128xf32, #tpu.memory_space<vmem>>, vector<16xf32>,
      tpu.vector_store %arg15[%swap3A_131, %swap3A_132], %broadcast_in_dim3A_1 {strides = array<i32>} : memref<80x128xf32, #tpu.memory_space<vmem>>, vector<16xf32>,
      %swap3A_134 = arith.index_cast %scan3A_128 : i32 to index
      %swap3A_135 = arith.constant 32 : index
      %swap3A_136 = tpu.vector_load %arg15[%swap3A_134, %swap3A_135] {strides = array<i32>} : memref<80x128xf32, #tpu.memory_space<vmem>>, vector<16xf32>,
      tpu.vector_store %arg15[%swap3A_134, %swap3A_135], %broadcast_in_dim3A_1 {strides = array<i32>} : memref<80x128xf32, #tpu.memory_space<vmem>>, vector<16xf32>,
      %swap3A_137 = arith.index_cast %scan3A_128 : i32 to index
      %swap3A_138 = arith.constant 48 : index
      %swap3A_139 = tpu.vector_load %arg15[%swap3A_137, %swap3A_138] {strides = array<i32>} : memref<80x128xf32, #tpu.memory_space<vmem>>, vector<16xf32>,
      tpu.vector_store %arg15[%swap3A_137, %swap3A_138], %broadcast_in_dim3A_1 {strides = array<i32>} : memref<80x128xf32, #tpu.memory_space<vmem>>, vector<16xf32>,
      %swap3A_140 = arith.index_cast %scan3A_128 : i32 to index
      %swap3A_141 = arith.constant 64 : index
      %swap3A_142 = tpu.vector_load %arg15[%swap3A_140, %swap3A_141] {strides = array<i32>} : memref<80x128xf32, #tpu.memory_space<vmem>>, vector<16xf32>,
      tpu.vector_store %arg15[%swap3A_140, %swap3A_141], %broadcast_in_dim3A_1 {strides = array<i32>} : memref<80x128xf32, #tpu.memory_space<vmem>>, vector<16xf32>,
      %swap3A_143 = arith.index_cast %scan3A_128 : i32 to index
      %swap3A_144 = arith.constant 80 : index
      %swap3A_145 = tpu.vector_load %arg15[%swap3A_143, %swap3A_144] {strides = array<i32>} : memref<80x128xf32, #tpu.memory_space<vmem>>, vector<16xf32>,
      tpu.vector_store %arg15[%swap3A_143, %swap3A_144], %broadcast_in_dim3A_1 {strides = array<i32>} : memref<80x128xf32, #tpu.memory_space<vmem>>, vector<16xf32>,
      %swap3A_146 = arith.index_cast %scan3A_128 : i32 to index
      %swap3A_147 = arith.constant 96 : index
      %swap3A_148 = tpu.vector_load %arg15[%swap3A_146, %swap3A_147] {strides = array<i32>} : memref<80x128xf32, #tpu.memory_space<vmem>>, vector<16xf32>,
      tpu.vector_store %arg15[%swap3A_146, %swap3A_147], %broadcast_in_dim3A_1 {strides = array<i32>} : memref<80x128xf32, #tpu.memory_space<vmem>>, vector<16xf32>,
      %swap3A_149 = arith.index_cast %scan3A_128 : i32 to index
      %swap3A_150 = arith.constant 112 : index
      %swap3A_151 = tpu.vector_load %arg15[%swap3A_149, %swap3A_150] {strides = array<i32>} : memref<80x128xf32, #tpu.memory_space<vmem>>, vector<16xf32>,
      tpu.vector_store %arg15[%swap3A_149, %swap3A_150], %broadcast_in_dim3A_1 {strides = array<i32>} : memref<80x128xf32, #tpu.memory_space<vmem>>, vector<16xf32>,
    }
    %scan3A_5 = arith.constant 80 : i32
    %scan3A_6 = arith.constant 0 : i32
    %scan3A_7 = arith.constant 128 : i32
    %scan3A_8 = arith.addi %scan3A_6, %scan3A_7 : i32
    %scan3A_9 = arith.constant 1 : i32
    scf.for %scan3A_128 = %scan3A_6 to %scan3A_8 step %scan3A_9  : i32 {
      %swap3A = arith.index_cast %scan3A_128 : i32 to index
      %swap3A_129 = arith.constant 32 : index
      %swap3A_130 = tpu.vector_load %arg13[%swap3A, %swap3A_129] {strides = array<i32>} : memref<128x128xf32, #tpu.memory_space<vmem>>, vector<16xf32>,
      tpu.vector_store %arg13[%swap3A, %swap3A_129], %broadcast_in_dim3A_1 {strides = array<i32>} : memref<128x128xf32, #tpu.memory_space<vmem>>, vector<16xf32>,
      %swap3A_131 = arith.index_cast %scan3A_128 : i32 to index
      %swap3A_132 = arith.constant 32 : index
      %swap3A_133 = tpu.vector_load %arg14[%swap3A_131, %swap3A_132] {strides = array<i32>} : memref<128x128xf32, #tpu.memory_space<vmem>>, vector<16xf32>,
      tpu.vector_store %arg14[%swap3A_131, %swap3A_132], %broadcast_in_dim3A_1 {strides = array<i32>} : memref<128x128xf32, #tpu.memory_space<vmem>>, vector<16xf32>,
      %swap3A_134 = arith.index_cast %scan3A_128 : i32 to index
      %swap3A_135 = arith.constant 48 : index
      %swap3A_136 = tpu.vector_load %arg13[%swap3A_134, %swap3A_135] {strides = array<i32>} : memref<128x128xf32, #tpu.memory_space<vmem>>, vector<16xf32>,
      tpu.vector_store %arg13[%swap3A_134, %swap3A_135], %broadcast_in_dim3A_1 {strides = array<i32>} : memref<128x128xf32, #tpu.memory_space<vmem>>, vector<16xf32>,
      %swap3A_137 = arith.index_cast %scan3A_128 : i32 to index
      %swap3A_138 = arith.constant 48 : index
      %swap3A_139 = tpu.vector_load %arg14[%swap3A_137, %swap3A_138] {strides = array<i32>} : memref<128x128xf32, #tpu.memory_space<vmem>>, vector<16xf32>,
      tpu.vector_store %arg14[%swap3A_137, %swap3A_138], %broadcast_in_dim3A_1 {strides = array<i32>} : memref<128x128xf32, #tpu.memory_space<vmem>>, vector<16xf32>,
      %swap3A_140 = arith.index_cast %scan3A_128 : i32 to index
      %swap3A_141 = arith.constant 64 : index
      %swap3A_142 = tpu.vector_load %arg13[%swap3A_140, %swap3A_141] {strides = array<i32>} : memref<128x128xf32, #tpu.memory_space<vmem>>, vector<16xf32>,
      tpu.vector_store %arg13[%swap3A_140, %swap3A_141], %broadcast_in_dim3A_1 {strides = array<i32>} : memref<128x128xf32, #tpu.memory_space<vmem>>, vector<16xf32>,
      %swap3A_143 = arith.index_cast %scan3A_128 : i32 to index
      %swap3A_144 = arith.constant 64 : index
      %swap3A_145 = tpu.vector_load %arg14[%swap3A_143, %swap3A_144] {strides = array<i32>} : memref<128x128xf32, #tpu.memory_space<vmem>>, vector<16xf32>,
      tpu.vector_store %arg14[%swap3A_143, %swap3A_144], %broadcast_in_dim3A_1 {strides = array<i32>} : memref<128x128xf32, #tpu.memory_space<vmem>>, vector<16xf32>,
      %swap3A_146 = arith.index_cast %scan3A_128 : i32 to index
      %swap3A_147 = arith.constant 80 : index
      %swap3A_148 = tpu.vector_load %arg13[%swap3A_146, %swap3A_147] {strides = array<i32>} : memref<128x128xf32, #tpu.memory_space<vmem>>, vector<16xf32>,
      tpu.vector_store %arg13[%swap3A_146, %swap3A_147], %broadcast_in_dim3A_1 {strides = array<i32>} : memref<128x128xf32, #tpu.memory_space<vmem>>, vector<16xf32>,
      %swap3A_149 = arith.index_cast %scan3A_128 : i32 to index
      %swap3A_150 = arith.constant 80 : index
      %swap3A_151 = tpu.vector_load %arg14[%swap3A_149, %swap3A_150] {strides = array<i32>} : memref<128x128xf32, #tpu.memory_space<vmem>>, vector<16xf32>,
      tpu.vector_store %arg14[%swap3A_149, %swap3A_150], %broadcast_in_dim3A_1 {strides = array<i32>} : memref<128x128xf32, #tpu.memory_space<vmem>>, vector<16xf32>,
      %swap3A_152 = arith.index_cast %scan3A_128 : i32 to index
      %swap3A_153 = arith.constant 96 : index
      %swap3A_154 = tpu.vector_load %arg13[%swap3A_152, %swap3A_153] {strides = array<i32>} : memref<128x128xf32, #tpu.memory_space<vmem>>, vector<16xf32>,
      tpu.vector_store %arg13[%swap3A_152, %swap3A_153], %broadcast_in_dim3A_1 {strides = array<i32>} : memref<128x128xf32, #tpu.memory_space<vmem>>, vector<16xf32>,
      %swap3A_155 = arith.index_cast %scan3A_128 : i32 to index
      %swap3A_156 = arith.constant 96 : index
      %swap3A_157 = tpu.vector_load %arg14[%swap3A_155, %swap3A_156] {strides = array<i32>} : memref<128x128xf32, #tpu.memory_space<vmem>>, vector<16xf32>,
      tpu.vector_store %arg14[%swap3A_155, %swap3A_156], %broadcast_in_dim3A_1 {strides = array<i32>} : memref<128x128xf32, #tpu.memory_space<vmem>>, vector<16xf32>,
      %swap3A_158 = arith.index_cast %scan3A_128 : i32 to index
      %swap3A_159 = arith.constant 112 : index
      %swap3A_160 = tpu.vector_load %arg13[%swap3A_158, %swap3A_159] {strides = array<i32>} : memref<128x128xf32, #tpu.memory_space<vmem>>, vector<16xf32>,
      tpu.vector_store %arg13[%swap3A_158, %swap3A_159], %broadcast_in_dim3A_1 {strides = array<i32>} : memref<128x128xf32, #tpu.memory_space<vmem>>, vector<16xf32>,
      %swap3A_161 = arith.index_cast %scan3A_128 : i32 to index
      %swap3A_162 = arith.constant 112 : index
      %swap3A_163 = tpu.vector_load %arg14[%swap3A_161, %swap3A_162] {strides = array<i32>} : memref<128x128xf32, #tpu.memory_space<vmem>>, vector<16xf32>,
      tpu.vector_store %arg14[%swap3A_161, %swap3A_162], %broadcast_in_dim3A_1 {strides = array<i32>} : memref<128x128xf32, #tpu.memory_space<vmem>>, vector<16xf32>,
    }
    %scan3A_10 = arith.constant 128 : i32
    %mul3A_11 = arith.constant 592 : i32
    %mul3A_12 = arith.muli %arg1, %mul3A_11 : i32
    %add3A_13 = arith.constant 0 : i32
    %add3A_14 = arith.addi %mul3A_12, %add3A_13 : i32
    "tpu.region"() ({
      %run_scoped3A = tpu.sem_alloc : memref<!tpu.dma_semaphore, #tpu.memory_space<semaphore_mem>>
      %dma_start3A = arith.constant 0 : i32
      %dma_start3A_128 = tpu.memref_slice %arg16[%add3A_14, %dma_start3A] : memref<9472x128xf32, #tpu.memory_space<vmem_shared>> -> memref<80x128xf32, #tpu.memory_space<vmem_shared>>
      %dma_start3A_129 = arith.constant 0 : i32
      %dma_start3A_130 = tpu.memref_slice %arg16[%add3A_14, %dma_start3A_129] : memref<9472x128xf32, #tpu.memory_space<vmem_shared>> -> memref<80x128xf32, #tpu.memory_space<vmem_shared>>
      tpu.enqueue_dma source(%arg15 : memref<80x128xf32, #tpu.memory_space<vmem>>) target(%dma_start3A_130 : memref<80x128xf32, #tpu.memory_space<vmem_shared>>) target_semaphore(%run_scoped3A : memref<!tpu.dma_semaphore, #tpu.memory_space<semaphore_mem>>)
      %dma_wait3A_131 = arith.constant 0 : i32
      %dma_wait3A_132 = tpu.memref_slice %arg16[%add3A_14, %dma_wait3A_131] : memref<9472x128xf32, #tpu.memory_space<vmem_shared>> -> memref<80x128xf32, #tpu.memory_space<vmem_shared>>
      %dma_wait3A_133 = arith.constant 0 : i32
      %dma_wait3A_134 = tpu.memref_slice %arg16[%add3A_14, %dma_wait3A_133] : memref<9472x128xf32, #tpu.memory_space<vmem_shared>> -> memref<80x128xf32, #tpu.memory_space<vmem_shared>>
      tpu.wait_dma2 semaphore(%run_scoped3A : memref<!tpu.dma_semaphore, #tpu.memory_space<semaphore_mem>>) src(%arg15 : memref<80x128xf32, #tpu.memory_space<vmem>>) dst(%dma_wait3A_134 : memref<80x128xf32, #tpu.memory_space<vmem_shared>>)
      tpu.yield
    }) : () -> ()
    %mul3A_15 = arith.constant 592 : i32
    %mul3A_16 = arith.muli %arg1, %mul3A_15 : i32
    %add3A_17 = arith.constant 80 : i32
    %add3A_18 = arith.addi %mul3A_16, %add3A_17 : i32
    "tpu.region"() ({
      %run_scoped3A = tpu.sem_alloc : memref<!tpu.dma_semaphore, #tpu.memory_space<semaphore_mem>>
      %dma_start3A = arith.constant 0 : i32
      %dma_start3A_128 = tpu.memref_slice %arg16[%add3A_18, %dma_start3A] : memref<9472x128xf32, #tpu.memory_space<vmem_shared>> -> memref<80x128xf32, #tpu.memory_space<vmem_shared>>
      %dma_start3A_129 = arith.constant 0 : i32
      %dma_start3A_130 = tpu.memref_slice %arg16[%add3A_18, %dma_start3A_129] : memref<9472x128xf32, #tpu.memory_space<vmem_shared>> -> memref<80x128xf32, #tpu.memory_space<vmem_shared>>
      tpu.enqueue_dma source(%arg15 : memref<80x128xf32, #tpu.memory_space<vmem>>) target(%dma_start3A_130 : memref<80x128xf32, #tpu.memory_space<vmem_shared>>) target_semaphore(%run_scoped3A : memref<!tpu.dma_semaphore, #tpu.memory_space<semaphore_mem>>)
      %dma_wait3A_131 = arith.constant 0 : i32
      %dma_wait3A_132 = tpu.memref_slice %arg16[%add3A_18, %dma_wait3A_131] : memref<9472x128xf32, #tpu.memory_space<vmem_shared>> -> memref<80x128xf32, #tpu.memory_space<vmem_shared>>
      %dma_wait3A_133 = arith.constant 0 : i32
      %dma_wait3A_134 = tpu.memref_slice %arg16[%add3A_18, %dma_wait3A_133] : memref<9472x128xf32, #tpu.memory_space<vmem_shared>> -> memref<80x128xf32, #tpu.memory_space<vmem_shared>>
      tpu.wait_dma2 semaphore(%run_scoped3A : memref<!tpu.dma_semaphore, #tpu.memory_space<semaphore_mem>>) src(%arg15 : memref<80x128xf32, #tpu.memory_space<vmem>>) dst(%dma_wait3A_134 : memref<80x128xf32, #tpu.memory_space<vmem_shared>>)
      tpu.yield
    }) : () -> ()
    %mul3A_19 = arith.constant 592 : i32
    %mul3A_20 = arith.muli %arg1, %mul3A_19 : i32
    %add3A_21 = arith.constant 160 : i32
    %add3A_22 = arith.addi %mul3A_20, %add3A_21 : i32
    "tpu.region"() ({
      %run_scoped3A = tpu.sem_alloc : memref<!tpu.dma_semaphore, #tpu.memory_space<semaphore_mem>>
      %dma_start3A = arith.constant 0 : i32
      %dma_start3A_128 = tpu.memref_slice %arg16[%add3A_22, %dma_start3A] : memref<9472x128xf32, #tpu.memory_space<vmem_shared>> -> memref<80x128xf32, #tpu.memory_space<vmem_shared>>
      %dma_start3A_129 = arith.constant 0 : i32
      %dma_start3A_130 = tpu.memref_slice %arg16[%add3A_22, %dma_start3A_129] : memref<9472x128xf32, #tpu.memory_space<vmem_shared>> -> memref<80x128xf32, #tpu.memory_space<vmem_shared>>
      tpu.enqueue_dma source(%arg15 : memref<80x128xf32, #tpu.memory_space<vmem>>) target(%dma_start3A_130 : memref<80x128xf32, #tpu.memory_space<vmem_shared>>) target_semaphore(%run_scoped3A : memref<!tpu.dma_semaphore, #tpu.memory_space<semaphore_mem>>)
      %dma_wait3A_131 = arith.constant 0 : i32
      %dma_wait3A_132 = tpu.memref_slice %arg16[%add3A_22, %dma_wait3A_131] : memref<9472x128xf32, #tpu.memory_space<vmem_shared>> -> memref<80x128xf32, #tpu.memory_space<vmem_shared>>
      %dma_wait3A_133 = arith.constant 0 : i32
      %dma_wait3A_134 = tpu.memref_slice %arg16[%add3A_22, %dma_wait3A_133] : memref<9472x128xf32, #tpu.memory_space<vmem_shared>> -> memref<80x128xf32, #tpu.memory_space<vmem_shared>>
      tpu.wait_dma2 semaphore(%run_scoped3A : memref<!tpu.dma_semaphore, #tpu.memory_space<semaphore_mem>>) src(%arg15 : memref<80x128xf32, #tpu.memory_space<vmem>>) dst(%dma_wait3A_134 : memref<80x128xf32, #tpu.memory_space<vmem_shared>>)
      tpu.yield
    }) : () -> ()
    %mul3A_23 = arith.constant 592 : i32
    %mul3A_24 = arith.muli %arg1, %mul3A_23 : i32
    %add3A_25 = arith.constant 240 : i32
    %add3A_26 = arith.addi %mul3A_24, %add3A_25 : i32
    "tpu.region"() ({
      %run_scoped3A = tpu.sem_alloc : memref<!tpu.dma_semaphore, #tpu.memory_space<semaphore_mem>>
      %dma_start3A = arith.constant 0 : i32
      %dma_start3A_128 = tpu.memref_slice %arg16[%add3A_26, %dma_start3A] : memref<9472x128xf32, #tpu.memory_space<vmem_shared>> -> memref<80x128xf32, #tpu.memory_space<vmem_shared>>
      %dma_start3A_129 = arith.constant 0 : i32
      %dma_start3A_130 = tpu.memref_slice %arg16[%add3A_26, %dma_start3A_129] : memref<9472x128xf32, #tpu.memory_space<vmem_shared>> -> memref<80x128xf32, #tpu.memory_space<vmem_shared>>
      tpu.enqueue_dma source(%arg15 : memref<80x128xf32, #tpu.memory_space<vmem>>) target(%dma_start3A_130 : memref<80x128xf32, #tpu.memory_space<vmem_shared>>) target_semaphore(%run_scoped3A : memref<!tpu.dma_semaphore, #tpu.memory_space<semaphore_mem>>)
      %dma_wait3A_131 = arith.constant 0 : i32
      %dma_wait3A_132 = tpu.memref_slice %arg16[%add3A_26, %dma_wait3A_131] : memref<9472x128xf32, #tpu.memory_space<vmem_shared>> -> memref<80x128xf32, #tpu.memory_space<vmem_shared>>
      %dma_wait3A_133 = arith.constant 0 : i32
      %dma_wait3A_134 = tpu.memref_slice %arg16[%add3A_26, %dma_wait3A_133] : memref<9472x128xf32, #tpu.memory_space<vmem_shared>> -> memref<80x128xf32, #tpu.memory_space<vmem_shared>>
      tpu.wait_dma2 semaphore(%run_scoped3A : memref<!tpu.dma_semaphore, #tpu.memory_space<semaphore_mem>>) src(%arg15 : memref<80x128xf32, #tpu.memory_space<vmem>>) dst(%dma_wait3A_134 : memref<80x128xf32, #tpu.memory_space<vmem_shared>>)
      tpu.yield
    }) : () -> ()
    %mul3A_27 = arith.constant 592 : i32
    %mul3A_28 = arith.muli %arg1, %mul3A_27 : i32
    %add3A_29 = arith.constant 320 : i32
    %add3A_30 = arith.addi %mul3A_28, %add3A_29 : i32
    "tpu.region"() ({
      %run_scoped3A = tpu.sem_alloc : memref<!tpu.dma_semaphore, #tpu.memory_space<semaphore_mem>>
      %dma_start3A = arith.constant 0 : i32
      %dma_start3A_128 = tpu.memref_slice %arg16[%add3A_30, %dma_start3A] : memref<9472x128xf32, #tpu.memory_space<vmem_shared>> -> memref<80x128xf32, #tpu.memory_space<vmem_shared>>
      %dma_start3A_129 = arith.constant 0 : i32
      %dma_start3A_130 = tpu.memref_slice %arg16[%add3A_30, %dma_start3A_129] : memref<9472x128xf32, #tpu.memory_space<vmem_shared>> -> memref<80x128xf32, #tpu.memory_space<vmem_shared>>
      tpu.enqueue_dma source(%arg15 : memref<80x128xf32, #tpu.memory_space<vmem>>) target(%dma_start3A_130 : memref<80x128xf32, #tpu.memory_space<vmem_shared>>) target_semaphore(%run_scoped3A : memref<!tpu.dma_semaphore, #tpu.memory_space<semaphore_mem>>)
      %dma_wait3A_131 = arith.constant 0 : i32
      %dma_wait3A_132 = tpu.memref_slice %arg16[%add3A_30, %dma_wait3A_131] : memref<9472x128xf32, #tpu.memory_space<vmem_shared>> -> memref<80x128xf32, #tpu.memory_space<vmem_shared>>
      %dma_wait3A_133 = arith.constant 0 : i32
      %dma_wait3A_134 = tpu.memref_slice %arg16[%add3A_30, %dma_wait3A_133] : memref<9472x128xf32, #tpu.memory_space<vmem_shared>> -> memref<80x128xf32, #tpu.memory_space<vmem_shared>>
      tpu.wait_dma2 semaphore(%run_scoped3A : memref<!tpu.dma_semaphore, #tpu.memory_space<semaphore_mem>>) src(%arg15 : memref<80x128xf32, #tpu.memory_space<vmem>>) dst(%dma_wait3A_134 : memref<80x128xf32, #tpu.memory_space<vmem_shared>>)
      tpu.yield
    }) : () -> ()
    %mul3A_31 = arith.constant 592 : i32
    %mul3A_32 = arith.muli %arg1, %mul3A_31 : i32
    %add3A_33 = arith.constant 400 : i32
    %add3A_34 = arith.addi %mul3A_32, %add3A_33 : i32
    "tpu.region"() ({
      %run_scoped3A = tpu.sem_alloc : memref<!tpu.dma_semaphore, #tpu.memory_space<semaphore_mem>>
      %dma_start3A = arith.constant 0 : i32
      %dma_start3A_128 = tpu.memref_slice %arg16[%add3A_34, %dma_start3A] : memref<9472x128xf32, #tpu.memory_space<vmem_shared>> -> memref<80x128xf32, #tpu.memory_space<vmem_shared>>
      %dma_start3A_129 = arith.constant 0 : i32
      %dma_start3A_130 = tpu.memref_slice %arg16[%add3A_34, %dma_start3A_129] : memref<9472x128xf32, #tpu.memory_space<vmem_shared>> -> memref<80x128xf32, #tpu.memory_space<vmem_shared>>
      tpu.enqueue_dma source(%arg15 : memref<80x128xf32, #tpu.memory_space<vmem>>) target(%dma_start3A_130 : memref<80x128xf32, #tpu.memory_space<vmem_shared>>) target_semaphore(%run_scoped3A : memref<!tpu.dma_semaphore, #tpu.memory_space<semaphore_mem>>)
      %dma_wait3A_131 = arith.constant 0 : i32
      %dma_wait3A_132 = tpu.memref_slice %arg16[%add3A_34, %dma_wait3A_131] : memref<9472x128xf32, #tpu.memory_space<vmem_shared>> -> memref<80x128xf32, #tpu.memory_space<vmem_shared>>
      %dma_wait3A_133 = arith.constant 0 : i32
      %dma_wait3A_134 = tpu.memref_slice %arg16[%add3A_34, %dma_wait3A_133] : memref<9472x128xf32, #tpu.memory_space<vmem_shared>> -> memref<80x128xf32, #tpu.memory_space<vmem_shared>>
      tpu.wait_dma2 semaphore(%run_scoped3A : memref<!tpu.dma_semaphore, #tpu.memory_space<semaphore_mem>>) src(%arg15 : memref<80x128xf32, #tpu.memory_space<vmem>>) dst(%dma_wait3A_134 : memref<80x128xf32, #tpu.memory_space<vmem_shared>>)
      tpu.yield
    }) : () -> ()
    %mul3A_35 = arith.constant 592 : i32
    %mul3A_36 = arith.muli %arg1, %mul3A_35 : i32
    %add3A_37 = arith.constant 480 : i32
    %add3A_38 = arith.addi %mul3A_36, %add3A_37 : i32
    "tpu.region"() ({
      %run_scoped3A = tpu.sem_alloc : memref<!tpu.dma_semaphore, #tpu.memory_space<semaphore_mem>>
      %dma_start3A = arith.constant 0 : i32
      %dma_start3A_128 = tpu.memref_slice %arg16[%add3A_38, %dma_start3A] : memref<9472x128xf32, #tpu.memory_space<vmem_shared>> -> memref<80x128xf32, #tpu.memory_space<vmem_shared>>
      %dma_start3A_129 = arith.constant 0 : i32
      %dma_start3A_130 = tpu.memref_slice %arg16[%add3A_38, %dma_start3A_129] : memref<9472x128xf32, #tpu.memory_space<vmem_shared>> -> memref<80x128xf32, #tpu.memory_space<vmem_shared>>
      tpu.enqueue_dma source(%arg15 : memref<80x128xf32, #tpu.memory_space<vmem>>) target(%dma_start3A_130 : memref<80x128xf32, #tpu.memory_space<vmem_shared>>) target_semaphore(%run_scoped3A : memref<!tpu.dma_semaphore, #tpu.memory_space<semaphore_mem>>)
      %dma_wait3A_131 = arith.constant 0 : i32
      %dma_wait3A_132 = tpu.memref_slice %arg16[%add3A_38, %dma_wait3A_131] : memref<9472x128xf32, #tpu.memory_space<vmem_shared>> -> memref<80x128xf32, #tpu.memory_space<vmem_shared>>
      %dma_wait3A_133 = arith.constant 0 : i32
      %dma_wait3A_134 = tpu.memref_slice %arg16[%add3A_38, %dma_wait3A_133] : memref<9472x128xf32, #tpu.memory_space<vmem_shared>> -> memref<80x128xf32, #tpu.memory_space<vmem_shared>>
      tpu.wait_dma2 semaphore(%run_scoped3A : memref<!tpu.dma_semaphore, #tpu.memory_space<semaphore_mem>>) src(%arg15 : memref<80x128xf32, #tpu.memory_space<vmem>>) dst(%dma_wait3A_134 : memref<80x128xf32, #tpu.memory_space<vmem_shared>>)
      tpu.yield
    }) : () -> ()
    %mul3A_39 = arith.constant 592 : i32
    %mul3A_40 = arith.muli %arg1, %mul3A_39 : i32
    %add3A_41 = arith.constant 560 : i32
    %add3A_42 = arith.addi %mul3A_40, %add3A_41 : i32
    "tpu.region"() ({
      %run_scoped3A = tpu.sem_alloc : memref<!tpu.dma_semaphore, #tpu.memory_space<semaphore_mem>>
      %dma_start3A = arith.constant 0 : i32
      %dma_start3A_128 = arith.constant 0 : i32
      %dma_start3A_129 = tpu.memref_slice %arg15[%dma_start3A, %dma_start3A_128] : memref<80x128xf32, #tpu.memory_space<vmem>> -> memref<32x128xf32, #tpu.memory_space<vmem>>
      %dma_start3A_130 = arith.constant 0 : i32
      %dma_start3A_131 = tpu.memref_slice %arg16[%add3A_42, %dma_start3A_130] : memref<9472x128xf32, #tpu.memory_space<vmem_shared>> -> memref<32x128xf32, #tpu.memory_space<vmem_shared>>
      %dma_start3A_132 = arith.constant 0 : i32
      %dma_start3A_133 = tpu.memref_slice %arg16[%add3A_42, %dma_start3A_132] : memref<9472x128xf32, #tpu.memory_space<vmem_shared>> -> memref<32x128xf32, #tpu.memory_space<vmem_shared>>
      %dma_start3A_134 = arith.constant 0 : i32
      %dma_start3A_135 = arith.constant 0 : i32
      %dma_start3A_136 = tpu.memref_slice %arg15[%dma_start3A_134, %dma_start3A_135] : memref<80x128xf32, #tpu.memory_space<vmem>> -> memref<32x128xf32, #tpu.memory_space<vmem>>
      tpu.enqueue_dma source(%dma_start3A_136 : memref<32x128xf32, #tpu.memory_space<vmem>>) target(%dma_start3A_133 : memref<32x128xf32, #tpu.memory_space<vmem_shared>>) target_semaphore(%run_scoped3A : memref<!tpu.dma_semaphore, #tpu.memory_space<semaphore_mem>>)
      %dma_wait3A_137 = arith.constant 0 : i32
      %dma_wait3A_138 = arith.constant 0 : i32
      %dma_wait3A_139 = tpu.memref_slice %arg15[%dma_wait3A_137, %dma_wait3A_138] : memref<80x128xf32, #tpu.memory_space<vmem>> -> memref<32x128xf32, #tpu.memory_space<vmem>>
      %dma_wait3A_140 = arith.constant 0 : i32
      %dma_wait3A_141 = tpu.memref_slice %arg16[%add3A_42, %dma_wait3A_140] : memref<9472x128xf32, #tpu.memory_space<vmem_shared>> -> memref<32x128xf32, #tpu.memory_space<vmem_shared>>
      %dma_wait3A_142 = arith.constant 0 : i32
      %dma_wait3A_143 = tpu.memref_slice %arg16[%add3A_42, %dma_wait3A_142] : memref<9472x128xf32, #tpu.memory_space<vmem_shared>> -> memref<32x128xf32, #tpu.memory_space<vmem_shared>>
      %dma_wait3A_144 = arith.constant 0 : i32
      %dma_wait3A_145 = arith.constant 0 : i32
      %dma_wait3A_146 = tpu.memref_slice %arg15[%dma_wait3A_144, %dma_wait3A_145] : memref<80x128xf32, #tpu.memory_space<vmem>> -> memref<32x128xf32, #tpu.memory_space<vmem>>
      tpu.wait_dma2 semaphore(%run_scoped3A : memref<!tpu.dma_semaphore, #tpu.memory_space<semaphore_mem>>) src(%dma_wait3A_146 : memref<32x128xf32, #tpu.memory_space<vmem>>) dst(%dma_wait3A_143 : memref<32x128xf32, #tpu.memory_space<vmem_shared>>)
      tpu.yield
    }) : () -> ()
    %barrier3A = arith.constant 0 : index
    tpu.barrier barrier_id(%barrier3A)
    %iota3A = tpu.iota {dimensions = array<i32: 0>} : vector<16xi32>
    %mul3A_43 = arith.constant 31232 : i32
    %mul3A_44 = arith.muli %add3A, %mul3A_43 : i32
    %scan3A_45 = arith.constant 0 : i32
    %scan3A_46 = arith.constant 61 : i32
    %scan3A_47 = arith.addi %scan3A_45, %scan3A_46 : i32
    %scan3A_48 = arith.constant 1 : i32
    scf.for %scan3A_128 = %scan3A_45 to %scan3A_47 step %scan3A_48  : i32 {
      %mul3A_129 = arith.constant 512 : i32
      %mul3A_130 = arith.muli %scan3A_128, %mul3A_129 : i32
      %add3A_131 = arith.addi %mul3A_44, %mul3A_130 : i32
      %multiple_of3A = tpu.assume_multiple %add3A_131, 512 : i32
      "tpu.region"() ({
        %run_scoped3A = tpu.sem_alloc : memref<!tpu.dma_semaphore, #tpu.memory_space<semaphore_mem>>
        %dma_start3A_266 = tpu.memref_slice %arg2[%multiple_of3A] : memref<1000000xf32, #tpu.memory_space<hbm>> -> memref<512xf32, #tpu.memory_space<hbm>>
        %dma_start3A_267 = tpu.memref_slice %arg2[%multiple_of3A] : memref<1000000xf32, #tpu.memory_space<hbm>> -> memref<512xf32, #tpu.memory_space<hbm>>
        tpu.enqueue_dma source(%dma_start3A_267 : memref<512xf32, #tpu.memory_space<hbm>>) target(%arg7 : memref<512xf32, #tpu.memory_space<vmem>>) target_semaphore(%run_scoped3A : memref<!tpu.dma_semaphore, #tpu.memory_space<semaphore_mem>>)
        %dma_wait3A_268 = tpu.memref_slice %arg2[%multiple_of3A] : memref<1000000xf32, #tpu.memory_space<hbm>> -> memref<512xf32, #tpu.memory_space<hbm>>
        %dma_wait3A_269 = tpu.memref_slice %arg2[%multiple_of3A] : memref<1000000xf32, #tpu.memory_space<hbm>> -> memref<512xf32, #tpu.memory_space<hbm>>
        tpu.wait_dma2 semaphore(%run_scoped3A : memref<!tpu.dma_semaphore, #tpu.memory_space<semaphore_mem>>) src(%dma_wait3A_269 : memref<512xf32, #tpu.memory_space<hbm>>) dst(%arg7 : memref<512xf32, #tpu.memory_space<vmem>>)
        tpu.yield
      }) : () -> ()
      "tpu.region"() ({
        %run_scoped3A = tpu.sem_alloc : memref<!tpu.dma_semaphore, #tpu.memory_space<semaphore_mem>>
        %dma_start3A_266 = tpu.memref_slice %arg3[%multiple_of3A] : memref<1000000xf32, #tpu.memory_space<hbm>> -> memref<512xf32, #tpu.memory_space<hbm>>
        %dma_start3A_267 = tpu.memref_slice %arg3[%multiple_of3A] : memref<1000000xf32, #tpu.memory_space<hbm>> -> memref<512xf32, #tpu.memory_space<hbm>>
        tpu.enqueue_dma source(%dma_start3A_267 : memref<512xf32, #tpu.memory_space<hbm>>) target(%arg8 : memref<512xf32, #tpu.memory_space<vmem>>) target_semaphore(%run_scoped3A : memref<!tpu.dma_semaphore, #tpu.memory_space<semaphore_mem>>)
        %dma_wait3A_268 = tpu.memref_slice %arg3[%multiple_of3A] : memref<1000000xf32, #tpu.memory_space<hbm>> -> memref<512xf32, #tpu.memory_space<hbm>>
        %dma_wait3A_269 = tpu.memref_slice %arg3[%multiple_of3A] : memref<1000000xf32, #tpu.memory_space<hbm>> -> memref<512xf32, #tpu.memory_space<hbm>>
        tpu.wait_dma2 semaphore(%run_scoped3A : memref<!tpu.dma_semaphore, #tpu.memory_space<semaphore_mem>>) src(%dma_wait3A_269 : memref<512xf32, #tpu.memory_space<hbm>>) dst(%arg8 : memref<512xf32, #tpu.memory_space<vmem>>)
        tpu.yield
      }) : () -> ()
      "tpu.region"() ({
        %run_scoped3A = tpu.sem_alloc : memref<!tpu.dma_semaphore, #tpu.memory_space<semaphore_mem>>
        %dma_start3A_266 = tpu.memref_slice %arg4[%multiple_of3A] : memref<1000000xf32, #tpu.memory_space<hbm>> -> memref<512xf32, #tpu.memory_space<hbm>>
        %dma_start3A_267 = tpu.memref_slice %arg4[%multiple_of3A] : memref<1000000xf32, #tpu.memory_space<hbm>> -> memref<512xf32, #tpu.memory_space<hbm>>
        tpu.enqueue_dma source(%dma_start3A_267 : memref<512xf32, #tpu.memory_space<hbm>>) target(%arg9 : memref<512xf32, #tpu.memory_space<vmem>>) target_semaphore(%run_scoped3A : memref<!tpu.dma_semaphore, #tpu.memory_space<semaphore_mem>>)
        %dma_wait3A_268 = tpu.memref_slice %arg4[%multiple_of3A] : memref<1000000xf32, #tpu.memory_space<hbm>> -> memref<512xf32, #tpu.memory_space<hbm>>
        %dma_wait3A_269 = tpu.memref_slice %arg4[%multiple_of3A] : memref<1000000xf32, #tpu.memory_space<hbm>> -> memref<512xf32, #tpu.memory_space<hbm>>
        tpu.wait_dma2 semaphore(%run_scoped3A : memref<!tpu.dma_semaphore, #tpu.memory_space<semaphore_mem>>) src(%dma_wait3A_269 : memref<512xf32, #tpu.memory_space<hbm>>) dst(%arg9 : memref<512xf32, #tpu.memory_space<vmem>>)
        tpu.yield
      }) : () -> ()
      %jit3A = arith.constant 2 : i32
      %eq3A = arith.constant 0 : i32
      %eq3A_132 = arith.cmpi eq, %jit3A, %eq3A : i32
      %jit3A_133 = arith.constant 1 : i32
      %select_n3A = arith.select %eq3A_132, %jit3A_133, %jit3A : i32
      %rem3A = arith.remsi %scan3A_128, %select_n3A : i32
      %ne3A = arith.constant 0 : i32
      %ne3A_134 = arith.cmpi ne, %rem3A, %ne3A : i32
      %lt3A = arith.constant 0 : i32
      %lt3A_135 = arith.cmpi slt, %rem3A, %lt3A : i32
      %lt3A_136 = arith.constant 0 : i32
      %lt3A_137 = arith.cmpi slt, %select_n3A, %lt3A_136 : i32
      %ne3A_138 = arith.xori %lt3A_135, %lt3A_137 : i1
      %and3A = arith.andi %ne3A_138, %ne3A_134 : i1
      %add3A_139 = arith.addi %rem3A, %select_n3A : i32
      %select_n3A_140 = arith.select %and3A, %add3A_139, %rem3A : i32
      %mul3A_141 = arith.constant 4 : i32
      %mul3A_142 = arith.muli %select_n3A_140, %mul3A_141 : i32
      %scan3A_143 = arith.constant 0 : i32
      %scan3A_144 = arith.constant 4 : i32
      %scan3A_145 = arith.addi %scan3A_143, %scan3A_144 : i32
      %scan3A_146 = arith.constant 1 : i32
      scf.for %scan3A_266 = %scan3A_143 to %scan3A_145 step %scan3A_146  : i32 {
        %mul3A_267 = arith.constant 128 : i32
        %mul3A_268 = arith.muli %scan3A_266, %mul3A_267 : i32
        %add3A_269 = arith.constant 0 : i32
        %add3A_270 = arith.addi %mul3A_268, %add3A_269 : i32
        %get3A = arith.index_cast %add3A_270 : i32 to index
        %get3A_271 = tpu.vector_load %arg7[%get3A] {strides = array<i32>} : memref<512xf32, #tpu.memory_space<vmem>>, vector<16xf32>,
        %add3A_272 = arith.constant 1.000000e+01 : f32
        %add3A_273 = vector.broadcast %add3A_272 : f32 to vector<16xf32>
        %add3A_274 = arith.addf %get3A_271, %add3A_273 : vector<16xf32>
        %get3A_275 = arith.index_cast %add3A_270 : i32 to index
        %get3A_276 = tpu.vector_load %arg8[%get3A_275] {strides = array<i32>} : memref<512xf32, #tpu.memory_space<vmem>>, vector<16xf32>,
        %add3A_277 = arith.constant 1.000000e+01 : f32
        %add3A_278 = vector.broadcast %add3A_277 : f32 to vector<16xf32>
        %add3A_279 = arith.addf %get3A_276, %add3A_278 : vector<16xf32>
        %get3A_280 = arith.index_cast %add3A_270 : i32 to index
        %get3A_281 = tpu.vector_load %arg9[%get3A_280] {strides = array<i32>} : memref<512xf32, #tpu.memory_space<vmem>>, vector<16xf32>,
        %add3A_282 = arith.constant 1.000000e+01 : f32
        %add3A_283 = vector.broadcast %add3A_282 : f32 to vector<16xf32>
        %add3A_284 = arith.addf %get3A_281, %add3A_283 : vector<16xf32>
        %ge3A = arith.constant -5.000000e-01 : f32
        %ge3A_285 = vector.broadcast %ge3A : f32 to vector<16xf32>
        %ge3A_286 = arith.cmpf oge, %add3A_274, %ge3A_285 : vector<16xf32>
        %le3A = arith.constant 2.050000e+01 : f32
        %le3A_287 = vector.broadcast %le3A : f32 to vector<16xf32>
        %le3A_288 = arith.cmpf ole, %add3A_274, %le3A_287 : vector<16xf32>
        %and3A_289 = arith.andi %ge3A_286, %le3A_288 : vector<16xi1>
        %ge3A_290 = arith.constant -5.000000e-01 : f32
        %ge3A_291 = vector.broadcast %ge3A_290 : f32 to vector<16xf32>
        %ge3A_292 = arith.cmpf oge, %add3A_279, %ge3A_291 : vector<16xf32>
        %and3A_293 = arith.andi %and3A_289, %ge3A_292 : vector<16xi1>
        %le3A_294 = arith.constant 2.050000e+01 : f32
        %le3A_295 = vector.broadcast %le3A_294 : f32 to vector<16xf32>
        %le3A_296 = arith.cmpf ole, %add3A_279, %le3A_295 : vector<16xf32>
        %and3A_297 = arith.andi %and3A_293, %le3A_296 : vector<16xi1>
        %ge3A_298 = arith.constant -5.000000e-01 : f32
        %ge3A_299 = vector.broadcast %ge3A_298 : f32 to vector<16xf32>
        %ge3A_300 = arith.cmpf oge, %add3A_284, %ge3A_299 : vector<16xf32>
        %and3A_301 = arith.andi %and3A_297, %ge3A_300 : vector<16xi1>
        %le3A_302 = arith.constant 2.050000e+01 : f32
        %le3A_303 = vector.broadcast %le3A_302 : f32 to vector<16xf32>
        %le3A_304 = arith.cmpf ole, %add3A_284, %le3A_303 : vector<16xf32>
        %and3A_305 = arith.andi %and3A_301, %le3A_304 : vector<16xi1>
        %add3A_306 = arith.constant 5.000000e-01 : f32
        %add3A_307 = vector.broadcast %add3A_306 : f32 to vector<16xf32>
        %add3A_308 = arith.addf %add3A_274, %add3A_307 : vector<16xf32>
        %convert_element_type3A_309 = arith.fptosi %add3A_308 : vector<16xf32> to vector<16xi32>
        %min3A = arith.constant 20 : i32
        %min3A_310 = vector.broadcast %min3A : i32 to vector<16xi32>
        %min3A_311 = arith.minsi %convert_element_type3A_309, %min3A_310 : vector<16xi32>
        %add3A_312 = arith.constant 5.000000e-01 : f32
        %add3A_313 = vector.broadcast %add3A_312 : f32 to vector<16xf32>
        %add3A_314 = arith.addf %add3A_279, %add3A_313 : vector<16xf32>
        %convert_element_type3A_315 = arith.fptosi %add3A_314 : vector<16xf32> to vector<16xi32>
        %min3A_316 = arith.constant 20 : i32
        %min3A_317 = vector.broadcast %min3A_316 : i32 to vector<16xi32>
        %min3A_318 = arith.minsi %convert_element_type3A_315, %min3A_317 : vector<16xi32>
        %add3A_319 = arith.constant 5.000000e-01 : f32
        %add3A_320 = vector.broadcast %add3A_319 : f32 to vector<16xf32>
        %add3A_321 = arith.addf %add3A_284, %add3A_320 : vector<16xf32>
        %convert_element_type3A_322 = arith.fptosi %add3A_321 : vector<16xf32> to vector<16xi32>
        %min3A_323 = arith.constant 20 : i32
        %min3A_324 = vector.broadcast %min3A_323 : i32 to vector<16xi32>
        %min3A_325 = arith.minsi %convert_element_type3A_322, %min3A_324 : vector<16xi32>
        %mul3A_326 = arith.constant 441 : i32
        %mul3A_327 = vector.broadcast %mul3A_326 : i32 to vector<16xi32>
        %mul3A_328 = arith.muli %min3A_311, %mul3A_327 : vector<16xi32>
        %mul3A_329 = arith.constant 21 : i32
        %mul3A_330 = vector.broadcast %mul3A_329 : i32 to vector<16xi32>
        %mul3A_331 = arith.muli %min3A_318, %mul3A_330 : vector<16xi32>
        %add3A_332 = arith.addi %mul3A_328, %mul3A_331 : vector<16xi32>
        %add3A_333 = arith.addi %add3A_332, %min3A_325 : vector<16xi32>
        %add3A_334 = arith.constant 9344 : i32
        %add3A_335 = vector.broadcast %add3A_334 : i32 to vector<16xi32>
        %add3A_336 = arith.addi %add3A_335, %iota3A : vector<16xi32>
        %select_n3A_337 = arith.select %and3A_305, %add3A_333, %add3A_336 : vector<16xi1>, vector<16xi32>
        %add3A_338 = arith.addi %mul3A_142, %scan3A_266 : i32
        %swap3A = arith.index_cast %add3A_338 : i32 to index
        %swap3A_339 = arith.constant 0 : index
        %swap3A_340 = tpu.vector_load %arg10[%swap3A, %swap3A_339] {strides = array<i32>} : memref<8x128xi32, #tpu.memory_space<vmem>>, vector<16xi32>,
        tpu.vector_store %arg10[%swap3A, %swap3A_339], %select_n3A_337 {strides = array<i32>} : memref<8x128xi32, #tpu.memory_space<vmem>>, vector<16xi32>,
        %mul3A_341 = arith.constant 128 : i32
        %mul3A_342 = arith.muli %scan3A_266, %mul3A_341 : i32
        %add3A_343 = arith.constant 16 : i32
        %add3A_344 = arith.addi %mul3A_342, %add3A_343 : i32
        %get3A_345 = arith.index_cast %add3A_344 : i32 to index
        %get3A_346 = tpu.vector_load %arg7[%get3A_345] {strides = array<i32>} : memref<512xf32, #tpu.memory_space<vmem>>, vector<16xf32>,
        %add3A_347 = arith.constant 1.000000e+01 : f32
        %add3A_348 = vector.broadcast %add3A_347 : f32 to vector<16xf32>
        %add3A_349 = arith.addf %get3A_346, %add3A_348 : vector<16xf32>
        %get3A_350 = arith.index_cast %add3A_344 : i32 to index
        %get3A_351 = tpu.vector_load %arg8[%get3A_350] {strides = array<i32>} : memref<512xf32, #tpu.memory_space<vmem>>, vector<16xf32>,
        %add3A_352 = arith.constant 1.000000e+01 : f32
        %add3A_353 = vector.broadcast %add3A_352 : f32 to vector<16xf32>
        %add3A_354 = arith.addf %get3A_351, %add3A_353 : vector<16xf32>
        %get3A_355 = arith.index_cast %add3A_344 : i32 to index
        %get3A_356 = tpu.vector_load %arg9[%get3A_355] {strides = array<i32>} : memref<512xf32, #tpu.memory_space<vmem>>, vector<16xf32>,
        %add3A_357 = arith.constant 1.000000e+01 : f32
        %add3A_358 = vector.broadcast %add3A_357 : f32 to vector<16xf32>
        %add3A_359 = arith.addf %get3A_356, %add3A_358 : vector<16xf32>
        %ge3A_360 = arith.constant -5.000000e-01 : f32
        %ge3A_361 = vector.broadcast %ge3A_360 : f32 to vector<16xf32>
        %ge3A_362 = arith.cmpf oge, %add3A_349, %ge3A_361 : vector<16xf32>
        %le3A_363 = arith.constant 2.050000e+01 : f32
        %le3A_364 = vector.broadcast %le3A_363 : f32 to vector<16xf32>
        %le3A_365 = arith.cmpf ole, %add3A_349, %le3A_364 : vector<16xf32>
        %and3A_366 = arith.andi %ge3A_362, %le3A_365 : vector<16xi1>
        %ge3A_367 = arith.constant -5.000000e-01 : f32
        %ge3A_368 = vector.broadcast %ge3A_367 : f32 to vector<16xf32>
        %ge3A_369 = arith.cmpf oge, %add3A_354, %ge3A_368 : vector<16xf32>
        %and3A_370 = arith.andi %and3A_366, %ge3A_369 : vector<16xi1>
        %le3A_371 = arith.constant 2.050000e+01 : f32
        %le3A_372 = vector.broadcast %le3A_371 : f32 to vector<16xf32>
        %le3A_373 = arith.cmpf ole, %add3A_354, %le3A_372 : vector<16xf32>
        %and3A_374 = arith.andi %and3A_370, %le3A_373 : vector<16xi1>
        %ge3A_375 = arith.constant -5.000000e-01 : f32
        %ge3A_376 = vector.broadcast %ge3A_375 : f32 to vector<16xf32>
        %ge3A_377 = arith.cmpf oge, %add3A_359, %ge3A_376 : vector<16xf32>
        %and3A_378 = arith.andi %and3A_374, %ge3A_377 : vector<16xi1>
        %le3A_379 = arith.constant 2.050000e+01 : f32
        %le3A_380 = vector.broadcast %le3A_379 : f32 to vector<16xf32>
        %le3A_381 = arith.cmpf ole, %add3A_359, %le3A_380 : vector<16xf32>
        %and3A_382 = arith.andi %and3A_378, %le3A_381 : vector<16xi1>
        %add3A_383 = arith.constant 5.000000e-01 : f32
        %add3A_384 = vector.broadcast %add3A_383 : f32 to vector<16xf32>
        %add3A_385 = arith.addf %add3A_349, %add3A_384 : vector<16xf32>
        %convert_element_type3A_386 = arith.fptosi %add3A_385 : vector<16xf32> to vector<16xi32>
        %min3A_387 = arith.constant 20 : i32
        %min3A_388 = vector.broadcast %min3A_387 : i32 to vector<16xi32>
        %min3A_389 = arith.minsi %convert_element_type3A_386, %min3A_388 : vector<16xi32>
        %add3A_390 = arith.constant 5.000000e-01 : f32
        %add3A_391 = vector.broadcast %add3A_390 : f32 to vector<16xf32>
        %add3A_392 = arith.addf %add3A_354, %add3A_391 : vector<16xf32>
        %convert_element_type3A_393 = arith.fptosi %add3A_392 : vector<16xf32> to vector<16xi32>
        %min3A_394 = arith.constant 20 : i32
        %min3A_395 = vector.broadcast %min3A_394 : i32 to vector<16xi32>
        %min3A_396 = arith.minsi %convert_element_type3A_393, %min3A_395 : vector<16xi32>
        %add3A_397 = arith.constant 5.000000e-01 : f32
        %add3A_398 = vector.broadcast %add3A_397 : f32 to vector<16xf32>
        %add3A_399 = arith.addf %add3A_359, %add3A_398 : vector<16xf32>
        %convert_element_type3A_400 = arith.fptosi %add3A_399 : vector<16xf32> to vector<16xi32>
        %min3A_401 = arith.constant 20 : i32
        %min3A_402 = vector.broadcast %min3A_401 : i32 to vector<16xi32>
        %min3A_403 = arith.minsi %convert_element_type3A_400, %min3A_402 : vector<16xi32>
        %mul3A_404 = arith.constant 441 : i32
        %mul3A_405 = vector.broadcast %mul3A_404 : i32 to vector<16xi32>
        %mul3A_406 = arith.muli %min3A_389, %mul3A_405 : vector<16xi32>
        %mul3A_407 = arith.constant 21 : i32
        %mul3A_408 = vector.broadcast %mul3A_407 : i32 to vector<16xi32>
        %mul3A_409 = arith.muli %min3A_396, %mul3A_408 : vector<16xi32>
        %add3A_410 = arith.addi %mul3A_406, %mul3A_409 : vector<16xi32>
        %add3A_411 = arith.addi %add3A_410, %min3A_403 : vector<16xi32>
        %add3A_412 = arith.constant 9360 : i32
        %add3A_413 = vector.broadcast %add3A_412 : i32 to vector<16xi32>
        %add3A_414 = arith.addi %add3A_413, %iota3A : vector<16xi32>
        %select_n3A_415 = arith.select %and3A_382, %add3A_411, %add3A_414 : vector<16xi1>, vector<16xi32>
        %add3A_416 = arith.addi %mul3A_142, %scan3A_266 : i32
        %swap3A_417 = arith.index_cast %add3A_416 : i32 to index
        %swap3A_418 = arith.constant 16 : index
        %swap3A_419 = tpu.vector_load %arg10[%swap3A_417, %swap3A_418] {strides = array<i32>} : memref<8x128xi32, #tpu.memory_space<vmem>>, vector<16xi32>,
        tpu.vector_store %arg10[%swap3A_417, %swap3A_418], %select_n3A_415 {strides = array<i32>} : memref<8x128xi32, #tpu.memory_space<vmem>>, vector<16xi32>,
        %mul3A_420 = arith.constant 128 : i32
        %mul3A_421 = arith.muli %scan3A_266, %mul3A_420 : i32
        %add3A_422 = arith.constant 32 : i32
        %add3A_423 = arith.addi %mul3A_421, %add3A_422 : i32
        %get3A_424 = arith.index_cast %add3A_423 : i32 to index
        %get3A_425 = tpu.vector_load %arg7[%get3A_424] {strides = array<i32>} : memref<512xf32, #tpu.memory_space<vmem>>, vector<16xf32>,
        %add3A_426 = arith.constant 1.000000e+01 : f32
        %add3A_427 = vector.broadcast %add3A_426 : f32 to vector<16xf32>
        %add3A_428 = arith.addf %get3A_425, %add3A_427 : vector<16xf32>
        %get3A_429 = arith.index_cast %add3A_423 : i32 to index
        %get3A_430 = tpu.vector_load %arg8[%get3A_429] {strides = array<i32>} : memref<512xf32, #tpu.memory_space<vmem>>, vector<16xf32>,
        %add3A_431 = arith.constant 1.000000e+01 : f32
        %add3A_432 = vector.broadcast %add3A_431 : f32 to vector<16xf32>
        %add3A_433 = arith.addf %get3A_430, %add3A_432 : vector<16xf32>
        %get3A_434 = arith.index_cast %add3A_423 : i32 to index
        %get3A_435 = tpu.vector_load %arg9[%get3A_434] {strides = array<i32>} : memref<512xf32, #tpu.memory_space<vmem>>, vector<16xf32>,
        %add3A_436 = arith.constant 1.000000e+01 : f32
        %add3A_437 = vector.broadcast %add3A_436 : f32 to vector<16xf32>
        %add3A_438 = arith.addf %get3A_435, %add3A_437 : vector<16xf32>
        %ge3A_439 = arith.constant -5.000000e-01 : f32
        %ge3A_440 = vector.broadcast %ge3A_439 : f32 to vector<16xf32>
        %ge3A_441 = arith.cmpf oge, %add3A_428, %ge3A_440 : vector<16xf32>
        %le3A_442 = arith.constant 2.050000e+01 : f32
        %le3A_443 = vector.broadcast %le3A_442 : f32 to vector<16xf32>
        %le3A_444 = arith.cmpf ole, %add3A_428, %le3A_443 : vector<16xf32>
        %and3A_445 = arith.andi %ge3A_441, %le3A_444 : vector<16xi1>
        %ge3A_446 = arith.constant -5.000000e-01 : f32
        %ge3A_447 = vector.broadcast %ge3A_446 : f32 to vector<16xf32>
        %ge3A_448 = arith.cmpf oge, %add3A_433, %ge3A_447 : vector<16xf32>
        %and3A_449 = arith.andi %and3A_445, %ge3A_448 : vector<16xi1>
        %le3A_450 = arith.constant 2.050000e+01 : f32
        %le3A_451 = vector.broadcast %le3A_450 : f32 to vector<16xf32>
        %le3A_452 = arith.cmpf ole, %add3A_433, %le3A_451 : vector<16xf32>
        %and3A_453 = arith.andi %and3A_449, %le3A_452 : vector<16xi1>
        %ge3A_454 = arith.constant -5.000000e-01 : f32
        %ge3A_455 = vector.broadcast %ge3A_454 : f32 to vector<16xf32>
        %ge3A_456 = arith.cmpf oge, %add3A_438, %ge3A_455 : vector<16xf32>
        %and3A_457 = arith.andi %and3A_453, %ge3A_456 : vector<16xi1>
        %le3A_458 = arith.constant 2.050000e+01 : f32
        %le3A_459 = vector.broadcast %le3A_458 : f32 to vector<16xf32>
        %le3A_460 = arith.cmpf ole, %add3A_438, %le3A_459 : vector<16xf32>
        %and3A_461 = arith.andi %and3A_457, %le3A_460 : vector<16xi1>
        %add3A_462 = arith.constant 5.000000e-01 : f32
        %add3A_463 = vector.broadcast %add3A_462 : f32 to vector<16xf32>
        %add3A_464 = arith.addf %add3A_428, %add3A_463 : vector<16xf32>
        %convert_element_type3A_465 = arith.fptosi %add3A_464 : vector<16xf32> to vector<16xi32>
        %min3A_466 = arith.constant 20 : i32
        %min3A_467 = vector.broadcast %min3A_466 : i32 to vector<16xi32>
        %min3A_468 = arith.minsi %convert_element_type3A_465, %min3A_467 : vector<16xi32>
        %add3A_469 = arith.constant 5.000000e-01 : f32
        %add3A_470 = vector.broadcast %add3A_469 : f32 to vector<16xf32>
        %add3A_471 = arith.addf %add3A_433, %add3A_470 : vector<16xf32>
        %convert_element_type3A_472 = arith.fptosi %add3A_471 : vector<16xf32> to vector<16xi32>
        %min3A_473 = arith.constant 20 : i32
        %min3A_474 = vector.broadcast %min3A_473 : i32 to vector<16xi32>
        %min3A_475 = arith.minsi %convert_element_type3A_472, %min3A_474 : vector<16xi32>
        %add3A_476 = arith.constant 5.000000e-01 : f32
        %add3A_477 = vector.broadcast %add3A_476 : f32 to vector<16xf32>
        %add3A_478 = arith.addf %add3A_438, %add3A_477 : vector<16xf32>
        %convert_element_type3A_479 = arith.fptosi %add3A_478 : vector<16xf32> to vector<16xi32>
        %min3A_480 = arith.constant 20 : i32
        %min3A_481 = vector.broadcast %min3A_480 : i32 to vector<16xi32>
        %min3A_482 = arith.minsi %convert_element_type3A_479, %min3A_481 : vector<16xi32>
        %mul3A_483 = arith.constant 441 : i32
        %mul3A_484 = vector.broadcast %mul3A_483 : i32 to vector<16xi32>
        %mul3A_485 = arith.muli %min3A_468, %mul3A_484 : vector<16xi32>
        %mul3A_486 = arith.constant 21 : i32
        %mul3A_487 = vector.broadcast %mul3A_486 : i32 to vector<16xi32>
        %mul3A_488 = arith.muli %min3A_475, %mul3A_487 : vector<16xi32>
        %add3A_489 = arith.addi %mul3A_485, %mul3A_488 : vector<16xi32>
        %add3A_490 = arith.addi %add3A_489, %min3A_482 : vector<16xi32>
        %add3A_491 = arith.constant 9376 : i32
        %add3A_492 = vector.broadcast %add3A_491 : i32 to vector<16xi32>
        %add3A_493 = arith.addi %add3A_492, %iota3A : vector<16xi32>
        %select_n3A_494 = arith.select %and3A_461, %add3A_490, %add3A_493 : vector<16xi1>, vector<16xi32>
        %add3A_495 = arith.addi %mul3A_142, %scan3A_266 : i32
        %swap3A_496 = arith.index_cast %add3A_495 : i32 to index
        %swap3A_497 = arith.constant 32 : index
        %swap3A_498 = tpu.vector_load %arg10[%swap3A_496, %swap3A_497] {strides = array<i32>} : memref<8x128xi32, #tpu.memory_space<vmem>>, vector<16xi32>,
        tpu.vector_store %arg10[%swap3A_496, %swap3A_497], %select_n3A_494 {strides = array<i32>} : memref<8x128xi32, #tpu.memory_space<vmem>>, vector<16xi32>,
        %mul3A_499 = arith.constant 128 : i32
        %mul3A_500 = arith.muli %scan3A_266, %mul3A_499 : i32
        %add3A_501 = arith.constant 48 : i32
        %add3A_502 = arith.addi %mul3A_500, %add3A_501 : i32
        %get3A_503 = arith.index_cast %add3A_502 : i32 to index
        %get3A_504 = tpu.vector_load %arg7[%get3A_503] {strides = array<i32>} : memref<512xf32, #tpu.memory_space<vmem>>, vector<16xf32>,
        %add3A_505 = arith.constant 1.000000e+01 : f32
        %add3A_506 = vector.broadcast %add3A_505 : f32 to vector<16xf32>
        %add3A_507 = arith.addf %get3A_504, %add3A_506 : vector<16xf32>
        %get3A_508 = arith.index_cast %add3A_502 : i32 to index
        %get3A_509 = tpu.vector_load %arg8[%get3A_508] {strides = array<i32>} : memref<512xf32, #tpu.memory_space<vmem>>, vector<16xf32>,
        %add3A_510 = arith.constant 1.000000e+01 : f32
        %add3A_511 = vector.broadcast %add3A_510 : f32 to vector<16xf32>
        %add3A_512 = arith.addf %get3A_509, %add3A_511 : vector<16xf32>
        %get3A_513 = arith.index_cast %add3A_502 : i32 to index
        %get3A_514 = tpu.vector_load %arg9[%get3A_513] {strides = array<i32>} : memref<512xf32, #tpu.memory_space<vmem>>, vector<16xf32>,
        %add3A_515 = arith.constant 1.000000e+01 : f32
        %add3A_516 = vector.broadcast %add3A_515 : f32 to vector<16xf32>
        %add3A_517 = arith.addf %get3A_514, %add3A_516 : vector<16xf32>
        %ge3A_518 = arith.constant -5.000000e-01 : f32
        %ge3A_519 = vector.broadcast %ge3A_518 : f32 to vector<16xf32>
        %ge3A_520 = arith.cmpf oge, %add3A_507, %ge3A_519 : vector<16xf32>
        %le3A_521 = arith.constant 2.050000e+01 : f32
        %le3A_522 = vector.broadcast %le3A_521 : f32 to vector<16xf32>
        %le3A_523 = arith.cmpf ole, %add3A_507, %le3A_522 : vector<16xf32>
        %and3A_524 = arith.andi %ge3A_520, %le3A_523 : vector<16xi1>
        %ge3A_525 = arith.constant -5.000000e-01 : f32
        %ge3A_526 = vector.broadcast %ge3A_525 : f32 to vector<16xf32>
        %ge3A_527 = arith.cmpf oge, %add3A_512, %ge3A_526 : vector<16xf32>
        %and3A_528 = arith.andi %and3A_524, %ge3A_527 : vector<16xi1>
        %le3A_529 = arith.constant 2.050000e+01 : f32
        %le3A_530 = vector.broadcast %le3A_529 : f32 to vector<16xf32>
        %le3A_531 = arith.cmpf ole, %add3A_512, %le3A_530 : vector<16xf32>
        %and3A_532 = arith.andi %and3A_528, %le3A_531 : vector<16xi1>
        %ge3A_533 = arith.constant -5.000000e-01 : f32
        %ge3A_534 = vector.broadcast %ge3A_533 : f32 to vector<16xf32>
        %ge3A_535 = arith.cmpf oge, %add3A_517, %ge3A_534 : vector<16xf32>
        %and3A_536 = arith.andi %and3A_532, %ge3A_535 : vector<16xi1>
        %le3A_537 = arith.constant 2.050000e+01 : f32
        %le3A_538 = vector.broadcast %le3A_537 : f32 to vector<16xf32>
        %le3A_539 = arith.cmpf ole, %add3A_517, %le3A_538 : vector<16xf32>
        %and3A_540 = arith.andi %and3A_536, %le3A_539 : vector<16xi1>
        %add3A_541 = arith.constant 5.000000e-01 : f32
        %add3A_542 = vector.broadcast %add3A_541 : f32 to vector<16xf32>
        %add3A_543 = arith.addf %add3A_507, %add3A_542 : vector<16xf32>
        %convert_element_type3A_544 = arith.fptosi %add3A_543 : vector<16xf32> to vector<16xi32>
        %min3A_545 = arith.constant 20 : i32
        %min3A_546 = vector.broadcast %min3A_545 : i32 to vector<16xi32>
        %min3A_547 = arith.minsi %convert_element_type3A_544, %min3A_546 : vector<16xi32>
        %add3A_548 = arith.constant 5.000000e-01 : f32
        %add3A_549 = vector.broadcast %add3A_548 : f32 to vector<16xf32>
        %add3A_550 = arith.addf %add3A_512, %add3A_549 : vector<16xf32>
        %convert_element_type3A_551 = arith.fptosi %add3A_550 : vector<16xf32> to vector<16xi32>
        %min3A_552 = arith.constant 20 : i32
        %min3A_553 = vector.broadcast %min3A_552 : i32 to vector<16xi32>
        %min3A_554 = arith.minsi %convert_element_type3A_551, %min3A_553 : vector<16xi32>
        %add3A_555 = arith.constant 5.000000e-01 : f32
        %add3A_556 = vector.broadcast %add3A_555 : f32 to vector<16xf32>
        %add3A_557 = arith.addf %add3A_517, %add3A_556 : vector<16xf32>
        %convert_element_type3A_558 = arith.fptosi %add3A_557 : vector<16xf32> to vector<16xi32>
        %min3A_559 = arith.constant 20 : i32
        %min3A_560 = vector.broadcast %min3A_559 : i32 to vector<16xi32>
        %min3A_561 = arith.minsi %convert_element_type3A_558, %min3A_560 : vector<16xi32>
        %mul3A_562 = arith.constant 441 : i32
        %mul3A_563 = vector.broadcast %mul3A_562 : i32 to vector<16xi32>
        %mul3A_564 = arith.muli %min3A_547, %mul3A_563 : vector<16xi32>
        %mul3A_565 = arith.constant 21 : i32
        %mul3A_566 = vector.broadcast %mul3A_565 : i32 to vector<16xi32>
        %mul3A_567 = arith.muli %min3A_554, %mul3A_566 : vector<16xi32>
        %add3A_568 = arith.addi %mul3A_564, %mul3A_567 : vector<16xi32>
        %add3A_569 = arith.addi %add3A_568, %min3A_561 : vector<16xi32>
        %add3A_570 = arith.constant 9392 : i32
        %add3A_571 = vector.broadcast %add3A_570 : i32 to vector<16xi32>
        %add3A_572 = arith.addi %add3A_571, %iota3A : vector<16xi32>
        %select_n3A_573 = arith.select %and3A_540, %add3A_569, %add3A_572 : vector<16xi1>, vector<16xi32>
        %add3A_574 = arith.addi %mul3A_142, %scan3A_266 : i32
        %swap3A_575 = arith.index_cast %add3A_574 : i32 to index
        %swap3A_576 = arith.constant 48 : index
        %swap3A_577 = tpu.vector_load %arg10[%swap3A_575, %swap3A_576] {strides = array<i32>} : memref<8x128xi32, #tpu.memory_space<vmem>>, vector<16xi32>,
        tpu.vector_store %arg10[%swap3A_575, %swap3A_576], %select_n3A_573 {strides = array<i32>} : memref<8x128xi32, #tpu.memory_space<vmem>>, vector<16xi32>,
        %mul3A_578 = arith.constant 128 : i32
        %mul3A_579 = arith.muli %scan3A_266, %mul3A_578 : i32
        %add3A_580 = arith.constant 64 : i32
        %add3A_581 = arith.addi %mul3A_579, %add3A_580 : i32
        %get3A_582 = arith.index_cast %add3A_581 : i32 to index
        %get3A_583 = tpu.vector_load %arg7[%get3A_582] {strides = array<i32>} : memref<512xf32, #tpu.memory_space<vmem>>, vector<16xf32>,
        %add3A_584 = arith.constant 1.000000e+01 : f32
        %add3A_585 = vector.broadcast %add3A_584 : f32 to vector<16xf32>
        %add3A_586 = arith.addf %get3A_583, %add3A_585 : vector<16xf32>
        %get3A_587 = arith.index_cast %add3A_581 : i32 to index
        %get3A_588 = tpu.vector_load %arg8[%get3A_587] {strides = array<i32>} : memref<512xf32, #tpu.memory_space<vmem>>, vector<16xf32>,
        %add3A_589 = arith.constant 1.000000e+01 : f32
        %add3A_590 = vector.broadcast %add3A_589 : f32 to vector<16xf32>
        %add3A_591 = arith.addf %get3A_588, %add3A_590 : vector<16xf32>
        %get3A_592 = arith.index_cast %add3A_581 : i32 to index
        %get3A_593 = tpu.vector_load %arg9[%get3A_592] {strides = array<i32>} : memref<512xf32, #tpu.memory_space<vmem>>, vector<16xf32>,
        %add3A_594 = arith.constant 1.000000e+01 : f32
        %add3A_595 = vector.broadcast %add3A_594 : f32 to vector<16xf32>
        %add3A_596 = arith.addf %get3A_593, %add3A_595 : vector<16xf32>
        %ge3A_597 = arith.constant -5.000000e-01 : f32
        %ge3A_598 = vector.broadcast %ge3A_597 : f32 to vector<16xf32>
        %ge3A_599 = arith.cmpf oge, %add3A_586, %ge3A_598 : vector<16xf32>
        %le3A_600 = arith.constant 2.050000e+01 : f32
        %le3A_601 = vector.broadcast %le3A_600 : f32 to vector<16xf32>
        %le3A_602 = arith.cmpf ole, %add3A_586, %le3A_601 : vector<16xf32>
        %and3A_603 = arith.andi %ge3A_599, %le3A_602 : vector<16xi1>
        %ge3A_604 = arith.constant -5.000000e-01 : f32
        %ge3A_605 = vector.broadcast %ge3A_604 : f32 to vector<16xf32>
        %ge3A_606 = arith.cmpf oge, %add3A_591, %ge3A_605 : vector<16xf32>
        %and3A_607 = arith.andi %and3A_603, %ge3A_606 : vector<16xi1>
        %le3A_608 = arith.constant 2.050000e+01 : f32
        %le3A_609 = vector.broadcast %le3A_608 : f32 to vector<16xf32>
        %le3A_610 = arith.cmpf ole, %add3A_591, %le3A_609 : vector<16xf32>
        %and3A_611 = arith.andi %and3A_607, %le3A_610 : vector<16xi1>
        %ge3A_612 = arith.constant -5.000000e-01 : f32
        %ge3A_613 = vector.broadcast %ge3A_612 : f32 to vector<16xf32>
        %ge3A_614 = arith.cmpf oge, %add3A_596, %ge3A_613 : vector<16xf32>
        %and3A_615 = arith.andi %and3A_611, %ge3A_614 : vector<16xi1>
        %le3A_616 = arith.constant 2.050000e+01 : f32
        %le3A_617 = vector.broadcast %le3A_616 : f32 to vector<16xf32>
        %le3A_618 = arith.cmpf ole, %add3A_596, %le3A_617 : vector<16xf32>
        %and3A_619 = arith.andi %and3A_615, %le3A_618 : vector<16xi1>
        %add3A_620 = arith.constant 5.000000e-01 : f32
        %add3A_621 = vector.broadcast %add3A_620 : f32 to vector<16xf32>
        %add3A_622 = arith.addf %add3A_586, %add3A_621 : vector<16xf32>
        %convert_element_type3A_623 = arith.fptosi %add3A_622 : vector<16xf32> to vector<16xi32>
        %min3A_624 = arith.constant 20 : i32
        %min3A_625 = vector.broadcast %min3A_624 : i32 to vector<16xi32>
        %min3A_626 = arith.minsi %convert_element_type3A_623, %min3A_625 : vector<16xi32>
        %add3A_627 = arith.constant 5.000000e-01 : f32
        %add3A_628 = vector.broadcast %add3A_627 : f32 to vector<16xf32>
        %add3A_629 = arith.addf %add3A_591, %add3A_628 : vector<16xf32>
        %convert_element_type3A_630 = arith.fptosi %add3A_629 : vector<16xf32> to vector<16xi32>
        %min3A_631 = arith.constant 20 : i32
        %min3A_632 = vector.broadcast %min3A_631 : i32 to vector<16xi32>
        %min3A_633 = arith.minsi %convert_element_type3A_630, %min3A_632 : vector<16xi32>
        %add3A_634 = arith.constant 5.000000e-01 : f32
        %add3A_635 = vector.broadcast %add3A_634 : f32 to vector<16xf32>
        %add3A_636 = arith.addf %add3A_596, %add3A_635 : vector<16xf32>
        %convert_element_type3A_637 = arith.fptosi %add3A_636 : vector<16xf32> to vector<16xi32>
        %min3A_638 = arith.constant 20 : i32
        %min3A_639 = vector.broadcast %min3A_638 : i32 to vector<16xi32>
        %min3A_640 = arith.minsi %convert_element_type3A_637, %min3A_639 : vector<16xi32>
        %mul3A_641 = arith.constant 441 : i32
        %mul3A_642 = vector.broadcast %mul3A_641 : i32 to vector<16xi32>
        %mul3A_643 = arith.muli %min3A_626, %mul3A_642 : vector<16xi32>
        %mul3A_644 = arith.constant 21 : i32
        %mul3A_645 = vector.broadcast %mul3A_644 : i32 to vector<16xi32>
        %mul3A_646 = arith.muli %min3A_633, %mul3A_645 : vector<16xi32>
        %add3A_647 = arith.addi %mul3A_643, %mul3A_646 : vector<16xi32>
        %add3A_648 = arith.addi %add3A_647, %min3A_640 : vector<16xi32>
        %add3A_649 = arith.constant 9408 : i32
        %add3A_650 = vector.broadcast %add3A_649 : i32 to vector<16xi32>
        %add3A_651 = arith.addi %add3A_650, %iota3A : vector<16xi32>
        %select_n3A_652 = arith.select %and3A_619, %add3A_648, %add3A_651 : vector<16xi1>, vector<16xi32>
        %add3A_653 = arith.addi %mul3A_142, %scan3A_266 : i32
        %swap3A_654 = arith.index_cast %add3A_653 : i32 to index
        %swap3A_655 = arith.constant 64 : index
        %swap3A_656 = tpu.vector_load %arg10[%swap3A_654, %swap3A_655] {strides = array<i32>} : memref<8x128xi32, #tpu.memory_space<vmem>>, vector<16xi32>,
        tpu.vector_store %arg10[%swap3A_654, %swap3A_655], %select_n3A_652 {strides = array<i32>} : memref<8x128xi32, #tpu.memory_space<vmem>>, vector<16xi32>,
        %mul3A_657 = arith.constant 128 : i32
        %mul3A_658 = arith.muli %scan3A_266, %mul3A_657 : i32
        %add3A_659 = arith.constant 80 : i32
        %add3A_660 = arith.addi %mul3A_658, %add3A_659 : i32
        %get3A_661 = arith.index_cast %add3A_660 : i32 to index
        %get3A_662 = tpu.vector_load %arg7[%get3A_661] {strides = array<i32>} : memref<512xf32, #tpu.memory_space<vmem>>, vector<16xf32>,
        %add3A_663 = arith.constant 1.000000e+01 : f32
        %add3A_664 = vector.broadcast %add3A_663 : f32 to vector<16xf32>
        %add3A_665 = arith.addf %get3A_662, %add3A_664 : vector<16xf32>
        %get3A_666 = arith.index_cast %add3A_660 : i32 to index
        %get3A_667 = tpu.vector_load %arg8[%get3A_666] {strides = array<i32>} : memref<512xf32, #tpu.memory_space<vmem>>, vector<16xf32>,
        %add3A_668 = arith.constant 1.000000e+01 : f32
        %add3A_669 = vector.broadcast %add3A_668 : f32 to vector<16xf32>
        %add3A_670 = arith.addf %get3A_667, %add3A_669 : vector<16xf32>
        %get3A_671 = arith.index_cast %add3A_660 : i32 to index
        %get3A_672 = tpu.vector_load %arg9[%get3A_671] {strides = array<i32>} : memref<512xf32, #tpu.memory_space<vmem>>, vector<16xf32>,
        %add3A_673 = arith.constant 1.000000e+01 : f32
        %add3A_674 = vector.broadcast %add3A_673 : f32 to vector<16xf32>
        %add3A_675 = arith.addf %get3A_672, %add3A_674 : vector<16xf32>
        %ge3A_676 = arith.constant -5.000000e-01 : f32
        %ge3A_677 = vector.broadcast %ge3A_676 : f32 to vector<16xf32>
        %ge3A_678 = arith.cmpf oge, %add3A_665, %ge3A_677 : vector<16xf32>
        %le3A_679 = arith.constant 2.050000e+01 : f32
        %le3A_680 = vector.broadcast %le3A_679 : f32 to vector<16xf32>
        %le3A_681 = arith.cmpf ole, %add3A_665, %le3A_680 : vector<16xf32>
        %and3A_682 = arith.andi %ge3A_678, %le3A_681 : vector<16xi1>
        %ge3A_683 = arith.constant -5.000000e-01 : f32
        %ge3A_684 = vector.broadcast %ge3A_683 : f32 to vector<16xf32>
        %ge3A_685 = arith.cmpf oge, %add3A_670, %ge3A_684 : vector<16xf32>
        %and3A_686 = arith.andi %and3A_682, %ge3A_685 : vector<16xi1>
        %le3A_687 = arith.constant 2.050000e+01 : f32
        %le3A_688 = vector.broadcast %le3A_687 : f32 to vector<16xf32>
        %le3A_689 = arith.cmpf ole, %add3A_670, %le3A_688 : vector<16xf32>
        %and3A_690 = arith.andi %and3A_686, %le3A_689 : vector<16xi1>
        %ge3A_691 = arith.constant -5.000000e-01 : f32
        %ge3A_692 = vector.broadcast %ge3A_691 : f32 to vector<16xf32>
        %ge3A_693 = arith.cmpf oge, %add3A_675, %ge3A_692 : vector<16xf32>
        %and3A_694 = arith.andi %and3A_690, %ge3A_693 : vector<16xi1>
        %le3A_695 = arith.constant 2.050000e+01 : f32
        %le3A_696 = vector.broadcast %le3A_695 : f32 to vector<16xf32>
        %le3A_697 = arith.cmpf ole, %add3A_675, %le3A_696 : vector<16xf32>
        %and3A_698 = arith.andi %and3A_694, %le3A_697 : vector<16xi1>
        %add3A_699 = arith.constant 5.000000e-01 : f32
        %add3A_700 = vector.broadcast %add3A_699 : f32 to vector<16xf32>
        %add3A_701 = arith.addf %add3A_665, %add3A_700 : vector<16xf32>
        %convert_element_type3A_702 = arith.fptosi %add3A_701 : vector<16xf32> to vector<16xi32>
        %min3A_703 = arith.constant 20 : i32
        %min3A_704 = vector.broadcast %min3A_703 : i32 to vector<16xi32>
        %min3A_705 = arith.minsi %convert_element_type3A_702, %min3A_704 : vector<16xi32>
        %add3A_706 = arith.constant 5.000000e-01 : f32
        %add3A_707 = vector.broadcast %add3A_706 : f32 to vector<16xf32>
        %add3A_708 = arith.addf %add3A_670, %add3A_707 : vector<16xf32>
        %convert_element_type3A_709 = arith.fptosi %add3A_708 : vector<16xf32> to vector<16xi32>
        %min3A_710 = arith.constant 20 : i32
        %min3A_711 = vector.broadcast %min3A_710 : i32 to vector<16xi32>
        %min3A_712 = arith.minsi %convert_element_type3A_709, %min3A_711 : vector<16xi32>
        %add3A_713 = arith.constant 5.000000e-01 : f32
        %add3A_714 = vector.broadcast %add3A_713 : f32 to vector<16xf32>
        %add3A_715 = arith.addf %add3A_675, %add3A_714 : vector<16xf32>
        %convert_element_type3A_716 = arith.fptosi %add3A_715 : vector<16xf32> to vector<16xi32>
        %min3A_717 = arith.constant 20 : i32
        %min3A_718 = vector.broadcast %min3A_717 : i32 to vector<16xi32>
        %min3A_719 = arith.minsi %convert_element_type3A_716, %min3A_718 : vector<16xi32>
        %mul3A_720 = arith.constant 441 : i32
        %mul3A_721 = vector.broadcast %mul3A_720 : i32 to vector<16xi32>
        %mul3A_722 = arith.muli %min3A_705, %mul3A_721 : vector<16xi32>
        %mul3A_723 = arith.constant 21 : i32
        %mul3A_724 = vector.broadcast %mul3A_723 : i32 to vector<16xi32>
        %mul3A_725 = arith.muli %min3A_712, %mul3A_724 : vector<16xi32>
        %add3A_726 = arith.addi %mul3A_722, %mul3A_725 : vector<16xi32>
        %add3A_727 = arith.addi %add3A_726, %min3A_719 : vector<16xi32>
        %add3A_728 = arith.constant 9424 : i32
        %add3A_729 = vector.broadcast %add3A_728 : i32 to vector<16xi32>
        %add3A_730 = arith.addi %add3A_729, %iota3A : vector<16xi32>
        %select_n3A_731 = arith.select %and3A_698, %add3A_727, %add3A_730 : vector<16xi1>, vector<16xi32>
        %add3A_732 = arith.addi %mul3A_142, %scan3A_266 : i32
        %swap3A_733 = arith.index_cast %add3A_732 : i32 to index
        %swap3A_734 = arith.constant 80 : index
        %swap3A_735 = tpu.vector_load %arg10[%swap3A_733, %swap3A_734] {strides = array<i32>} : memref<8x128xi32, #tpu.memory_space<vmem>>, vector<16xi32>,
        tpu.vector_store %arg10[%swap3A_733, %swap3A_734], %select_n3A_731 {strides = array<i32>} : memref<8x128xi32, #tpu.memory_space<vmem>>, vector<16xi32>,
        %mul3A_736 = arith.constant 128 : i32
        %mul3A_737 = arith.muli %scan3A_266, %mul3A_736 : i32
        %add3A_738 = arith.constant 96 : i32
        %add3A_739 = arith.addi %mul3A_737, %add3A_738 : i32
        %get3A_740 = arith.index_cast %add3A_739 : i32 to index
        %get3A_741 = tpu.vector_load %arg7[%get3A_740] {strides = array<i32>} : memref<512xf32, #tpu.memory_space<vmem>>, vector<16xf32>,
        %add3A_742 = arith.constant 1.000000e+01 : f32
        %add3A_743 = vector.broadcast %add3A_742 : f32 to vector<16xf32>
        %add3A_744 = arith.addf %get3A_741, %add3A_743 : vector<16xf32>
        %get3A_745 = arith.index_cast %add3A_739 : i32 to index
        %get3A_746 = tpu.vector_load %arg8[%get3A_745] {strides = array<i32>} : memref<512xf32, #tpu.memory_space<vmem>>, vector<16xf32>,
        %add3A_747 = arith.constant 1.000000e+01 : f32
        %add3A_748 = vector.broadcast %add3A_747 : f32 to vector<16xf32>
        %add3A_749 = arith.addf %get3A_746, %add3A_748 : vector<16xf32>
        %get3A_750 = arith.index_cast %add3A_739 : i32 to index
        %get3A_751 = tpu.vector_load %arg9[%get3A_750] {strides = array<i32>} : memref<512xf32, #tpu.memory_space<vmem>>, vector<16xf32>,
        %add3A_752 = arith.constant 1.000000e+01 : f32
        %add3A_753 = vector.broadcast %add3A_752 : f32 to vector<16xf32>
        %add3A_754 = arith.addf %get3A_751, %add3A_753 : vector<16xf32>
        %ge3A_755 = arith.constant -5.000000e-01 : f32
        %ge3A_756 = vector.broadcast %ge3A_755 : f32 to vector<16xf32>
        %ge3A_757 = arith.cmpf oge, %add3A_744, %ge3A_756 : vector<16xf32>
        %le3A_758 = arith.constant 2.050000e+01 : f32
        %le3A_759 = vector.broadcast %le3A_758 : f32 to vector<16xf32>
        %le3A_760 = arith.cmpf ole, %add3A_744, %le3A_759 : vector<16xf32>
        %and3A_761 = arith.andi %ge3A_757, %le3A_760 : vector<16xi1>
        %ge3A_762 = arith.constant -5.000000e-01 : f32
        %ge3A_763 = vector.broadcast %ge3A_762 : f32 to vector<16xf32>
        %ge3A_764 = arith.cmpf oge, %add3A_749, %ge3A_763 : vector<16xf32>
        %and3A_765 = arith.andi %and3A_761, %ge3A_764 : vector<16xi1>
        %le3A_766 = arith.constant 2.050000e+01 : f32
        %le3A_767 = vector.broadcast %le3A_766 : f32 to vector<16xf32>
        %le3A_768 = arith.cmpf ole, %add3A_749, %le3A_767 : vector<16xf32>
        %and3A_769 = arith.andi %and3A_765, %le3A_768 : vector<16xi1>
        %ge3A_770 = arith.constant -5.000000e-01 : f32
        %ge3A_771 = vector.broadcast %ge3A_770 : f32 to vector<16xf32>
        %ge3A_772 = arith.cmpf oge, %add3A_754, %ge3A_771 : vector<16xf32>
        %and3A_773 = arith.andi %and3A_769, %ge3A_772 : vector<16xi1>
        %le3A_774 = arith.constant 2.050000e+01 : f32
        %le3A_775 = vector.broadcast %le3A_774 : f32 to vector<16xf32>
        %le3A_776 = arith.cmpf ole, %add3A_754, %le3A_775 : vector<16xf32>
        %and3A_777 = arith.andi %and3A_773, %le3A_776 : vector<16xi1>
        %add3A_778 = arith.constant 5.000000e-01 : f32
        %add3A_779 = vector.broadcast %add3A_778 : f32 to vector<16xf32>
        %add3A_780 = arith.addf %add3A_744, %add3A_779 : vector<16xf32>
        %convert_element_type3A_781 = arith.fptosi %add3A_780 : vector<16xf32> to vector<16xi32>
        %min3A_782 = arith.constant 20 : i32
        %min3A_783 = vector.broadcast %min3A_782 : i32 to vector<16xi32>
        %min3A_784 = arith.minsi %convert_element_type3A_781, %min3A_783 : vector<16xi32>
        %add3A_785 = arith.constant 5.000000e-01 : f32
        %add3A_786 = vector.broadcast %add3A_785 : f32 to vector<16xf32>
        %add3A_787 = arith.addf %add3A_749, %add3A_786 : vector<16xf32>
        %convert_element_type3A_788 = arith.fptosi %add3A_787 : vector<16xf32> to vector<16xi32>
        %min3A_789 = arith.constant 20 : i32
        %min3A_790 = vector.broadcast %min3A_789 : i32 to vector<16xi32>
        %min3A_791 = arith.minsi %convert_element_type3A_788, %min3A_790 : vector<16xi32>
        %add3A_792 = arith.constant 5.000000e-01 : f32
        %add3A_793 = vector.broadcast %add3A_792 : f32 to vector<16xf32>
        %add3A_794 = arith.addf %add3A_754, %add3A_793 : vector<16xf32>
        %convert_element_type3A_795 = arith.fptosi %add3A_794 : vector<16xf32> to vector<16xi32>
        %min3A_796 = arith.constant 20 : i32
        %min3A_797 = vector.broadcast %min3A_796 : i32 to vector<16xi32>
        %min3A_798 = arith.minsi %convert_element_type3A_795, %min3A_797 : vector<16xi32>
        %mul3A_799 = arith.constant 441 : i32
        %mul3A_800 = vector.broadcast %mul3A_799 : i32 to vector<16xi32>
        %mul3A_801 = arith.muli %min3A_784, %mul3A_800 : vector<16xi32>
        %mul3A_802 = arith.constant 21 : i32
        %mul3A_803 = vector.broadcast %mul3A_802 : i32 to vector<16xi32>
        %mul3A_804 = arith.muli %min3A_791, %mul3A_803 : vector<16xi32>
        %add3A_805 = arith.addi %mul3A_801, %mul3A_804 : vector<16xi32>
        %add3A_806 = arith.addi %add3A_805, %min3A_798 : vector<16xi32>
        %add3A_807 = arith.constant 9440 : i32
        %add3A_808 = vector.broadcast %add3A_807 : i32 to vector<16xi32>
        %add3A_809 = arith.addi %add3A_808, %iota3A : vector<16xi32>
        %select_n3A_810 = arith.select %and3A_777, %add3A_806, %add3A_809 : vector<16xi1>, vector<16xi32>
        %add3A_811 = arith.addi %mul3A_142, %scan3A_266 : i32
        %swap3A_812 = arith.index_cast %add3A_811 : i32 to index
        %swap3A_813 = arith.constant 96 : index
        %swap3A_814 = tpu.vector_load %arg10[%swap3A_812, %swap3A_813] {strides = array<i32>} : memref<8x128xi32, #tpu.memory_space<vmem>>, vector<16xi32>,
        tpu.vector_store %arg10[%swap3A_812, %swap3A_813], %select_n3A_810 {strides = array<i32>} : memref<8x128xi32, #tpu.memory_space<vmem>>, vector<16xi32>,
        %mul3A_815 = arith.constant 128 : i32
        %mul3A_816 = arith.muli %scan3A_266, %mul3A_815 : i32
        %add3A_817 = arith.constant 112 : i32
        %add3A_818 = arith.addi %mul3A_816, %add3A_817 : i32
        %get3A_819 = arith.index_cast %add3A_818 : i32 to index
        %get3A_820 = tpu.vector_load %arg7[%get3A_819] {strides = array<i32>} : memref<512xf32, #tpu.memory_space<vmem>>, vector<16xf32>,
        %add3A_821 = arith.constant 1.000000e+01 : f32
        %add3A_822 = vector.broadcast %add3A_821 : f32 to vector<16xf32>
        %add3A_823 = arith.addf %get3A_820, %add3A_822 : vector<16xf32>
        %get3A_824 = arith.index_cast %add3A_818 : i32 to index
        %get3A_825 = tpu.vector_load %arg8[%get3A_824] {strides = array<i32>} : memref<512xf32, #tpu.memory_space<vmem>>, vector<16xf32>,
        %add3A_826 = arith.constant 1.000000e+01 : f32
        %add3A_827 = vector.broadcast %add3A_826 : f32 to vector<16xf32>
        %add3A_828 = arith.addf %get3A_825, %add3A_827 : vector<16xf32>
        %get3A_829 = arith.index_cast %add3A_818 : i32 to index
        %get3A_830 = tpu.vector_load %arg9[%get3A_829] {strides = array<i32>} : memref<512xf32, #tpu.memory_space<vmem>>, vector<16xf32>,
        %add3A_831 = arith.constant 1.000000e+01 : f32
        %add3A_832 = vector.broadcast %add3A_831 : f32 to vector<16xf32>
        %add3A_833 = arith.addf %get3A_830, %add3A_832 : vector<16xf32>
        %ge3A_834 = arith.constant -5.000000e-01 : f32
        %ge3A_835 = vector.broadcast %ge3A_834 : f32 to vector<16xf32>
        %ge3A_836 = arith.cmpf oge, %add3A_823, %ge3A_835 : vector<16xf32>
        %le3A_837 = arith.constant 2.050000e+01 : f32
        %le3A_838 = vector.broadcast %le3A_837 : f32 to vector<16xf32>
        %le3A_839 = arith.cmpf ole, %add3A_823, %le3A_838 : vector<16xf32>
        %and3A_840 = arith.andi %ge3A_836, %le3A_839 : vector<16xi1>
        %ge3A_841 = arith.constant -5.000000e-01 : f32
        %ge3A_842 = vector.broadcast %ge3A_841 : f32 to vector<16xf32>
        %ge3A_843 = arith.cmpf oge, %add3A_828, %ge3A_842 : vector<16xf32>
        %and3A_844 = arith.andi %and3A_840, %ge3A_843 : vector<16xi1>
        %le3A_845 = arith.constant 2.050000e+01 : f32
        %le3A_846 = vector.broadcast %le3A_845 : f32 to vector<16xf32>
        %le3A_847 = arith.cmpf ole, %add3A_828, %le3A_846 : vector<16xf32>
        %and3A_848 = arith.andi %and3A_844, %le3A_847 : vector<16xi1>
        %ge3A_849 = arith.constant -5.000000e-01 : f32
        %ge3A_850 = vector.broadcast %ge3A_849 : f32 to vector<16xf32>
        %ge3A_851 = arith.cmpf oge, %add3A_833, %ge3A_850 : vector<16xf32>
        %and3A_852 = arith.andi %and3A_848, %ge3A_851 : vector<16xi1>
        %le3A_853 = arith.constant 2.050000e+01 : f32
        %le3A_854 = vector.broadcast %le3A_853 : f32 to vector<16xf32>
        %le3A_855 = arith.cmpf ole, %add3A_833, %le3A_854 : vector<16xf32>
        %and3A_856 = arith.andi %and3A_852, %le3A_855 : vector<16xi1>
        %add3A_857 = arith.constant 5.000000e-01 : f32
        %add3A_858 = vector.broadcast %add3A_857 : f32 to vector<16xf32>
        %add3A_859 = arith.addf %add3A_823, %add3A_858 : vector<16xf32>
        %convert_element_type3A_860 = arith.fptosi %add3A_859 : vector<16xf32> to vector<16xi32>
        %min3A_861 = arith.constant 20 : i32
        %min3A_862 = vector.broadcast %min3A_861 : i32 to vector<16xi32>
        %min3A_863 = arith.minsi %convert_element_type3A_860, %min3A_862 : vector<16xi32>
        %add3A_864 = arith.constant 5.000000e-01 : f32
        %add3A_865 = vector.broadcast %add3A_864 : f32 to vector<16xf32>
        %add3A_866 = arith.addf %add3A_828, %add3A_865 : vector<16xf32>
        %convert_element_type3A_867 = arith.fptosi %add3A_866 : vector<16xf32> to vector<16xi32>
        %min3A_868 = arith.constant 20 : i32
        %min3A_869 = vector.broadcast %min3A_868 : i32 to vector<16xi32>
        %min3A_870 = arith.minsi %convert_element_type3A_867, %min3A_869 : vector<16xi32>
        %add3A_871 = arith.constant 5.000000e-01 : f32
        %add3A_872 = vector.broadcast %add3A_871 : f32 to vector<16xf32>
        %add3A_873 = arith.addf %add3A_833, %add3A_872 : vector<16xf32>
        %convert_element_type3A_874 = arith.fptosi %add3A_873 : vector<16xf32> to vector<16xi32>
        %min3A_875 = arith.constant 20 : i32
        %min3A_876 = vector.broadcast %min3A_875 : i32 to vector<16xi32>
        %min3A_877 = arith.minsi %convert_element_type3A_874, %min3A_876 : vector<16xi32>
        %mul3A_878 = arith.constant 441 : i32
        %mul3A_879 = vector.broadcast %mul3A_878 : i32 to vector<16xi32>
        %mul3A_880 = arith.muli %min3A_863, %mul3A_879 : vector<16xi32>
        %mul3A_881 = arith.constant 21 : i32
        %mul3A_882 = vector.broadcast %mul3A_881 : i32 to vector<16xi32>
        %mul3A_883 = arith.muli %min3A_870, %mul3A_882 : vector<16xi32>
        %add3A_884 = arith.addi %mul3A_880, %mul3A_883 : vector<16xi32>
        %add3A_885 = arith.addi %add3A_884, %min3A_877 : vector<16xi32>
        %add3A_886 = arith.constant 9456 : i32
        %add3A_887 = vector.broadcast %add3A_886 : i32 to vector<16xi32>
        %add3A_888 = arith.addi %add3A_887, %iota3A : vector<16xi32>
        %select_n3A_889 = arith.select %and3A_856, %add3A_885, %add3A_888 : vector<16xi1>, vector<16xi32>
        %add3A_890 = arith.addi %mul3A_142, %scan3A_266 : i32
        %swap3A_891 = arith.index_cast %add3A_890 : i32 to index
        %swap3A_892 = arith.constant 112 : index
        %swap3A_893 = tpu.vector_load %arg10[%swap3A_891, %swap3A_892] {strides = array<i32>} : memref<8x128xi32, #tpu.memory_space<vmem>>, vector<16xi32>,
        tpu.vector_store %arg10[%swap3A_891, %swap3A_892], %select_n3A_889 {strides = array<i32>} : memref<8x128xi32, #tpu.memory_space<vmem>>, vector<16xi32>,
      }
      %scan3A_147 = arith.constant 4 : i32
      %add3A_148 = arith.constant 0 : i32
      %add3A_149 = arith.addi %multiple_of3A, %add3A_148 : i32
      %multiple_of3A_150 = tpu.assume_multiple %add3A_149, 128 : i32
      %dma_start3A = arith.constant 0 : i32
      %dma_start3A_151 = tpu.memref_slice %arg5[%dma_start3A, %multiple_of3A_150] : memref<32x1000000xf32, #tpu.memory_space<hbm>> -> memref<32x128xf32, #tpu.memory_space<hbm>>
      %dma_start3A_152 = arith.constant 0 : i32
      %dma_start3A_153 = tpu.memref_slice %arg5[%dma_start3A_152, %multiple_of3A_150] : memref<32x1000000xf32, #tpu.memory_space<hbm>> -> memref<32x128xf32, #tpu.memory_space<hbm>>
      tpu.enqueue_dma source(%dma_start3A_153 : memref<32x128xf32, #tpu.memory_space<hbm>>) target(%arg11 : memref<32x128xf32, #tpu.memory_space<vmem>>) target_semaphore(%arg17 : memref<!tpu.dma_semaphore, #tpu.memory_space<semaphore_mem>>)
      %add3A_154 = arith.constant 128 : i32
      %add3A_155 = arith.addi %multiple_of3A, %add3A_154 : i32
      %multiple_of3A_156 = tpu.assume_multiple %add3A_155, 128 : i32
      %dma_start3A_157 = arith.constant 0 : i32
      %dma_start3A_158 = tpu.memref_slice %arg5[%dma_start3A_157, %multiple_of3A_156] : memref<32x1000000xf32, #tpu.memory_space<hbm>> -> memref<32x128xf32, #tpu.memory_space<hbm>>
      %dma_start3A_159 = arith.constant 0 : i32
      %dma_start3A_160 = tpu.memref_slice %arg5[%dma_start3A_159, %multiple_of3A_156] : memref<32x1000000xf32, #tpu.memory_space<hbm>> -> memref<32x128xf32, #tpu.memory_space<hbm>>
      tpu.enqueue_dma source(%dma_start3A_160 : memref<32x128xf32, #tpu.memory_space<hbm>>) target(%arg12 : memref<32x128xf32, #tpu.memory_space<vmem>>) target_semaphore(%arg18 : memref<!tpu.dma_semaphore, #tpu.memory_space<semaphore_mem>>)
      %dma_wait3A_161 = arith.constant 0 : i32
      %dma_wait3A_162 = tpu.memref_slice %arg5[%dma_wait3A_161, %multiple_of3A_150] : memref<32x1000000xf32, #tpu.memory_space<hbm>> -> memref<32x128xf32, #tpu.memory_space<hbm>>
      %dma_wait3A_163 = arith.constant 0 : i32
      %dma_wait3A_164 = tpu.memref_slice %arg5[%dma_wait3A_163, %multiple_of3A_150] : memref<32x1000000xf32, #tpu.memory_space<hbm>> -> memref<32x128xf32, #tpu.memory_space<hbm>>
      tpu.wait_dma2 semaphore(%arg17 : memref<!tpu.dma_semaphore, #tpu.memory_space<semaphore_mem>>) src(%dma_wait3A_164 : memref<32x128xf32, #tpu.memory_space<hbm>>) dst(%arg11 : memref<32x128xf32, #tpu.memory_space<vmem>>)
      %gt3A = arith.constant 0 : i32
      %gt3A_165 = arith.cmpi sgt, %scan3A_128, %gt3A : i32
      %convert_element_type3A = arith.extui %gt3A_165 : i1 to i32
      %cond3A = arith.constant 0 : i32
      %cond3A_166 = arith.cmpi ne, %convert_element_type3A, %cond3A : i32
      scf.if %cond3A_166 {
        %add3A_266 = arith.constant 0 : i32
        %add3A_267 = arith.addi %mul3A_142, %add3A_266 : i32
        %dma_wait3A_268 = arith.constant 0 : i32
        %dma_wait3A_269 = tpu.memref_slice %arg10[%add3A_267, %dma_wait3A_268] : memref<8x128xi32, #tpu.memory_space<vmem>> -> memref<1x128xi32, #tpu.memory_space<vmem>>
        %dma_wait3A_270 = tpu.memref_squeeze %dma_wait3A_269 : memref<1x128xi32, #tpu.memory_space<vmem>> -> memref<128xi32, #tpu.memory_space<vmem>>
        %dma_wait3A_271 = arith.constant 0 : i32
        %dma_wait3A_272 = arith.constant 0 : i32
        %dma_wait3A_273 = tpu.memref_slice %arg16[%dma_wait3A_271, %dma_wait3A_272] : memref<9472x128xf32, #tpu.memory_space<vmem_shared>> -> memref<9472x128xf32, #tpu.memory_space<vmem_shared>>
        tpu.wait_indirect_dma semaphore(%arg19 : memref<!tpu.dma_semaphore, #tpu.memory_space<semaphore_mem>>) src(%arg13 : memref<128x128xf32, #tpu.memory_space<vmem>>) dst(%dma_wait3A_273 : memref<9472x128xf32, #tpu.memory_space<vmem_shared>>)
      } else {
      }
      %scan3A_167 = arith.constant 0 : i32
      %scan3A_168 = arith.constant 16 : i32
      %scan3A_169 = arith.addi %scan3A_167, %scan3A_168 : i32
      %scan3A_170 = arith.constant 1 : i32
      scf.for %scan3A_266 = %scan3A_167 to %scan3A_169 step %scan3A_170  : i32 {
        %mul3A_267 = arith.constant 8 : i32
        %mul3A_268 = arith.muli %scan3A_266, %mul3A_267 : i32
        %add3A_269 = arith.constant 0 : i32
        %add3A_270 = arith.addi %mul3A_268, %add3A_269 : i32
        %broadcast_in_dim3A_271 = vector.broadcast %add3A_270 : i32 to vector<16xi32>
        %gather3A = tpu.vector_load_idx %arg11[%iota3A, %broadcast_in_dim3A_271] : memref<32x128xf32, #tpu.memory_space<vmem>>[vector<16xi32>, vector<16xi32>], vector<16xf32>,
        %add3A_272 = arith.constant 16 : i32
        %add3A_273 = vector.broadcast %add3A_272 : i32 to vector<16xi32>
        %add3A_274 = arith.addi %iota3A, %add3A_273 : vector<16xi32>
        %gather3A_275 = tpu.vector_load_idx %arg11[%add3A_274, %broadcast_in_dim3A_271] : memref<32x128xf32, #tpu.memory_space<vmem>>[vector<16xi32>, vector<16xi32>], vector<16xf32>,
        %swap3A = arith.index_cast %add3A_270 : i32 to index
        %swap3A_276 = arith.constant 0 : index
        %swap3A_277 = tpu.vector_load %arg13[%swap3A, %swap3A_276] {strides = array<i32>} : memref<128x128xf32, #tpu.memory_space<vmem>>, vector<16xf32>,
        tpu.vector_store %arg13[%swap3A, %swap3A_276], %gather3A {strides = array<i32>} : memref<128x128xf32, #tpu.memory_space<vmem>>, vector<16xf32>,
        %swap3A_278 = arith.index_cast %add3A_270 : i32 to index
        %swap3A_279 = arith.constant 16 : index
        %swap3A_280 = tpu.vector_load %arg13[%swap3A_278, %swap3A_279] {strides = array<i32>} : memref<128x128xf32, #tpu.memory_space<vmem>>, vector<16xf32>,
        tpu.vector_store %arg13[%swap3A_278, %swap3A_279], %gather3A_275 {strides = array<i32>} : memref<128x128xf32, #tpu.memory_space<vmem>>, vector<16xf32>,
        %mul3A_281 = arith.constant 8 : i32
        %mul3A_282 = arith.muli %scan3A_266, %mul3A_281 : i32
        %add3A_283 = arith.constant 1 : i32
        %add3A_284 = arith.addi %mul3A_282, %add3A_283 : i32
        %broadcast_in_dim3A_285 = vector.broadcast %add3A_284 : i32 to vector<16xi32>
        %gather3A_286 = tpu.vector_load_idx %arg11[%iota3A, %broadcast_in_dim3A_285] : memref<32x128xf32, #tpu.memory_space<vmem>>[vector<16xi32>, vector<16xi32>], vector<16xf32>,
        %add3A_287 = arith.constant 16 : i32
        %add3A_288 = vector.broadcast %add3A_287 : i32 to vector<16xi32>
        %add3A_289 = arith.addi %iota3A, %add3A_288 : vector<16xi32>
        %gather3A_290 = tpu.vector_load_idx %arg11[%add3A_289, %broadcast_in_dim3A_285] : memref<32x128xf32, #tpu.memory_space<vmem>>[vector<16xi32>, vector<16xi32>], vector<16xf32>,
        %swap3A_291 = arith.index_cast %add3A_284 : i32 to index
        %swap3A_292 = arith.constant 0 : index
        %swap3A_293 = tpu.vector_load %arg13[%swap3A_291, %swap3A_292] {strides = array<i32>} : memref<128x128xf32, #tpu.memory_space<vmem>>, vector<16xf32>,
        tpu.vector_store %arg13[%swap3A_291, %swap3A_292], %gather3A_286 {strides = array<i32>} : memref<128x128xf32, #tpu.memory_space<vmem>>, vector<16xf32>,
        %swap3A_294 = arith.index_cast %add3A_284 : i32 to index
        %swap3A_295 = arith.constant 16 : index
        %swap3A_296 = tpu.vector_load %arg13[%swap3A_294, %swap3A_295] {strides = array<i32>} : memref<128x128xf32, #tpu.memory_space<vmem>>, vector<16xf32>,
        tpu.vector_store %arg13[%swap3A_294, %swap3A_295], %gather3A_290 {strides = array<i32>} : memref<128x128xf32, #tpu.memory_space<vmem>>, vector<16xf32>,
        %mul3A_297 = arith.constant 8 : i32
        %mul3A_298 = arith.muli %scan3A_266, %mul3A_297 : i32
        %add3A_299 = arith.constant 2 : i32
        %add3A_300 = arith.addi %mul3A_298, %add3A_299 : i32
        %broadcast_in_dim3A_301 = vector.broadcast %add3A_300 : i32 to vector<16xi32>
        %gather3A_302 = tpu.vector_load_idx %arg11[%iota3A, %broadcast_in_dim3A_301] : memref<32x128xf32, #tpu.memory_space<vmem>>[vector<16xi32>, vector<16xi32>], vector<16xf32>,
        %add3A_303 = arith.constant 16 : i32
        %add3A_304 = vector.broadcast %add3A_303 : i32 to vector<16xi32>
        %add3A_305 = arith.addi %iota3A, %add3A_304 : vector<16xi32>
        %gather3A_306 = tpu.vector_load_idx %arg11[%add3A_305, %broadcast_in_dim3A_301] : memref<32x128xf32, #tpu.memory_space<vmem>>[vector<16xi32>, vector<16xi32>], vector<16xf32>,
        %swap3A_307 = arith.index_cast %add3A_300 : i32 to index
        %swap3A_308 = arith.constant 0 : index
        %swap3A_309 = tpu.vector_load %arg13[%swap3A_307, %swap3A_308] {strides = array<i32>} : memref<128x128xf32, #tpu.memory_space<vmem>>, vector<16xf32>,
        tpu.vector_store %arg13[%swap3A_307, %swap3A_308], %gather3A_302 {strides = array<i32>} : memref<128x128xf32, #tpu.memory_space<vmem>>, vector<16xf32>,
        %swap3A_310 = arith.index_cast %add3A_300 : i32 to index
        %swap3A_311 = arith.constant 16 : index
        %swap3A_312 = tpu.vector_load %arg13[%swap3A_310, %swap3A_311] {strides = array<i32>} : memref<128x128xf32, #tpu.memory_space<vmem>>, vector<16xf32>,
        tpu.vector_store %arg13[%swap3A_310, %swap3A_311], %gather3A_306 {strides = array<i32>} : memref<128x128xf32, #tpu.memory_space<vmem>>, vector<16xf32>,
        %mul3A_313 = arith.constant 8 : i32
        %mul3A_314 = arith.muli %scan3A_266, %mul3A_313 : i32
        %add3A_315 = arith.constant 3 : i32
        %add3A_316 = arith.addi %mul3A_314, %add3A_315 : i32
        %broadcast_in_dim3A_317 = vector.broadcast %add3A_316 : i32 to vector<16xi32>
        %gather3A_318 = tpu.vector_load_idx %arg11[%iota3A, %broadcast_in_dim3A_317] : memref<32x128xf32, #tpu.memory_space<vmem>>[vector<16xi32>, vector<16xi32>], vector<16xf32>,
        %add3A_319 = arith.constant 16 : i32
        %add3A_320 = vector.broadcast %add3A_319 : i32 to vector<16xi32>
        %add3A_321 = arith.addi %iota3A, %add3A_320 : vector<16xi32>
        %gather3A_322 = tpu.vector_load_idx %arg11[%add3A_321, %broadcast_in_dim3A_317] : memref<32x128xf32, #tpu.memory_space<vmem>>[vector<16xi32>, vector<16xi32>], vector<16xf32>,
        %swap3A_323 = arith.index_cast %add3A_316 : i32 to index
        %swap3A_324 = arith.constant 0 : index
        %swap3A_325 = tpu.vector_load %arg13[%swap3A_323, %swap3A_324] {strides = array<i32>} : memref<128x128xf32, #tpu.memory_space<vmem>>, vector<16xf32>,
        tpu.vector_store %arg13[%swap3A_323, %swap3A_324], %gather3A_318 {strides = array<i32>} : memref<128x128xf32, #tpu.memory_space<vmem>>, vector<16xf32>,
        %swap3A_326 = arith.index_cast %add3A_316 : i32 to index
        %swap3A_327 = arith.constant 16 : index
        %swap3A_328 = tpu.vector_load %arg13[%swap3A_326, %swap3A_327] {strides = array<i32>} : memref<128x128xf32, #tpu.memory_space<vmem>>, vector<16xf32>,
        tpu.vector_store %arg13[%swap3A_326, %swap3A_327], %gather3A_322 {strides = array<i32>} : memref<128x128xf32, #tpu.memory_space<vmem>>, vector<16xf32>,
        %mul3A_329 = arith.constant 8 : i32
        %mul3A_330 = arith.muli %scan3A_266, %mul3A_329 : i32
        %add3A_331 = arith.constant 4 : i32
        %add3A_332 = arith.addi %mul3A_330, %add3A_331 : i32
        %broadcast_in_dim3A_333 = vector.broadcast %add3A_332 : i32 to vector<16xi32>
        %gather3A_334 = tpu.vector_load_idx %arg11[%iota3A, %broadcast_in_dim3A_333] : memref<32x128xf32, #tpu.memory_space<vmem>>[vector<16xi32>, vector<16xi32>], vector<16xf32>,
        %add3A_335 = arith.constant 16 : i32
        %add3A_336 = vector.broadcast %add3A_335 : i32 to vector<16xi32>
        %add3A_337 = arith.addi %iota3A, %add3A_336 : vector<16xi32>
        %gather3A_338 = tpu.vector_load_idx %arg11[%add3A_337, %broadcast_in_dim3A_333] : memref<32x128xf32, #tpu.memory_space<vmem>>[vector<16xi32>, vector<16xi32>], vector<16xf32>,
        %swap3A_339 = arith.index_cast %add3A_332 : i32 to index
        %swap3A_340 = arith.constant 0 : index
        %swap3A_341 = tpu.vector_load %arg13[%swap3A_339, %swap3A_340] {strides = array<i32>} : memref<128x128xf32, #tpu.memory_space<vmem>>, vector<16xf32>,
        tpu.vector_store %arg13[%swap3A_339, %swap3A_340], %gather3A_334 {strides = array<i32>} : memref<128x128xf32, #tpu.memory_space<vmem>>, vector<16xf32>,
        %swap3A_342 = arith.index_cast %add3A_332 : i32 to index
        %swap3A_343 = arith.constant 16 : index
        %swap3A_344 = tpu.vector_load %arg13[%swap3A_342, %swap3A_343] {strides = array<i32>} : memref<128x128xf32, #tpu.memory_space<vmem>>, vector<16xf32>,
        tpu.vector_store %arg13[%swap3A_342, %swap3A_343], %gather3A_338 {strides = array<i32>} : memref<128x128xf32, #tpu.memory_space<vmem>>, vector<16xf32>,
        %mul3A_345 = arith.constant 8 : i32
        %mul3A_346 = arith.muli %scan3A_266, %mul3A_345 : i32
        %add3A_347 = arith.constant 5 : i32
        %add3A_348 = arith.addi %mul3A_346, %add3A_347 : i32
        %broadcast_in_dim3A_349 = vector.broadcast %add3A_348 : i32 to vector<16xi32>
        %gather3A_350 = tpu.vector_load_idx %arg11[%iota3A, %broadcast_in_dim3A_349] : memref<32x128xf32, #tpu.memory_space<vmem>>[vector<16xi32>, vector<16xi32>], vector<16xf32>,
        %add3A_351 = arith.constant 16 : i32
        %add3A_352 = vector.broadcast %add3A_351 : i32 to vector<16xi32>
        %add3A_353 = arith.addi %iota3A, %add3A_352 : vector<16xi32>
        %gather3A_354 = tpu.vector_load_idx %arg11[%add3A_353, %broadcast_in_dim3A_349] : memref<32x128xf32, #tpu.memory_space<vmem>>[vector<16xi32>, vector<16xi32>], vector<16xf32>,
        %swap3A_355 = arith.index_cast %add3A_348 : i32 to index
        %swap3A_356 = arith.constant 0 : index
        %swap3A_357 = tpu.vector_load %arg13[%swap3A_355, %swap3A_356] {strides = array<i32>} : memref<128x128xf32, #tpu.memory_space<vmem>>, vector<16xf32>,
        tpu.vector_store %arg13[%swap3A_355, %swap3A_356], %gather3A_350 {strides = array<i32>} : memref<128x128xf32, #tpu.memory_space<vmem>>, vector<16xf32>,
        %swap3A_358 = arith.index_cast %add3A_348 : i32 to index
        %swap3A_359 = arith.constant 16 : index
        %swap3A_360 = tpu.vector_load %arg13[%swap3A_358, %swap3A_359] {strides = array<i32>} : memref<128x128xf32, #tpu.memory_space<vmem>>, vector<16xf32>,
        tpu.vector_store %arg13[%swap3A_358, %swap3A_359], %gather3A_354 {strides = array<i32>} : memref<128x128xf32, #tpu.memory_space<vmem>>, vector<16xf32>,
        %mul3A_361 = arith.constant 8 : i32
        %mul3A_362 = arith.muli %scan3A_266, %mul3A_361 : i32
        %add3A_363 = arith.constant 6 : i32
        %add3A_364 = arith.addi %mul3A_362, %add3A_363 : i32
        %broadcast_in_dim3A_365 = vector.broadcast %add3A_364 : i32 to vector<16xi32>
        %gather3A_366 = tpu.vector_load_idx %arg11[%iota3A, %broadcast_in_dim3A_365] : memref<32x128xf32, #tpu.memory_space<vmem>>[vector<16xi32>, vector<16xi32>], vector<16xf32>,
        %add3A_367 = arith.constant 16 : i32
        %add3A_368 = vector.broadcast %add3A_367 : i32 to vector<16xi32>
        %add3A_369 = arith.addi %iota3A, %add3A_368 : vector<16xi32>
        %gather3A_370 = tpu.vector_load_idx %arg11[%add3A_369, %broadcast_in_dim3A_365] : memref<32x128xf32, #tpu.memory_space<vmem>>[vector<16xi32>, vector<16xi32>], vector<16xf32>,
        %swap3A_371 = arith.index_cast %add3A_364 : i32 to index
        %swap3A_372 = arith.constant 0 : index
        %swap3A_373 = tpu.vector_load %arg13[%swap3A_371, %swap3A_372] {strides = array<i32>} : memref<128x128xf32, #tpu.memory_space<vmem>>, vector<16xf32>,
        tpu.vector_store %arg13[%swap3A_371, %swap3A_372], %gather3A_366 {strides = array<i32>} : memref<128x128xf32, #tpu.memory_space<vmem>>, vector<16xf32>,
        %swap3A_374 = arith.index_cast %add3A_364 : i32 to index
        %swap3A_375 = arith.constant 16 : index
        %swap3A_376 = tpu.vector_load %arg13[%swap3A_374, %swap3A_375] {strides = array<i32>} : memref<128x128xf32, #tpu.memory_space<vmem>>, vector<16xf32>,
        tpu.vector_store %arg13[%swap3A_374, %swap3A_375], %gather3A_370 {strides = array<i32>} : memref<128x128xf32, #tpu.memory_space<vmem>>, vector<16xf32>,
        %mul3A_377 = arith.constant 8 : i32
        %mul3A_378 = arith.muli %scan3A_266, %mul3A_377 : i32
        %add3A_379 = arith.constant 7 : i32
        %add3A_380 = arith.addi %mul3A_378, %add3A_379 : i32
        %broadcast_in_dim3A_381 = vector.broadcast %add3A_380 : i32 to vector<16xi32>
        %gather3A_382 = tpu.vector_load_idx %arg11[%iota3A, %broadcast_in_dim3A_381] : memref<32x128xf32, #tpu.memory_space<vmem>>[vector<16xi32>, vector<16xi32>], vector<16xf32>,
        %add3A_383 = arith.constant 16 : i32
        %add3A_384 = vector.broadcast %add3A_383 : i32 to vector<16xi32>
        %add3A_385 = arith.addi %iota3A, %add3A_384 : vector<16xi32>
        %gather3A_386 = tpu.vector_load_idx %arg11[%add3A_385, %broadcast_in_dim3A_381] : memref<32x128xf32, #tpu.memory_space<vmem>>[vector<16xi32>, vector<16xi32>], vector<16xf32>,
        %swap3A_387 = arith.index_cast %add3A_380 : i32 to index
        %swap3A_388 = arith.constant 0 : index
        %swap3A_389 = tpu.vector_load %arg13[%swap3A_387, %swap3A_388] {strides = array<i32>} : memref<128x128xf32, #tpu.memory_space<vmem>>, vector<16xf32>,
        tpu.vector_store %arg13[%swap3A_387, %swap3A_388], %gather3A_382 {strides = array<i32>} : memref<128x128xf32, #tpu.memory_space<vmem>>, vector<16xf32>,
        %swap3A_390 = arith.index_cast %add3A_380 : i32 to index
        %swap3A_391 = arith.constant 16 : index
        %swap3A_392 = tpu.vector_load %arg13[%swap3A_390, %swap3A_391] {strides = array<i32>} : memref<128x128xf32, #tpu.memory_space<vmem>>, vector<16xf32>,
        tpu.vector_store %arg13[%swap3A_390, %swap3A_391], %gather3A_386 {strides = array<i32>} : memref<128x128xf32, #tpu.memory_space<vmem>>, vector<16xf32>,
      }
      %scan3A_171 = arith.constant 16 : i32
      %add3A_172 = arith.constant 0 : i32
      %add3A_173 = arith.addi %mul3A_142, %add3A_172 : i32
      %dma_start3A_174 = arith.constant 0 : i32
      %dma_start3A_175 = tpu.memref_slice %arg10[%add3A_173, %dma_start3A_174] : memref<8x128xi32, #tpu.memory_space<vmem>> -> memref<1x128xi32, #tpu.memory_space<vmem>>
      %dma_start3A_176 = tpu.memref_squeeze %dma_start3A_175 : memref<1x128xi32, #tpu.memory_space<vmem>> -> memref<128xi32, #tpu.memory_space<vmem>>
      %dma_start3A_177 = arith.constant 0 : i32
      %dma_start3A_178 = arith.constant 0 : i32
      %dma_start3A_179 = tpu.memref_slice %arg16[%dma_start3A_177, %dma_start3A_178] : memref<9472x128xf32, #tpu.memory_space<vmem_shared>> -> memref<9472x128xf32, #tpu.memory_space<vmem_shared>>
      tpu.enqueue_indirect_dma source(%arg13 : memref<128x128xf32, #tpu.memory_space<vmem>>) target(%dma_start3A_179 : memref<9472x128xf32, #tpu.memory_space<vmem_shared>>) offsets(%dma_start3A_176 : memref<128xi32, #tpu.memory_space<vmem>>) semaphore(%arg19 : memref<!tpu.dma_semaphore, #tpu.memory_space<semaphore_mem>>) {add = true}
      %add3A_180 = arith.constant 256 : i32
      %add3A_181 = arith.addi %multiple_of3A, %add3A_180 : i32
      %multiple_of3A_182 = tpu.assume_multiple %add3A_181, 128 : i32
      %dma_start3A_183 = arith.constant 0 : i32
      %dma_start3A_184 = tpu.memref_slice %arg5[%dma_start3A_183, %multiple_of3A_182] : memref<32x1000000xf32, #tpu.memory_space<hbm>> -> memref<32x128xf32, #tpu.memory_space<hbm>>
      %dma_start3A_185 = arith.constant 0 : i32
      %dma_start3A_186 = tpu.memref_slice %arg5[%dma_start3A_185, %multiple_of3A_182] : memref<32x1000000xf32, #tpu.memory_space<hbm>> -> memref<32x128xf32, #tpu.memory_space<hbm>>
      tpu.enqueue_dma source(%dma_start3A_186 : memref<32x128xf32, #tpu.memory_space<hbm>>) target(%arg11 : memref<32x128xf32, #tpu.memory_space<vmem>>) target_semaphore(%arg17 : memref<!tpu.dma_semaphore, #tpu.memory_space<semaphore_mem>>)
      %dma_wait3A_187 = arith.constant 0 : i32
      %dma_wait3A_188 = tpu.memref_slice %arg5[%dma_wait3A_187, %multiple_of3A_156] : memref<32x1000000xf32, #tpu.memory_space<hbm>> -> memref<32x128xf32, #tpu.memory_space<hbm>>
      %dma_wait3A_189 = arith.constant 0 : i32
      %dma_wait3A_190 = tpu.memref_slice %arg5[%dma_wait3A_189, %multiple_of3A_156] : memref<32x1000000xf32, #tpu.memory_space<hbm>> -> memref<32x128xf32, #tpu.memory_space<hbm>>
      tpu.wait_dma2 semaphore(%arg18 : memref<!tpu.dma_semaphore, #tpu.memory_space<semaphore_mem>>) src(%dma_wait3A_190 : memref<32x128xf32, #tpu.memory_space<hbm>>) dst(%arg12 : memref<32x128xf32, #tpu.memory_space<vmem>>)
      %gt3A_191 = arith.constant 0 : i32
      %gt3A_192 = arith.cmpi sgt, %scan3A_128, %gt3A_191 : i32
      %convert_element_type3A_193 = arith.extui %gt3A_192 : i1 to i32
      %cond3A_194 = arith.constant 0 : i32
      %cond3A_195 = arith.cmpi ne, %convert_element_type3A_193, %cond3A_194 : i32
      scf.if %cond3A_195 {
        %add3A_266 = arith.constant 1 : i32
        %add3A_267 = arith.addi %mul3A_142, %add3A_266 : i32
        %dma_wait3A_268 = arith.constant 0 : i32
        %dma_wait3A_269 = tpu.memref_slice %arg10[%add3A_267, %dma_wait3A_268] : memref<8x128xi32, #tpu.memory_space<vmem>> -> memref<1x128xi32, #tpu.memory_space<vmem>>
        %dma_wait3A_270 = tpu.memref_squeeze %dma_wait3A_269 : memref<1x128xi32, #tpu.memory_space<vmem>> -> memref<128xi32, #tpu.memory_space<vmem>>
        %dma_wait3A_271 = arith.constant 0 : i32
        %dma_wait3A_272 = arith.constant 0 : i32
        %dma_wait3A_273 = tpu.memref_slice %arg16[%dma_wait3A_271, %dma_wait3A_272] : memref<9472x128xf32, #tpu.memory_space<vmem_shared>> -> memref<9472x128xf32, #tpu.memory_space<vmem_shared>>
        tpu.wait_indirect_dma semaphore(%arg20 : memref<!tpu.dma_semaphore, #tpu.memory_space<semaphore_mem>>) src(%arg14 : memref<128x128xf32, #tpu.memory_space<vmem>>) dst(%dma_wait3A_273 : memref<9472x128xf32, #tpu.memory_space<vmem_shared>>)
      } else {
      }
      %scan3A_196 = arith.constant 0 : i32
      %scan3A_197 = arith.constant 16 : i32
      %scan3A_198 = arith.addi %scan3A_196, %scan3A_197 : i32
      %scan3A_199 = arith.constant 1 : i32
      scf.for %scan3A_266 = %scan3A_196 to %scan3A_198 step %scan3A_199  : i32 {
        %mul3A_267 = arith.constant 8 : i32
        %mul3A_268 = arith.muli %scan3A_266, %mul3A_267 : i32
        %add3A_269 = arith.constant 0 : i32
        %add3A_270 = arith.addi %mul3A_268, %add3A_269 : i32
        %broadcast_in_dim3A_271 = vector.broadcast %add3A_270 : i32 to vector<16xi32>
        %gather3A = tpu.vector_load_idx %arg12[%iota3A, %broadcast_in_dim3A_271] : memref<32x128xf32, #tpu.memory_space<vmem>>[vector<16xi32>, vector<16xi32>], vector<16xf32>,
        %add3A_272 = arith.constant 16 : i32
        %add3A_273 = vector.broadcast %add3A_272 : i32 to vector<16xi32>
        %add3A_274 = arith.addi %iota3A, %add3A_273 : vector<16xi32>
        %gather3A_275 = tpu.vector_load_idx %arg12[%add3A_274, %broadcast_in_dim3A_271] : memref<32x128xf32, #tpu.memory_space<vmem>>[vector<16xi32>, vector<16xi32>], vector<16xf32>,
        %swap3A = arith.index_cast %add3A_270 : i32 to index
        %swap3A_276 = arith.constant 0 : index
        %swap3A_277 = tpu.vector_load %arg14[%swap3A, %swap3A_276] {strides = array<i32>} : memref<128x128xf32, #tpu.memory_space<vmem>>, vector<16xf32>,
        tpu.vector_store %arg14[%swap3A, %swap3A_276], %gather3A {strides = array<i32>} : memref<128x128xf32, #tpu.memory_space<vmem>>, vector<16xf32>,
        %swap3A_278 = arith.index_cast %add3A_270 : i32 to index
        %swap3A_279 = arith.constant 16 : index
        %swap3A_280 = tpu.vector_load %arg14[%swap3A_278, %swap3A_279] {strides = array<i32>} : memref<128x128xf32, #tpu.memory_space<vmem>>, vector<16xf32>,
        tpu.vector_store %arg14[%swap3A_278, %swap3A_279], %gather3A_275 {strides = array<i32>} : memref<128x128xf32, #tpu.memory_space<vmem>>, vector<16xf32>,
        %mul3A_281 = arith.constant 8 : i32
        %mul3A_282 = arith.muli %scan3A_266, %mul3A_281 : i32
        %add3A_283 = arith.constant 1 : i32
        %add3A_284 = arith.addi %mul3A_282, %add3A_283 : i32
        %broadcast_in_dim3A_285 = vector.broadcast %add3A_284 : i32 to vector<16xi32>
        %gather3A_286 = tpu.vector_load_idx %arg12[%iota3A, %broadcast_in_dim3A_285] : memref<32x128xf32, #tpu.memory_space<vmem>>[vector<16xi32>, vector<16xi32>], vector<16xf32>,
        %add3A_287 = arith.constant 16 : i32
        %add3A_288 = vector.broadcast %add3A_287 : i32 to vector<16xi32>
        %add3A_289 = arith.addi %iota3A, %add3A_288 : vector<16xi32>
        %gather3A_290 = tpu.vector_load_idx %arg12[%add3A_289, %broadcast_in_dim3A_285] : memref<32x128xf32, #tpu.memory_space<vmem>>[vector<16xi32>, vector<16xi32>], vector<16xf32>,
        %swap3A_291 = arith.index_cast %add3A_284 : i32 to index
        %swap3A_292 = arith.constant 0 : index
        %swap3A_293 = tpu.vector_load %arg14[%swap3A_291, %swap3A_292] {strides = array<i32>} : memref<128x128xf32, #tpu.memory_space<vmem>>, vector<16xf32>,
        tpu.vector_store %arg14[%swap3A_291, %swap3A_292], %gather3A_286 {strides = array<i32>} : memref<128x128xf32, #tpu.memory_space<vmem>>, vector<16xf32>,
        %swap3A_294 = arith.index_cast %add3A_284 : i32 to index
        %swap3A_295 = arith.constant 16 : index
        %swap3A_296 = tpu.vector_load %arg14[%swap3A_294, %swap3A_295] {strides = array<i32>} : memref<128x128xf32, #tpu.memory_space<vmem>>, vector<16xf32>,
        tpu.vector_store %arg14[%swap3A_294, %swap3A_295], %gather3A_290 {strides = array<i32>} : memref<128x128xf32, #tpu.memory_space<vmem>>, vector<16xf32>,
        %mul3A_297 = arith.constant 8 : i32
        %mul3A_298 = arith.muli %scan3A_266, %mul3A_297 : i32
        %add3A_299 = arith.constant 2 : i32
        %add3A_300 = arith.addi %mul3A_298, %add3A_299 : i32
        %broadcast_in_dim3A_301 = vector.broadcast %add3A_300 : i32 to vector<16xi32>
        %gather3A_302 = tpu.vector_load_idx %arg12[%iota3A, %broadcast_in_dim3A_301] : memref<32x128xf32, #tpu.memory_space<vmem>>[vector<16xi32>, vector<16xi32>], vector<16xf32>,
        %add3A_303 = arith.constant 16 : i32
        %add3A_304 = vector.broadcast %add3A_303 : i32 to vector<16xi32>
        %add3A_305 = arith.addi %iota3A, %add3A_304 : vector<16xi32>
        %gather3A_306 = tpu.vector_load_idx %arg12[%add3A_305, %broadcast_in_dim3A_301] : memref<32x128xf32, #tpu.memory_space<vmem>>[vector<16xi32>, vector<16xi32>], vector<16xf32>,
        %swap3A_307 = arith.index_cast %add3A_300 : i32 to index
        %swap3A_308 = arith.constant 0 : index
        %swap3A_309 = tpu.vector_load %arg14[%swap3A_307, %swap3A_308] {strides = array<i32>} : memref<128x128xf32, #tpu.memory_space<vmem>>, vector<16xf32>,
        tpu.vector_store %arg14[%swap3A_307, %swap3A_308], %gather3A_302 {strides = array<i32>} : memref<128x128xf32, #tpu.memory_space<vmem>>, vector<16xf32>,
        %swap3A_310 = arith.index_cast %add3A_300 : i32 to index
        %swap3A_311 = arith.constant 16 : index
        %swap3A_312 = tpu.vector_load %arg14[%swap3A_310, %swap3A_311] {strides = array<i32>} : memref<128x128xf32, #tpu.memory_space<vmem>>, vector<16xf32>,
        tpu.vector_store %arg14[%swap3A_310, %swap3A_311], %gather3A_306 {strides = array<i32>} : memref<128x128xf32, #tpu.memory_space<vmem>>, vector<16xf32>,
        %mul3A_313 = arith.constant 8 : i32
        %mul3A_314 = arith.muli %scan3A_266, %mul3A_313 : i32
        %add3A_315 = arith.constant 3 : i32
        %add3A_316 = arith.addi %mul3A_314, %add3A_315 : i32
        %broadcast_in_dim3A_317 = vector.broadcast %add3A_316 : i32 to vector<16xi32>
        %gather3A_318 = tpu.vector_load_idx %arg12[%iota3A, %broadcast_in_dim3A_317] : memref<32x128xf32, #tpu.memory_space<vmem>>[vector<16xi32>, vector<16xi32>], vector<16xf32>,
        %add3A_319 = arith.constant 16 : i32
        %add3A_320 = vector.broadcast %add3A_319 : i32 to vector<16xi32>
        %add3A_321 = arith.addi %iota3A, %add3A_320 : vector<16xi32>
        %gather3A_322 = tpu.vector_load_idx %arg12[%add3A_321, %broadcast_in_dim3A_317] : memref<32x128xf32, #tpu.memory_space<vmem>>[vector<16xi32>, vector<16xi32>], vector<16xf32>,
        %swap3A_323 = arith.index_cast %add3A_316 : i32 to index
        %swap3A_324 = arith.constant 0 : index
        %swap3A_325 = tpu.vector_load %arg14[%swap3A_323, %swap3A_324] {strides = array<i32>} : memref<128x128xf32, #tpu.memory_space<vmem>>, vector<16xf32>,
        tpu.vector_store %arg14[%swap3A_323, %swap3A_324], %gather3A_318 {strides = array<i32>} : memref<128x128xf32, #tpu.memory_space<vmem>>, vector<16xf32>,
        %swap3A_326 = arith.index_cast %add3A_316 : i32 to index
        %swap3A_327 = arith.constant 16 : index
        %swap3A_328 = tpu.vector_load %arg14[%swap3A_326, %swap3A_327] {strides = array<i32>} : memref<128x128xf32, #tpu.memory_space<vmem>>, vector<16xf32>,
        tpu.vector_store %arg14[%swap3A_326, %swap3A_327], %gather3A_322 {strides = array<i32>} : memref<128x128xf32, #tpu.memory_space<vmem>>, vector<16xf32>,
        %mul3A_329 = arith.constant 8 : i32
        %mul3A_330 = arith.muli %scan3A_266, %mul3A_329 : i32
        %add3A_331 = arith.constant 4 : i32
        %add3A_332 = arith.addi %mul3A_330, %add3A_331 : i32
        %broadcast_in_dim3A_333 = vector.broadcast %add3A_332 : i32 to vector<16xi32>
        %gather3A_334 = tpu.vector_load_idx %arg12[%iota3A, %broadcast_in_dim3A_333] : memref<32x128xf32, #tpu.memory_space<vmem>>[vector<16xi32>, vector<16xi32>], vector<16xf32>,
        %add3A_335 = arith.constant 16 : i32
        %add3A_336 = vector.broadcast %add3A_335 : i32 to vector<16xi32>
        %add3A_337 = arith.addi %iota3A, %add3A_336 : vector<16xi32>
        %gather3A_338 = tpu.vector_load_idx %arg12[%add3A_337, %broadcast_in_dim3A_333] : memref<32x128xf32, #tpu.memory_space<vmem>>[vector<16xi32>, vector<16xi32>], vector<16xf32>,
        %swap3A_339 = arith.index_cast %add3A_332 : i32 to index
        %swap3A_340 = arith.constant 0 : index
        %swap3A_341 = tpu.vector_load %arg14[%swap3A_339, %swap3A_340] {strides = array<i32>} : memref<128x128xf32, #tpu.memory_space<vmem>>, vector<16xf32>,
        tpu.vector_store %arg14[%swap3A_339, %swap3A_340], %gather3A_334 {strides = array<i32>} : memref<128x128xf32, #tpu.memory_space<vmem>>, vector<16xf32>,
        %swap3A_342 = arith.index_cast %add3A_332 : i32 to index
        %swap3A_343 = arith.constant 16 : index
        %swap3A_344 = tpu.vector_load %arg14[%swap3A_342, %swap3A_343] {strides = array<i32>} : memref<128x128xf32, #tpu.memory_space<vmem>>, vector<16xf32>,
        tpu.vector_store %arg14[%swap3A_342, %swap3A_343], %gather3A_338 {strides = array<i32>} : memref<128x128xf32, #tpu.memory_space<vmem>>, vector<16xf32>,
        %mul3A_345 = arith.constant 8 : i32
        %mul3A_346 = arith.muli %scan3A_266, %mul3A_345 : i32
        %add3A_347 = arith.constant 5 : i32
        %add3A_348 = arith.addi %mul3A_346, %add3A_347 : i32
        %broadcast_in_dim3A_349 = vector.broadcast %add3A_348 : i32 to vector<16xi32>
        %gather3A_350 = tpu.vector_load_idx %arg12[%iota3A, %broadcast_in_dim3A_349] : memref<32x128xf32, #tpu.memory_space<vmem>>[vector<16xi32>, vector<16xi32>], vector<16xf32>,
        %add3A_351 = arith.constant 16 : i32
        %add3A_352 = vector.broadcast %add3A_351 : i32 to vector<16xi32>
        %add3A_353 = arith.addi %iota3A, %add3A_352 : vector<16xi32>
        %gather3A_354 = tpu.vector_load_idx %arg12[%add3A_353, %broadcast_in_dim3A_349] : memref<32x128xf32, #tpu.memory_space<vmem>>[vector<16xi32>, vector<16xi32>], vector<16xf32>,
        %swap3A_355 = arith.index_cast %add3A_348 : i32 to index
        %swap3A_356 = arith.constant 0 : index
        %swap3A_357 = tpu.vector_load %arg14[%swap3A_355, %swap3A_356] {strides = array<i32>} : memref<128x128xf32, #tpu.memory_space<vmem>>, vector<16xf32>,
        tpu.vector_store %arg14[%swap3A_355, %swap3A_356], %gather3A_350 {strides = array<i32>} : memref<128x128xf32, #tpu.memory_space<vmem>>, vector<16xf32>,
        %swap3A_358 = arith.index_cast %add3A_348 : i32 to index
        %swap3A_359 = arith.constant 16 : index
        %swap3A_360 = tpu.vector_load %arg14[%swap3A_358, %swap3A_359] {strides = array<i32>} : memref<128x128xf32, #tpu.memory_space<vmem>>, vector<16xf32>,
        tpu.vector_store %arg14[%swap3A_358, %swap3A_359], %gather3A_354 {strides = array<i32>} : memref<128x128xf32, #tpu.memory_space<vmem>>, vector<16xf32>,
        %mul3A_361 = arith.constant 8 : i32
        %mul3A_362 = arith.muli %scan3A_266, %mul3A_361 : i32
        %add3A_363 = arith.constant 6 : i32
        %add3A_364 = arith.addi %mul3A_362, %add3A_363 : i32
        %broadcast_in_dim3A_365 = vector.broadcast %add3A_364 : i32 to vector<16xi32>
        %gather3A_366 = tpu.vector_load_idx %arg12[%iota3A, %broadcast_in_dim3A_365] : memref<32x128xf32, #tpu.memory_space<vmem>>[vector<16xi32>, vector<16xi32>], vector<16xf32>,
        %add3A_367 = arith.constant 16 : i32
        %add3A_368 = vector.broadcast %add3A_367 : i32 to vector<16xi32>
        %add3A_369 = arith.addi %iota3A, %add3A_368 : vector<16xi32>
        %gather3A_370 = tpu.vector_load_idx %arg12[%add3A_369, %broadcast_in_dim3A_365] : memref<32x128xf32, #tpu.memory_space<vmem>>[vector<16xi32>, vector<16xi32>], vector<16xf32>,
        %swap3A_371 = arith.index_cast %add3A_364 : i32 to index
        %swap3A_372 = arith.constant 0 : index
        %swap3A_373 = tpu.vector_load %arg14[%swap3A_371, %swap3A_372] {strides = array<i32>} : memref<128x128xf32, #tpu.memory_space<vmem>>, vector<16xf32>,
        tpu.vector_store %arg14[%swap3A_371, %swap3A_372], %gather3A_366 {strides = array<i32>} : memref<128x128xf32, #tpu.memory_space<vmem>>, vector<16xf32>,
        %swap3A_374 = arith.index_cast %add3A_364 : i32 to index
        %swap3A_375 = arith.constant 16 : index
        %swap3A_376 = tpu.vector_load %arg14[%swap3A_374, %swap3A_375] {strides = array<i32>} : memref<128x128xf32, #tpu.memory_space<vmem>>, vector<16xf32>,
        tpu.vector_store %arg14[%swap3A_374, %swap3A_375], %gather3A_370 {strides = array<i32>} : memref<128x128xf32, #tpu.memory_space<vmem>>, vector<16xf32>,
        %mul3A_377 = arith.constant 8 : i32
        %mul3A_378 = arith.muli %scan3A_266, %mul3A_377 : i32
        %add3A_379 = arith.constant 7 : i32
        %add3A_380 = arith.addi %mul3A_378, %add3A_379 : i32
        %broadcast_in_dim3A_381 = vector.broadcast %add3A_380 : i32 to vector<16xi32>
        %gather3A_382 = tpu.vector_load_idx %arg12[%iota3A, %broadcast_in_dim3A_381] : memref<32x128xf32, #tpu.memory_space<vmem>>[vector<16xi32>, vector<16xi32>], vector<16xf32>,
        %add3A_383 = arith.constant 16 : i32
        %add3A_384 = vector.broadcast %add3A_383 : i32 to vector<16xi32>
        %add3A_385 = arith.addi %iota3A, %add3A_384 : vector<16xi32>
        %gather3A_386 = tpu.vector_load_idx %arg12[%add3A_385, %broadcast_in_dim3A_381] : memref<32x128xf32, #tpu.memory_space<vmem>>[vector<16xi32>, vector<16xi32>], vector<16xf32>,
        %swap3A_387 = arith.index_cast %add3A_380 : i32 to index
        %swap3A_388 = arith.constant 0 : index
        %swap3A_389 = tpu.vector_load %arg14[%swap3A_387, %swap3A_388] {strides = array<i32>} : memref<128x128xf32, #tpu.memory_space<vmem>>, vector<16xf32>,
        tpu.vector_store %arg14[%swap3A_387, %swap3A_388], %gather3A_382 {strides = array<i32>} : memref<128x128xf32, #tpu.memory_space<vmem>>, vector<16xf32>,
        %swap3A_390 = arith.index_cast %add3A_380 : i32 to index
        %swap3A_391 = arith.constant 16 : index
        %swap3A_392 = tpu.vector_load %arg14[%swap3A_390, %swap3A_391] {strides = array<i32>} : memref<128x128xf32, #tpu.memory_space<vmem>>, vector<16xf32>,
        tpu.vector_store %arg14[%swap3A_390, %swap3A_391], %gather3A_386 {strides = array<i32>} : memref<128x128xf32, #tpu.memory_space<vmem>>, vector<16xf32>,
      }
      %scan3A_200 = arith.constant 16 : i32
      %add3A_201 = arith.constant 1 : i32
      %add3A_202 = arith.addi %mul3A_142, %add3A_201 : i32
      %dma_start3A_203 = arith.constant 0 : i32
      %dma_start3A_204 = tpu.memref_slice %arg10[%add3A_202, %dma_start3A_203] : memref<8x128xi32, #tpu.memory_space<vmem>> -> memref<1x128xi32, #tpu.memory_space<vmem>>
      %dma_start3A_205 = tpu.memref_squeeze %dma_start3A_204 : memref<1x128xi32, #tpu.memory_space<vmem>> -> memref<128xi32, #tpu.memory_space<vmem>>
      %dma_start3A_206 = arith.constant 0 : i32
      %dma_start3A_207 = arith.constant 0 : i32
      %dma_start3A_208 = tpu.memref_slice %arg16[%dma_start3A_206, %dma_start3A_207] : memref<9472x128xf32, #tpu.memory_space<vmem_shared>> -> memref<9472x128xf32, #tpu.memory_space<vmem_shared>>
      tpu.enqueue_indirect_dma source(%arg14 : memref<128x128xf32, #tpu.memory_space<vmem>>) target(%dma_start3A_208 : memref<9472x128xf32, #tpu.memory_space<vmem_shared>>) offsets(%dma_start3A_205 : memref<128xi32, #tpu.memory_space<vmem>>) semaphore(%arg20 : memref<!tpu.dma_semaphore, #tpu.memory_space<semaphore_mem>>) {add = true}
      %add3A_209 = arith.constant 384 : i32
      %add3A_210 = arith.addi %multiple_of3A, %add3A_209 : i32
      %multiple_of3A_211 = tpu.assume_multiple %add3A_210, 128 : i32
      %dma_start3A_212 = arith.constant 0 : i32
      %dma_start3A_213 = tpu.memref_slice %arg5[%dma_start3A_212, %multiple_of3A_211] : memref<32x1000000xf32, #tpu.memory_space<hbm>> -> memref<32x128xf32, #tpu.memory_space<hbm>>
      %dma_start3A_214 = arith.constant 0 : i32
      %dma_start3A_215 = tpu.memref_slice %arg5[%dma_start3A_214, %multiple_of3A_211] : memref<32x1000000xf32, #tpu.memory_space<hbm>> -> memref<32x128xf32, #tpu.memory_space<hbm>>
      tpu.enqueue_dma source(%dma_start3A_215 : memref<32x128xf32, #tpu.memory_space<hbm>>) target(%arg12 : memref<32x128xf32, #tpu.memory_space<vmem>>) target_semaphore(%arg18 : memref<!tpu.dma_semaphore, #tpu.memory_space<semaphore_mem>>)
      %dma_wait3A_216 = arith.constant 0 : i32
      %dma_wait3A_217 = tpu.memref_slice %arg5[%dma_wait3A_216, %multiple_of3A_182] : memref<32x1000000xf32, #tpu.memory_space<hbm>> -> memref<32x128xf32, #tpu.memory_space<hbm>>
      %dma_wait3A_218 = arith.constant 0 : i32
      %dma_wait3A_219 = tpu.memref_slice %arg5[%dma_wait3A_218, %multiple_of3A_182] : memref<32x1000000xf32, #tpu.memory_space<hbm>> -> memref<32x128xf32, #tpu.memory_space<hbm>>
      tpu.wait_dma2 semaphore(%arg17 : memref<!tpu.dma_semaphore, #tpu.memory_space<semaphore_mem>>) src(%dma_wait3A_219 : memref<32x128xf32, #tpu.memory_space<hbm>>) dst(%arg11 : memref<32x128xf32, #tpu.memory_space<vmem>>)
      %add3A_220 = arith.constant 2 : i32
      %add3A_221 = arith.addi %mul3A_142, %add3A_220 : i32
      %dma_wait3A_222 = arith.constant 0 : i32
      %dma_wait3A_223 = tpu.memref_slice %arg10[%add3A_221, %dma_wait3A_222] : memref<8x128xi32, #tpu.memory_space<vmem>> -> memref<1x128xi32, #tpu.memory_space<vmem>>
      %dma_wait3A_224 = tpu.memref_squeeze %dma_wait3A_223 : memref<1x128xi32, #tpu.memory_space<vmem>> -> memref<128xi32, #tpu.memory_space<vmem>>
      %dma_wait3A_225 = arith.constant 0 : i32
      %dma_wait3A_226 = arith.constant 0 : i32
      %dma_wait3A_227 = tpu.memref_slice %arg16[%dma_wait3A_225, %dma_wait3A_226] : memref<9472x128xf32, #tpu.memory_space<vmem_shared>> -> memref<9472x128xf32, #tpu.memory_space<vmem_shared>>
      tpu.wait_indirect_dma semaphore(%arg19 : memref<!tpu.dma_semaphore, #tpu.memory_space<semaphore_mem>>) src(%arg13 : memref<128x128xf32, #tpu.memory_space<vmem>>) dst(%dma_wait3A_227 : memref<9472x128xf32, #tpu.memory_space<vmem_shared>>)
      %scan3A_228 = arith.constant 0 : i32
      %scan3A_229 = arith.constant 16 : i32
      %scan3A_230 = arith.addi %scan3A_228, %scan3A_229 : i32
      %scan3A_231 = arith.constant 1 : i32
      scf.for %scan3A_266 = %scan3A_228 to %scan3A_230 step %scan3A_231  : i32 {
        %mul3A_267 = arith.constant 8 : i32
        %mul3A_268 = arith.muli %scan3A_266, %mul3A_267 : i32
        %add3A_269 = arith.constant 0 : i32
        %add3A_270 = arith.addi %mul3A_268, %add3A_269 : i32
        %broadcast_in_dim3A_271 = vector.broadcast %add3A_270 : i32 to vector<16xi32>
        %gather3A = tpu.vector_load_idx %arg11[%iota3A, %broadcast_in_dim3A_271] : memref<32x128xf32, #tpu.memory_space<vmem>>[vector<16xi32>, vector<16xi32>], vector<16xf32>,
        %add3A_272 = arith.constant 16 : i32
        %add3A_273 = vector.broadcast %add3A_272 : i32 to vector<16xi32>
        %add3A_274 = arith.addi %iota3A, %add3A_273 : vector<16xi32>
        %gather3A_275 = tpu.vector_load_idx %arg11[%add3A_274, %broadcast_in_dim3A_271] : memref<32x128xf32, #tpu.memory_space<vmem>>[vector<16xi32>, vector<16xi32>], vector<16xf32>,
        %swap3A = arith.index_cast %add3A_270 : i32 to index
        %swap3A_276 = arith.constant 0 : index
        %swap3A_277 = tpu.vector_load %arg13[%swap3A, %swap3A_276] {strides = array<i32>} : memref<128x128xf32, #tpu.memory_space<vmem>>, vector<16xf32>,
        tpu.vector_store %arg13[%swap3A, %swap3A_276], %gather3A {strides = array<i32>} : memref<128x128xf32, #tpu.memory_space<vmem>>, vector<16xf32>,
        %swap3A_278 = arith.index_cast %add3A_270 : i32 to index
        %swap3A_279 = arith.constant 16 : index
        %swap3A_280 = tpu.vector_load %arg13[%swap3A_278, %swap3A_279] {strides = array<i32>} : memref<128x128xf32, #tpu.memory_space<vmem>>, vector<16xf32>,
        tpu.vector_store %arg13[%swap3A_278, %swap3A_279], %gather3A_275 {strides = array<i32>} : memref<128x128xf32, #tpu.memory_space<vmem>>, vector<16xf32>,
        %mul3A_281 = arith.constant 8 : i32
        %mul3A_282 = arith.muli %scan3A_266, %mul3A_281 : i32
        %add3A_283 = arith.constant 1 : i32
        %add3A_284 = arith.addi %mul3A_282, %add3A_283 : i32
        %broadcast_in_dim3A_285 = vector.broadcast %add3A_284 : i32 to vector<16xi32>
        %gather3A_286 = tpu.vector_load_idx %arg11[%iota3A, %broadcast_in_dim3A_285] : memref<32x128xf32, #tpu.memory_space<vmem>>[vector<16xi32>, vector<16xi32>], vector<16xf32>,
        %add3A_287 = arith.constant 16 : i32
        %add3A_288 = vector.broadcast %add3A_287 : i32 to vector<16xi32>
        %add3A_289 = arith.addi %iota3A, %add3A_288 : vector<16xi32>
        %gather3A_290 = tpu.vector_load_idx %arg11[%add3A_289, %broadcast_in_dim3A_285] : memref<32x128xf32, #tpu.memory_space<vmem>>[vector<16xi32>, vector<16xi32>], vector<16xf32>,
        %swap3A_291 = arith.index_cast %add3A_284 : i32 to index
        %swap3A_292 = arith.constant 0 : index
        %swap3A_293 = tpu.vector_load %arg13[%swap3A_291, %swap3A_292] {strides = array<i32>} : memref<128x128xf32, #tpu.memory_space<vmem>>, vector<16xf32>,
        tpu.vector_store %arg13[%swap3A_291, %swap3A_292], %gather3A_286 {strides = array<i32>} : memref<128x128xf32, #tpu.memory_space<vmem>>, vector<16xf32>,
        %swap3A_294 = arith.index_cast %add3A_284 : i32 to index
        %swap3A_295 = arith.constant 16 : index
        %swap3A_296 = tpu.vector_load %arg13[%swap3A_294, %swap3A_295] {strides = array<i32>} : memref<128x128xf32, #tpu.memory_space<vmem>>, vector<16xf32>,
        tpu.vector_store %arg13[%swap3A_294, %swap3A_295], %gather3A_290 {strides = array<i32>} : memref<128x128xf32, #tpu.memory_space<vmem>>, vector<16xf32>,
        %mul3A_297 = arith.constant 8 : i32
        %mul3A_298 = arith.muli %scan3A_266, %mul3A_297 : i32
        %add3A_299 = arith.constant 2 : i32
        %add3A_300 = arith.addi %mul3A_298, %add3A_299 : i32
        %broadcast_in_dim3A_301 = vector.broadcast %add3A_300 : i32 to vector<16xi32>
        %gather3A_302 = tpu.vector_load_idx %arg11[%iota3A, %broadcast_in_dim3A_301] : memref<32x128xf32, #tpu.memory_space<vmem>>[vector<16xi32>, vector<16xi32>], vector<16xf32>,
        %add3A_303 = arith.constant 16 : i32
        %add3A_304 = vector.broadcast %add3A_303 : i32 to vector<16xi32>
        %add3A_305 = arith.addi %iota3A, %add3A_304 : vector<16xi32>
        %gather3A_306 = tpu.vector_load_idx %arg11[%add3A_305, %broadcast_in_dim3A_301] : memref<32x128xf32, #tpu.memory_space<vmem>>[vector<16xi32>, vector<16xi32>], vector<16xf32>,
        %swap3A_307 = arith.index_cast %add3A_300 : i32 to index
        %swap3A_308 = arith.constant 0 : index
        %swap3A_309 = tpu.vector_load %arg13[%swap3A_307, %swap3A_308] {strides = array<i32>} : memref<128x128xf32, #tpu.memory_space<vmem>>, vector<16xf32>,
        tpu.vector_store %arg13[%swap3A_307, %swap3A_308], %gather3A_302 {strides = array<i32>} : memref<128x128xf32, #tpu.memory_space<vmem>>, vector<16xf32>,
        %swap3A_310 = arith.index_cast %add3A_300 : i32 to index
        %swap3A_311 = arith.constant 16 : index
        %swap3A_312 = tpu.vector_load %arg13[%swap3A_310, %swap3A_311] {strides = array<i32>} : memref<128x128xf32, #tpu.memory_space<vmem>>, vector<16xf32>,
        tpu.vector_store %arg13[%swap3A_310, %swap3A_311], %gather3A_306 {strides = array<i32>} : memref<128x128xf32, #tpu.memory_space<vmem>>, vector<16xf32>,
        %mul3A_313 = arith.constant 8 : i32
        %mul3A_314 = arith.muli %scan3A_266, %mul3A_313 : i32
        %add3A_315 = arith.constant 3 : i32
        %add3A_316 = arith.addi %mul3A_314, %add3A_315 : i32
        %broadcast_in_dim3A_317 = vector.broadcast %add3A_316 : i32 to vector<16xi32>
        %gather3A_318 = tpu.vector_load_idx %arg11[%iota3A, %broadcast_in_dim3A_317] : memref<32x128xf32, #tpu.memory_space<vmem>>[vector<16xi32>, vector<16xi32>], vector<16xf32>,
        %add3A_319 = arith.constant 16 : i32
        %add3A_320 = vector.broadcast %add3A_319 : i32 to vector<16xi32>
        %add3A_321 = arith.addi %iota3A, %add3A_320 : vector<16xi32>
        %gather3A_322 = tpu.vector_load_idx %arg11[%add3A_321, %broadcast_in_dim3A_317] : memref<32x128xf32, #tpu.memory_space<vmem>>[vector<16xi32>, vector<16xi32>], vector<16xf32>,
        %swap3A_323 = arith.index_cast %add3A_316 : i32 to index
        %swap3A_324 = arith.constant 0 : index
        %swap3A_325 = tpu.vector_load %arg13[%swap3A_323, %swap3A_324] {strides = array<i32>} : memref<128x128xf32, #tpu.memory_space<vmem>>, vector<16xf32>,
        tpu.vector_store %arg13[%swap3A_323, %swap3A_324], %gather3A_318 {strides = array<i32>} : memref<128x128xf32, #tpu.memory_space<vmem>>, vector<16xf32>,
        %swap3A_326 = arith.index_cast %add3A_316 : i32 to index
        %swap3A_327 = arith.constant 16 : index
        %swap3A_328 = tpu.vector_load %arg13[%swap3A_326, %swap3A_327] {strides = array<i32>} : memref<128x128xf32, #tpu.memory_space<vmem>>, vector<16xf32>,
        tpu.vector_store %arg13[%swap3A_326, %swap3A_327], %gather3A_322 {strides = array<i32>} : memref<128x128xf32, #tpu.memory_space<vmem>>, vector<16xf32>,
        %mul3A_329 = arith.constant 8 : i32
        %mul3A_330 = arith.muli %scan3A_266, %mul3A_329 : i32
        %add3A_331 = arith.constant 4 : i32
        %add3A_332 = arith.addi %mul3A_330, %add3A_331 : i32
        %broadcast_in_dim3A_333 = vector.broadcast %add3A_332 : i32 to vector<16xi32>
        %gather3A_334 = tpu.vector_load_idx %arg11[%iota3A, %broadcast_in_dim3A_333] : memref<32x128xf32, #tpu.memory_space<vmem>>[vector<16xi32>, vector<16xi32>], vector<16xf32>,
        %add3A_335 = arith.constant 16 : i32
        %add3A_336 = vector.broadcast %add3A_335 : i32 to vector<16xi32>
        %add3A_337 = arith.addi %iota3A, %add3A_336 : vector<16xi32>
        %gather3A_338 = tpu.vector_load_idx %arg11[%add3A_337, %broadcast_in_dim3A_333] : memref<32x128xf32, #tpu.memory_space<vmem>>[vector<16xi32>, vector<16xi32>], vector<16xf32>,
        %swap3A_339 = arith.index_cast %add3A_332 : i32 to index
        %swap3A_340 = arith.constant 0 : index
        %swap3A_341 = tpu.vector_load %arg13[%swap3A_339, %swap3A_340] {strides = array<i32>} : memref<128x128xf32, #tpu.memory_space<vmem>>, vector<16xf32>,
        tpu.vector_store %arg13[%swap3A_339, %swap3A_340], %gather3A_334 {strides = array<i32>} : memref<128x128xf32, #tpu.memory_space<vmem>>, vector<16xf32>,
        %swap3A_342 = arith.index_cast %add3A_332 : i32 to index
        %swap3A_343 = arith.constant 16 : index
        %swap3A_344 = tpu.vector_load %arg13[%swap3A_342, %swap3A_343] {strides = array<i32>} : memref<128x128xf32, #tpu.memory_space<vmem>>, vector<16xf32>,
        tpu.vector_store %arg13[%swap3A_342, %swap3A_343], %gather3A_338 {strides = array<i32>} : memref<128x128xf32, #tpu.memory_space<vmem>>, vector<16xf32>,
        %mul3A_345 = arith.constant 8 : i32
        %mul3A_346 = arith.muli %scan3A_266, %mul3A_345 : i32
        %add3A_347 = arith.constant 5 : i32
        %add3A_348 = arith.addi %mul3A_346, %add3A_347 : i32
        %broadcast_in_dim3A_349 = vector.broadcast %add3A_348 : i32 to vector<16xi32>
        %gather3A_350 = tpu.vector_load_idx %arg11[%iota3A, %broadcast_in_dim3A_349] : memref<32x128xf32, #tpu.memory_space<vmem>>[vector<16xi32>, vector<16xi32>], vector<16xf32>,
        %add3A_351 = arith.constant 16 : i32
        %add3A_352 = vector.broadcast %add3A_351 : i32 to vector<16xi32>
        %add3A_353 = arith.addi %iota3A, %add3A_352 : vector<16xi32>
        %gather3A_354 = tpu.vector_load_idx %arg11[%add3A_353, %broadcast_in_dim3A_349] : memref<32x128xf32, #tpu.memory_space<vmem>>[vector<16xi32>, vector<16xi32>], vector<16xf32>,
        %swap3A_355 = arith.index_cast %add3A_348 : i32 to index
        %swap3A_356 = arith.constant 0 : index
        %swap3A_357 = tpu.vector_load %arg13[%swap3A_355, %swap3A_356] {strides = array<i32>} : memref<128x128xf32, #tpu.memory_space<vmem>>, vector<16xf32>,
        tpu.vector_store %arg13[%swap3A_355, %swap3A_356], %gather3A_350 {strides = array<i32>} : memref<128x128xf32, #tpu.memory_space<vmem>>, vector<16xf32>,
        %swap3A_358 = arith.index_cast %add3A_348 : i32 to index
        %swap3A_359 = arith.constant 16 : index
        %swap3A_360 = tpu.vector_load %arg13[%swap3A_358, %swap3A_359] {strides = array<i32>} : memref<128x128xf32, #tpu.memory_space<vmem>>, vector<16xf32>,
        tpu.vector_store %arg13[%swap3A_358, %swap3A_359], %gather3A_354 {strides = array<i32>} : memref<128x128xf32, #tpu.memory_space<vmem>>, vector<16xf32>,
        %mul3A_361 = arith.constant 8 : i32
        %mul3A_362 = arith.muli %scan3A_266, %mul3A_361 : i32
        %add3A_363 = arith.constant 6 : i32
        %add3A_364 = arith.addi %mul3A_362, %add3A_363 : i32
        %broadcast_in_dim3A_365 = vector.broadcast %add3A_364 : i32 to vector<16xi32>
        %gather3A_366 = tpu.vector_load_idx %arg11[%iota3A, %broadcast_in_dim3A_365] : memref<32x128xf32, #tpu.memory_space<vmem>>[vector<16xi32>, vector<16xi32>], vector<16xf32>,
        %add3A_367 = arith.constant 16 : i32
        %add3A_368 = vector.broadcast %add3A_367 : i32 to vector<16xi32>
        %add3A_369 = arith.addi %iota3A, %add3A_368 : vector<16xi32>
        %gather3A_370 = tpu.vector_load_idx %arg11[%add3A_369, %broadcast_in_dim3A_365] : memref<32x128xf32, #tpu.memory_space<vmem>>[vector<16xi32>, vector<16xi32>], vector<16xf32>,
        %swap3A_371 = arith.index_cast %add3A_364 : i32 to index
        %swap3A_372 = arith.constant 0 : index
        %swap3A_373 = tpu.vector_load %arg13[%swap3A_371, %swap3A_372] {strides = array<i32>} : memref<128x128xf32, #tpu.memory_space<vmem>>, vector<16xf32>,
        tpu.vector_store %arg13[%swap3A_371, %swap3A_372], %gather3A_366 {strides = array<i32>} : memref<128x128xf32, #tpu.memory_space<vmem>>, vector<16xf32>,
        %swap3A_374 = arith.index_cast %add3A_364 : i32 to index
        %swap3A_375 = arith.constant 16 : index
        %swap3A_376 = tpu.vector_load %arg13[%swap3A_374, %swap3A_375] {strides = array<i32>} : memref<128x128xf32, #tpu.memory_space<vmem>>, vector<16xf32>,
        tpu.vector_store %arg13[%swap3A_374, %swap3A_375], %gather3A_370 {strides = array<i32>} : memref<128x128xf32, #tpu.memory_space<vmem>>, vector<16xf32>,
        %mul3A_377 = arith.constant 8 : i32
        %mul3A_378 = arith.muli %scan3A_266, %mul3A_377 : i32
        %add3A_379 = arith.constant 7 : i32
        %add3A_380 = arith.addi %mul3A_378, %add3A_379 : i32
        %broadcast_in_dim3A_381 = vector.broadcast %add3A_380 : i32 to vector<16xi32>
        %gather3A_382 = tpu.vector_load_idx %arg11[%iota3A, %broadcast_in_dim3A_381] : memref<32x128xf32, #tpu.memory_space<vmem>>[vector<16xi32>, vector<16xi32>], vector<16xf32>,
        %add3A_383 = arith.constant 16 : i32
        %add3A_384 = vector.broadcast %add3A_383 : i32 to vector<16xi32>
        %add3A_385 = arith.addi %iota3A, %add3A_384 : vector<16xi32>
        %gather3A_386 = tpu.vector_load_idx %arg11[%add3A_385, %broadcast_in_dim3A_381] : memref<32x128xf32, #tpu.memory_space<vmem>>[vector<16xi32>, vector<16xi32>], vector<16xf32>,
        %swap3A_387 = arith.index_cast %add3A_380 : i32 to index
        %swap3A_388 = arith.constant 0 : index
        %swap3A_389 = tpu.vector_load %arg13[%swap3A_387, %swap3A_388] {strides = array<i32>} : memref<128x128xf32, #tpu.memory_space<vmem>>, vector<16xf32>,
        tpu.vector_store %arg13[%swap3A_387, %swap3A_388], %gather3A_382 {strides = array<i32>} : memref<128x128xf32, #tpu.memory_space<vmem>>, vector<16xf32>,
        %swap3A_390 = arith.index_cast %add3A_380 : i32 to index
        %swap3A_391 = arith.constant 16 : index
        %swap3A_392 = tpu.vector_load %arg13[%swap3A_390, %swap3A_391] {strides = array<i32>} : memref<128x128xf32, #tpu.memory_space<vmem>>, vector<16xf32>,
        tpu.vector_store %arg13[%swap3A_390, %swap3A_391], %gather3A_386 {strides = array<i32>} : memref<128x128xf32, #tpu.memory_space<vmem>>, vector<16xf32>,
      }
      %scan3A_232 = arith.constant 16 : i32
      %add3A_233 = arith.constant 2 : i32
      %add3A_234 = arith.addi %mul3A_142, %add3A_233 : i32
      %dma_start3A_235 = arith.constant 0 : i32
      %dma_start3A_236 = tpu.memref_slice %arg10[%add3A_234, %dma_start3A_235] : memref<8x128xi32, #tpu.memory_space<vmem>> -> memref<1x128xi32, #tpu.memory_space<vmem>>
      %dma_start3A_237 = tpu.memref_squeeze %dma_start3A_236 : memref<1x128xi32, #tpu.memory_space<vmem>> -> memref<128xi32, #tpu.memory_space<vmem>>
      %dma_start3A_238 = arith.constant 0 : i32
      %dma_start3A_239 = arith.constant 0 : i32
      %dma_start3A_240 = tpu.memref_slice %arg16[%dma_start3A_238, %dma_start3A_239] : memref<9472x128xf32, #tpu.memory_space<vmem_shared>> -> memref<9472x128xf32, #tpu.memory_space<vmem_shared>>
      tpu.enqueue_indirect_dma source(%arg13 : memref<128x128xf32, #tpu.memory_space<vmem>>) target(%dma_start3A_240 : memref<9472x128xf32, #tpu.memory_space<vmem_shared>>) offsets(%dma_start3A_237 : memref<128xi32, #tpu.memory_space<vmem>>) semaphore(%arg19 : memref<!tpu.dma_semaphore, #tpu.memory_space<semaphore_mem>>) {add = true}
      %dma_wait3A_241 = arith.constant 0 : i32
      %dma_wait3A_242 = tpu.memref_slice %arg5[%dma_wait3A_241, %multiple_of3A_211] : memref<32x1000000xf32, #tpu.memory_space<hbm>> -> memref<32x128xf32, #tpu.memory_space<hbm>>
      %dma_wait3A_243 = arith.constant 0 : i32
      %dma_wait3A_244 = tpu.memref_slice %arg5[%dma_wait3A_243, %multiple_of3A_211] : memref<32x1000000xf32, #tpu.memory_space<hbm>> -> memref<32x128xf32, #tpu.memory_space<hbm>>
      tpu.wait_dma2 semaphore(%arg18 : memref<!tpu.dma_semaphore, #tpu.memory_space<semaphore_mem>>) src(%dma_wait3A_244 : memref<32x128xf32, #tpu.memory_space<hbm>>) dst(%arg12 : memref<32x128xf32, #tpu.memory_space<vmem>>)
      %add3A_245 = arith.constant 3 : i32
      %add3A_246 = arith.addi %mul3A_142, %add3A_245 : i32
      %dma_wait3A_247 = arith.constant 0 : i32
      %dma_wait3A_248 = tpu.memref_slice %arg10[%add3A_246, %dma_wait3A_247] : memref<8x128xi32, #tpu.memory_space<vmem>> -> memref<1x128xi32, #tpu.memory_space<vmem>>
      %dma_wait3A_249 = tpu.memref_squeeze %dma_wait3A_248 : memref<1x128xi32, #tpu.memory_space<vmem>> -> memref<128xi32, #tpu.memory_space<vmem>>
      %dma_wait3A_250 = arith.constant 0 : i32
      %dma_wait3A_251 = arith.constant 0 : i32
      %dma_wait3A_252 = tpu.memref_slice %arg16[%dma_wait3A_250, %dma_wait3A_251] : memref<9472x128xf32, #tpu.memory_space<vmem_shared>> -> memref<9472x128xf32, #tpu.memory_space<vmem_shared>>
      tpu.wait_indirect_dma semaphore(%arg20 : memref<!tpu.dma_semaphore, #tpu.memory_space<semaphore_mem>>) src(%arg14 : memref<128x128xf32, #tpu.memory_space<vmem>>) dst(%dma_wait3A_252 : memref<9472x128xf32, #tpu.memory_space<vmem_shared>>)
      %scan3A_253 = arith.constant 0 : i32
      %scan3A_254 = arith.constant 16 : i32
      %scan3A_255 = arith.addi %scan3A_253, %scan3A_254 : i32
      %scan3A_256 = arith.constant 1 : i32
      scf.for %scan3A_266 = %scan3A_253 to %scan3A_255 step %scan3A_256  : i32 {
        %mul3A_267 = arith.constant 8 : i32
        %mul3A_268 = arith.muli %scan3A_266, %mul3A_267 : i32
        %add3A_269 = arith.constant 0 : i32
        %add3A_270 = arith.addi %mul3A_268, %add3A_269 : i32
        %broadcast_in_dim3A_271 = vector.broadcast %add3A_270 : i32 to vector<16xi32>
        %gather3A = tpu.vector_load_idx %arg12[%iota3A, %broadcast_in_dim3A_271] : memref<32x128xf32, #tpu.memory_space<vmem>>[vector<16xi32>, vector<16xi32>], vector<16xf32>,
        %add3A_272 = arith.constant 16 : i32
        %add3A_273 = vector.broadcast %add3A_272 : i32 to vector<16xi32>
        %add3A_274 = arith.addi %iota3A, %add3A_273 : vector<16xi32>
        %gather3A_275 = tpu.vector_load_idx %arg12[%add3A_274, %broadcast_in_dim3A_271] : memref<32x128xf32, #tpu.memory_space<vmem>>[vector<16xi32>, vector<16xi32>], vector<16xf32>,
        %swap3A = arith.index_cast %add3A_270 : i32 to index
        %swap3A_276 = arith.constant 0 : index
        %swap3A_277 = tpu.vector_load %arg14[%swap3A, %swap3A_276] {strides = array<i32>} : memref<128x128xf32, #tpu.memory_space<vmem>>, vector<16xf32>,
        tpu.vector_store %arg14[%swap3A, %swap3A_276], %gather3A {strides = array<i32>} : memref<128x128xf32, #tpu.memory_space<vmem>>, vector<16xf32>,
        %swap3A_278 = arith.index_cast %add3A_270 : i32 to index
        %swap3A_279 = arith.constant 16 : index
        %swap3A_280 = tpu.vector_load %arg14[%swap3A_278, %swap3A_279] {strides = array<i32>} : memref<128x128xf32, #tpu.memory_space<vmem>>, vector<16xf32>,
        tpu.vector_store %arg14[%swap3A_278, %swap3A_279], %gather3A_275 {strides = array<i32>} : memref<128x128xf32, #tpu.memory_space<vmem>>, vector<16xf32>,
        %mul3A_281 = arith.constant 8 : i32
        %mul3A_282 = arith.muli %scan3A_266, %mul3A_281 : i32
        %add3A_283 = arith.constant 1 : i32
        %add3A_284 = arith.addi %mul3A_282, %add3A_283 : i32
        %broadcast_in_dim3A_285 = vector.broadcast %add3A_284 : i32 to vector<16xi32>
        %gather3A_286 = tpu.vector_load_idx %arg12[%iota3A, %broadcast_in_dim3A_285] : memref<32x128xf32, #tpu.memory_space<vmem>>[vector<16xi32>, vector<16xi32>], vector<16xf32>,
        %add3A_287 = arith.constant 16 : i32
        %add3A_288 = vector.broadcast %add3A_287 : i32 to vector<16xi32>
        %add3A_289 = arith.addi %iota3A, %add3A_288 : vector<16xi32>
        %gather3A_290 = tpu.vector_load_idx %arg12[%add3A_289, %broadcast_in_dim3A_285] : memref<32x128xf32, #tpu.memory_space<vmem>>[vector<16xi32>, vector<16xi32>], vector<16xf32>,
        %swap3A_291 = arith.index_cast %add3A_284 : i32 to index
        %swap3A_292 = arith.constant 0 : index
        %swap3A_293 = tpu.vector_load %arg14[%swap3A_291, %swap3A_292] {strides = array<i32>} : memref<128x128xf32, #tpu.memory_space<vmem>>, vector<16xf32>,
        tpu.vector_store %arg14[%swap3A_291, %swap3A_292], %gather3A_286 {strides = array<i32>} : memref<128x128xf32, #tpu.memory_space<vmem>>, vector<16xf32>,
        %swap3A_294 = arith.index_cast %add3A_284 : i32 to index
        %swap3A_295 = arith.constant 16 : index
        %swap3A_296 = tpu.vector_load %arg14[%swap3A_294, %swap3A_295] {strides = array<i32>} : memref<128x128xf32, #tpu.memory_space<vmem>>, vector<16xf32>,
        tpu.vector_store %arg14[%swap3A_294, %swap3A_295], %gather3A_290 {strides = array<i32>} : memref<128x128xf32, #tpu.memory_space<vmem>>, vector<16xf32>,
        %mul3A_297 = arith.constant 8 : i32
        %mul3A_298 = arith.muli %scan3A_266, %mul3A_297 : i32
        %add3A_299 = arith.constant 2 : i32
        %add3A_300 = arith.addi %mul3A_298, %add3A_299 : i32
        %broadcast_in_dim3A_301 = vector.broadcast %add3A_300 : i32 to vector<16xi32>
        %gather3A_302 = tpu.vector_load_idx %arg12[%iota3A, %broadcast_in_dim3A_301] : memref<32x128xf32, #tpu.memory_space<vmem>>[vector<16xi32>, vector<16xi32>], vector<16xf32>,
        %add3A_303 = arith.constant 16 : i32
        %add3A_304 = vector.broadcast %add3A_303 : i32 to vector<16xi32>
        %add3A_305 = arith.addi %iota3A, %add3A_304 : vector<16xi32>
        %gather3A_306 = tpu.vector_load_idx %arg12[%add3A_305, %broadcast_in_dim3A_301] : memref<32x128xf32, #tpu.memory_space<vmem>>[vector<16xi32>, vector<16xi32>], vector<16xf32>,
        %swap3A_307 = arith.index_cast %add3A_300 : i32 to index
        %swap3A_308 = arith.constant 0 : index
        %swap3A_309 = tpu.vector_load %arg14[%swap3A_307, %swap3A_308] {strides = array<i32>} : memref<128x128xf32, #tpu.memory_space<vmem>>, vector<16xf32>,
        tpu.vector_store %arg14[%swap3A_307, %swap3A_308], %gather3A_302 {strides = array<i32>} : memref<128x128xf32, #tpu.memory_space<vmem>>, vector<16xf32>,
        %swap3A_310 = arith.index_cast %add3A_300 : i32 to index
        %swap3A_311 = arith.constant 16 : index
        %swap3A_312 = tpu.vector_load %arg14[%swap3A_310, %swap3A_311] {strides = array<i32>} : memref<128x128xf32, #tpu.memory_space<vmem>>, vector<16xf32>,
        tpu.vector_store %arg14[%swap3A_310, %swap3A_311], %gather3A_306 {strides = array<i32>} : memref<128x128xf32, #tpu.memory_space<vmem>>, vector<16xf32>,
        %mul3A_313 = arith.constant 8 : i32
        %mul3A_314 = arith.muli %scan3A_266, %mul3A_313 : i32
        %add3A_315 = arith.constant 3 : i32
        %add3A_316 = arith.addi %mul3A_314, %add3A_315 : i32
        %broadcast_in_dim3A_317 = vector.broadcast %add3A_316 : i32 to vector<16xi32>
        %gather3A_318 = tpu.vector_load_idx %arg12[%iota3A, %broadcast_in_dim3A_317] : memref<32x128xf32, #tpu.memory_space<vmem>>[vector<16xi32>, vector<16xi32>], vector<16xf32>,
        %add3A_319 = arith.constant 16 : i32
        %add3A_320 = vector.broadcast %add3A_319 : i32 to vector<16xi32>
        %add3A_321 = arith.addi %iota3A, %add3A_320 : vector<16xi32>
        %gather3A_322 = tpu.vector_load_idx %arg12[%add3A_321, %broadcast_in_dim3A_317] : memref<32x128xf32, #tpu.memory_space<vmem>>[vector<16xi32>, vector<16xi32>], vector<16xf32>,
        %swap3A_323 = arith.index_cast %add3A_316 : i32 to index
        %swap3A_324 = arith.constant 0 : index
        %swap3A_325 = tpu.vector_load %arg14[%swap3A_323, %swap3A_324] {strides = array<i32>} : memref<128x128xf32, #tpu.memory_space<vmem>>, vector<16xf32>,
        tpu.vector_store %arg14[%swap3A_323, %swap3A_324], %gather3A_318 {strides = array<i32>} : memref<128x128xf32, #tpu.memory_space<vmem>>, vector<16xf32>,
        %swap3A_326 = arith.index_cast %add3A_316 : i32 to index
        %swap3A_327 = arith.constant 16 : index
        %swap3A_328 = tpu.vector_load %arg14[%swap3A_326, %swap3A_327] {strides = array<i32>} : memref<128x128xf32, #tpu.memory_space<vmem>>, vector<16xf32>,
        tpu.vector_store %arg14[%swap3A_326, %swap3A_327], %gather3A_322 {strides = array<i32>} : memref<128x128xf32, #tpu.memory_space<vmem>>, vector<16xf32>,
        %mul3A_329 = arith.constant 8 : i32
        %mul3A_330 = arith.muli %scan3A_266, %mul3A_329 : i32
        %add3A_331 = arith.constant 4 : i32
        %add3A_332 = arith.addi %mul3A_330, %add3A_331 : i32
        %broadcast_in_dim3A_333 = vector.broadcast %add3A_332 : i32 to vector<16xi32>
        %gather3A_334 = tpu.vector_load_idx %arg12[%iota3A, %broadcast_in_dim3A_333] : memref<32x128xf32, #tpu.memory_space<vmem>>[vector<16xi32>, vector<16xi32>], vector<16xf32>,
        %add3A_335 = arith.constant 16 : i32
        %add3A_336 = vector.broadcast %add3A_335 : i32 to vector<16xi32>
        %add3A_337 = arith.addi %iota3A, %add3A_336 : vector<16xi32>
        %gather3A_338 = tpu.vector_load_idx %arg12[%add3A_337, %broadcast_in_dim3A_333] : memref<32x128xf32, #tpu.memory_space<vmem>>[vector<16xi32>, vector<16xi32>], vector<16xf32>,
        %swap3A_339 = arith.index_cast %add3A_332 : i32 to index
        %swap3A_340 = arith.constant 0 : index
        %swap3A_341 = tpu.vector_load %arg14[%swap3A_339, %swap3A_340] {strides = array<i32>} : memref<128x128xf32, #tpu.memory_space<vmem>>, vector<16xf32>,
        tpu.vector_store %arg14[%swap3A_339, %swap3A_340], %gather3A_334 {strides = array<i32>} : memref<128x128xf32, #tpu.memory_space<vmem>>, vector<16xf32>,
        %swap3A_342 = arith.index_cast %add3A_332 : i32 to index
        %swap3A_343 = arith.constant 16 : index
        %swap3A_344 = tpu.vector_load %arg14[%swap3A_342, %swap3A_343] {strides = array<i32>} : memref<128x128xf32, #tpu.memory_space<vmem>>, vector<16xf32>,
        tpu.vector_store %arg14[%swap3A_342, %swap3A_343], %gather3A_338 {strides = array<i32>} : memref<128x128xf32, #tpu.memory_space<vmem>>, vector<16xf32>,
        %mul3A_345 = arith.constant 8 : i32
        %mul3A_346 = arith.muli %scan3A_266, %mul3A_345 : i32
        %add3A_347 = arith.constant 5 : i32
        %add3A_348 = arith.addi %mul3A_346, %add3A_347 : i32
        %broadcast_in_dim3A_349 = vector.broadcast %add3A_348 : i32 to vector<16xi32>
        %gather3A_350 = tpu.vector_load_idx %arg12[%iota3A, %broadcast_in_dim3A_349] : memref<32x128xf32, #tpu.memory_space<vmem>>[vector<16xi32>, vector<16xi32>], vector<16xf32>,
        %add3A_351 = arith.constant 16 : i32
        %add3A_352 = vector.broadcast %add3A_351 : i32 to vector<16xi32>
        %add3A_353 = arith.addi %iota3A, %add3A_352 : vector<16xi32>
        %gather3A_354 = tpu.vector_load_idx %arg12[%add3A_353, %broadcast_in_dim3A_349] : memref<32x128xf32, #tpu.memory_space<vmem>>[vector<16xi32>, vector<16xi32>], vector<16xf32>,
        %swap3A_355 = arith.index_cast %add3A_348 : i32 to index
        %swap3A_356 = arith.constant 0 : index
        %swap3A_357 = tpu.vector_load %arg14[%swap3A_355, %swap3A_356] {strides = array<i32>} : memref<128x128xf32, #tpu.memory_space<vmem>>, vector<16xf32>,
        tpu.vector_store %arg14[%swap3A_355, %swap3A_356], %gather3A_350 {strides = array<i32>} : memref<128x128xf32, #tpu.memory_space<vmem>>, vector<16xf32>,
        %swap3A_358 = arith.index_cast %add3A_348 : i32 to index
        %swap3A_359 = arith.constant 16 : index
        %swap3A_360 = tpu.vector_load %arg14[%swap3A_358, %swap3A_359] {strides = array<i32>} : memref<128x128xf32, #tpu.memory_space<vmem>>, vector<16xf32>,
        tpu.vector_store %arg14[%swap3A_358, %swap3A_359], %gather3A_354 {strides = array<i32>} : memref<128x128xf32, #tpu.memory_space<vmem>>, vector<16xf32>,
        %mul3A_361 = arith.constant 8 : i32
        %mul3A_362 = arith.muli %scan3A_266, %mul3A_361 : i32
        %add3A_363 = arith.constant 6 : i32
        %add3A_364 = arith.addi %mul3A_362, %add3A_363 : i32
        %broadcast_in_dim3A_365 = vector.broadcast %add3A_364 : i32 to vector<16xi32>
        %gather3A_366 = tpu.vector_load_idx %arg12[%iota3A, %broadcast_in_dim3A_365] : memref<32x128xf32, #tpu.memory_space<vmem>>[vector<16xi32>, vector<16xi32>], vector<16xf32>,
        %add3A_367 = arith.constant 16 : i32
        %add3A_368 = vector.broadcast %add3A_367 : i32 to vector<16xi32>
        %add3A_369 = arith.addi %iota3A, %add3A_368 : vector<16xi32>
        %gather3A_370 = tpu.vector_load_idx %arg12[%add3A_369, %broadcast_in_dim3A_365] : memref<32x128xf32, #tpu.memory_space<vmem>>[vector<16xi32>, vector<16xi32>], vector<16xf32>,
        %swap3A_371 = arith.index_cast %add3A_364 : i32 to index
        %swap3A_372 = arith.constant 0 : index
        %swap3A_373 = tpu.vector_load %arg14[%swap3A_371, %swap3A_372] {strides = array<i32>} : memref<128x128xf32, #tpu.memory_space<vmem>>, vector<16xf32>,
        tpu.vector_store %arg14[%swap3A_371, %swap3A_372], %gather3A_366 {strides = array<i32>} : memref<128x128xf32, #tpu.memory_space<vmem>>, vector<16xf32>,
        %swap3A_374 = arith.index_cast %add3A_364 : i32 to index
        %swap3A_375 = arith.constant 16 : index
        %swap3A_376 = tpu.vector_load %arg14[%swap3A_374, %swap3A_375] {strides = array<i32>} : memref<128x128xf32, #tpu.memory_space<vmem>>, vector<16xf32>,
        tpu.vector_store %arg14[%swap3A_374, %swap3A_375], %gather3A_370 {strides = array<i32>} : memref<128x128xf32, #tpu.memory_space<vmem>>, vector<16xf32>,
        %mul3A_377 = arith.constant 8 : i32
        %mul3A_378 = arith.muli %scan3A_266, %mul3A_377 : i32
        %add3A_379 = arith.constant 7 : i32
        %add3A_380 = arith.addi %mul3A_378, %add3A_379 : i32
        %broadcast_in_dim3A_381 = vector.broadcast %add3A_380 : i32 to vector<16xi32>
        %gather3A_382 = tpu.vector_load_idx %arg12[%iota3A, %broadcast_in_dim3A_381] : memref<32x128xf32, #tpu.memory_space<vmem>>[vector<16xi32>, vector<16xi32>], vector<16xf32>,
        %add3A_383 = arith.constant 16 : i32
        %add3A_384 = vector.broadcast %add3A_383 : i32 to vector<16xi32>
        %add3A_385 = arith.addi %iota3A, %add3A_384 : vector<16xi32>
        %gather3A_386 = tpu.vector_load_idx %arg12[%add3A_385, %broadcast_in_dim3A_381] : memref<32x128xf32, #tpu.memory_space<vmem>>[vector<16xi32>, vector<16xi32>], vector<16xf32>,
        %swap3A_387 = arith.index_cast %add3A_380 : i32 to index
        %swap3A_388 = arith.constant 0 : index
        %swap3A_389 = tpu.vector_load %arg14[%swap3A_387, %swap3A_388] {strides = array<i32>} : memref<128x128xf32, #tpu.memory_space<vmem>>, vector<16xf32>,
        tpu.vector_store %arg14[%swap3A_387, %swap3A_388], %gather3A_382 {strides = array<i32>} : memref<128x128xf32, #tpu.memory_space<vmem>>, vector<16xf32>,
        %swap3A_390 = arith.index_cast %add3A_380 : i32 to index
        %swap3A_391 = arith.constant 16 : index
        %swap3A_392 = tpu.vector_load %arg14[%swap3A_390, %swap3A_391] {strides = array<i32>} : memref<128x128xf32, #tpu.memory_space<vmem>>, vector<16xf32>,
        tpu.vector_store %arg14[%swap3A_390, %swap3A_391], %gather3A_386 {strides = array<i32>} : memref<128x128xf32, #tpu.memory_space<vmem>>, vector<16xf32>,
      }
      %scan3A_257 = arith.constant 16 : i32
      %add3A_258 = arith.constant 3 : i32
      %add3A_259 = arith.addi %mul3A_142, %add3A_258 : i32
      %dma_start3A_260 = arith.constant 0 : i32
      %dma_start3A_261 = tpu.memref_slice %arg10[%add3A_259, %dma_start3A_260] : memref<8x128xi32, #tpu.memory_space<vmem>> -> memref<1x128xi32, #tpu.memory_space<vmem>>
      %dma_start3A_262 = tpu.memref_squeeze %dma_start3A_261 : memref<1x128xi32, #tpu.memory_space<vmem>> -> memref<128xi32, #tpu.memory_space<vmem>>
      %dma_start3A_263 = arith.constant 0 : i32
      %dma_start3A_264 = arith.constant 0 : i32
      %dma_start3A_265 = tpu.memref_slice %arg16[%dma_start3A_263, %dma_start3A_264] : memref<9472x128xf32, #tpu.memory_space<vmem_shared>> -> memref<9472x128xf32, #tpu.memory_space<vmem_shared>>
      tpu.enqueue_indirect_dma source(%arg14 : memref<128x128xf32, #tpu.memory_space<vmem>>) target(%dma_start3A_265 : memref<9472x128xf32, #tpu.memory_space<vmem_shared>>) offsets(%dma_start3A_262 : memref<128xi32, #tpu.memory_space<vmem>>) semaphore(%arg20 : memref<!tpu.dma_semaphore, #tpu.memory_space<semaphore_mem>>) {add = true}
    }
    %scan3A_49 = arith.constant 61 : i32
    %dma_wait3A = arith.constant 0 : i32
    %dma_wait3A_50 = arith.constant 0 : i32
    %dma_wait3A_51 = tpu.memref_slice %arg10[%dma_wait3A, %dma_wait3A_50] : memref<8x128xi32, #tpu.memory_space<vmem>> -> memref<1x128xi32, #tpu.memory_space<vmem>>
    %dma_wait3A_52 = tpu.memref_squeeze %dma_wait3A_51 : memref<1x128xi32, #tpu.memory_space<vmem>> -> memref<128xi32, #tpu.memory_space<vmem>>
    %dma_wait3A_53 = arith.constant 0 : i32
    %dma_wait3A_54 = arith.constant 0 : i32
    %dma_wait3A_55 = tpu.memref_slice %arg16[%dma_wait3A_53, %dma_wait3A_54] : memref<9472x128xf32, #tpu.memory_space<vmem_shared>> -> memref<9472x128xf32, #tpu.memory_space<vmem_shared>>
    tpu.wait_indirect_dma semaphore(%arg19 : memref<!tpu.dma_semaphore, #tpu.memory_space<semaphore_mem>>) src(%arg13 : memref<128x128xf32, #tpu.memory_space<vmem>>) dst(%dma_wait3A_55 : memref<9472x128xf32, #tpu.memory_space<vmem_shared>>)
    %dma_wait3A_56 = arith.constant 1 : i32
    %dma_wait3A_57 = arith.constant 0 : i32
    %dma_wait3A_58 = tpu.memref_slice %arg10[%dma_wait3A_56, %dma_wait3A_57] : memref<8x128xi32, #tpu.memory_space<vmem>> -> memref<1x128xi32, #tpu.memory_space<vmem>>
    %dma_wait3A_59 = tpu.memref_squeeze %dma_wait3A_58 : memref<1x128xi32, #tpu.memory_space<vmem>> -> memref<128xi32, #tpu.memory_space<vmem>>
    %dma_wait3A_60 = arith.constant 0 : i32
    %dma_wait3A_61 = arith.constant 0 : i32
    %dma_wait3A_62 = tpu.memref_slice %arg16[%dma_wait3A_60, %dma_wait3A_61] : memref<9472x128xf32, #tpu.memory_space<vmem_shared>> -> memref<9472x128xf32, #tpu.memory_space<vmem_shared>>
    tpu.wait_indirect_dma semaphore(%arg20 : memref<!tpu.dma_semaphore, #tpu.memory_space<semaphore_mem>>) src(%arg14 : memref<128x128xf32, #tpu.memory_space<vmem>>) dst(%dma_wait3A_62 : memref<9472x128xf32, #tpu.memory_space<vmem_shared>>)
    %barrier3A_63 = arith.constant 0 : index
    tpu.barrier barrier_id(%barrier3A_63)
    %mul3A_64 = arith.constant 584 : i32
    %mul3A_65 = arith.muli %arg1, %mul3A_64 : i32
    %add3A_66 = arith.constant 0 : i32
    %add3A_67 = arith.addi %mul3A_65, %add3A_66 : i32
    "tpu.region"() ({
      %run_scoped3A = tpu.sem_alloc : memref<!tpu.dma_semaphore, #tpu.memory_space<semaphore_mem>>
      %dma_start3A = arith.constant 0 : i32
      %dma_start3A_128 = tpu.memref_slice %arg16[%add3A_67, %dma_start3A] : memref<9472x128xf32, #tpu.memory_space<vmem_shared>> -> memref<80x128xf32, #tpu.memory_space<vmem_shared>>
      %dma_start3A_129 = arith.constant 0 : i32
      %dma_start3A_130 = tpu.memref_slice %arg16[%add3A_67, %dma_start3A_129] : memref<9472x128xf32, #tpu.memory_space<vmem_shared>> -> memref<80x128xf32, #tpu.memory_space<vmem_shared>>
      tpu.enqueue_dma source(%dma_start3A_130 : memref<80x128xf32, #tpu.memory_space<vmem_shared>>) target(%arg15 : memref<80x128xf32, #tpu.memory_space<vmem>>) target_semaphore(%run_scoped3A : memref<!tpu.dma_semaphore, #tpu.memory_space<semaphore_mem>>)
      %dma_wait3A_131 = arith.constant 0 : i32
      %dma_wait3A_132 = tpu.memref_slice %arg16[%add3A_67, %dma_wait3A_131] : memref<9472x128xf32, #tpu.memory_space<vmem_shared>> -> memref<80x128xf32, #tpu.memory_space<vmem_shared>>
      %dma_wait3A_133 = arith.constant 0 : i32
      %dma_wait3A_134 = tpu.memref_slice %arg16[%add3A_67, %dma_wait3A_133] : memref<9472x128xf32, #tpu.memory_space<vmem_shared>> -> memref<80x128xf32, #tpu.memory_space<vmem_shared>>
      tpu.wait_dma2 semaphore(%run_scoped3A : memref<!tpu.dma_semaphore, #tpu.memory_space<semaphore_mem>>) src(%dma_wait3A_134 : memref<80x128xf32, #tpu.memory_space<vmem_shared>>) dst(%arg15 : memref<80x128xf32, #tpu.memory_space<vmem>>)
      tpu.yield
    }) : () -> ()
    %mul3A_68 = arith.constant 584 : i32
    %mul3A_69 = arith.muli %arg1, %mul3A_68 : i32
    %add3A_70 = arith.constant 0 : i32
    %add3A_71 = arith.addi %mul3A_69, %add3A_70 : i32
    "tpu.region"() ({
      %run_scoped3A = tpu.sem_alloc : memref<!tpu.dma_semaphore, #tpu.memory_space<semaphore_mem>>
      %dma_start3A = arith.constant 0 : i32
      %dma_start3A_128 = tpu.memref_slice %arg6[%arg0, %add3A_71, %dma_start3A] : memref<2x9344x128xf32, #tpu.memory_space<hbm>> -> memref<1x80x128xf32, #tpu.memory_space<hbm>>
      %dma_start3A_129 = tpu.memref_squeeze %dma_start3A_128 : memref<1x80x128xf32, #tpu.memory_space<hbm>> -> memref<80x128xf32, #tpu.memory_space<hbm>>
      %dma_start3A_130 = arith.constant 0 : i32
      %dma_start3A_131 = tpu.memref_slice %arg6[%arg0, %add3A_71, %dma_start3A_130] : memref<2x9344x128xf32, #tpu.memory_space<hbm>> -> memref<1x80x128xf32, #tpu.memory_space<hbm>>
      %dma_start3A_132 = tpu.memref_squeeze %dma_start3A_131 : memref<1x80x128xf32, #tpu.memory_space<hbm>> -> memref<80x128xf32, #tpu.memory_space<hbm>>
      tpu.enqueue_dma source(%arg15 : memref<80x128xf32, #tpu.memory_space<vmem>>) target(%dma_start3A_132 : memref<80x128xf32, #tpu.memory_space<hbm>>) target_semaphore(%run_scoped3A : memref<!tpu.dma_semaphore, #tpu.memory_space<semaphore_mem>>)
      %dma_wait3A_133 = arith.constant 0 : i32
      %dma_wait3A_134 = tpu.memref_slice %arg6[%arg0, %add3A_71, %dma_wait3A_133] : memref<2x9344x128xf32, #tpu.memory_space<hbm>> -> memref<1x80x128xf32, #tpu.memory_space<hbm>>
      %dma_wait3A_135 = tpu.memref_squeeze %dma_wait3A_134 : memref<1x80x128xf32, #tpu.memory_space<hbm>> -> memref<80x128xf32, #tpu.memory_space<hbm>>
      %dma_wait3A_136 = arith.constant 0 : i32
      %dma_wait3A_137 = tpu.memref_slice %arg6[%arg0, %add3A_71, %dma_wait3A_136] : memref<2x9344x128xf32, #tpu.memory_space<hbm>> -> memref<1x80x128xf32, #tpu.memory_space<hbm>>
      %dma_wait3A_138 = tpu.memref_squeeze %dma_wait3A_137 : memref<1x80x128xf32, #tpu.memory_space<hbm>> -> memref<80x128xf32, #tpu.memory_space<hbm>>
      tpu.wait_dma2 semaphore(%run_scoped3A : memref<!tpu.dma_semaphore, #tpu.memory_space<semaphore_mem>>) src(%arg15 : memref<80x128xf32, #tpu.memory_space<vmem>>) dst(%dma_wait3A_138 : memref<80x128xf32, #tpu.memory_space<hbm>>)
      tpu.yield
    }) : () -> ()
    %mul3A_72 = arith.constant 584 : i32
    %mul3A_73 = arith.muli %arg1, %mul3A_72 : i32
    %add3A_74 = arith.constant 80 : i32
    %add3A_75 = arith.addi %mul3A_73, %add3A_74 : i32
    "tpu.region"() ({
      %run_scoped3A = tpu.sem_alloc : memref<!tpu.dma_semaphore, #tpu.memory_space<semaphore_mem>>
      %dma_start3A = arith.constant 0 : i32
      %dma_start3A_128 = tpu.memref_slice %arg16[%add3A_75, %dma_start3A] : memref<9472x128xf32, #tpu.memory_space<vmem_shared>> -> memref<80x128xf32, #tpu.memory_space<vmem_shared>>
      %dma_start3A_129 = arith.constant 0 : i32
      %dma_start3A_130 = tpu.memref_slice %arg16[%add3A_75, %dma_start3A_129] : memref<9472x128xf32, #tpu.memory_space<vmem_shared>> -> memref<80x128xf32, #tpu.memory_space<vmem_shared>>
      tpu.enqueue_dma source(%dma_start3A_130 : memref<80x128xf32, #tpu.memory_space<vmem_shared>>) target(%arg15 : memref<80x128xf32, #tpu.memory_space<vmem>>) target_semaphore(%run_scoped3A : memref<!tpu.dma_semaphore, #tpu.memory_space<semaphore_mem>>)
      %dma_wait3A_131 = arith.constant 0 : i32
      %dma_wait3A_132 = tpu.memref_slice %arg16[%add3A_75, %dma_wait3A_131] : memref<9472x128xf32, #tpu.memory_space<vmem_shared>> -> memref<80x128xf32, #tpu.memory_space<vmem_shared>>
      %dma_wait3A_133 = arith.constant 0 : i32
      %dma_wait3A_134 = tpu.memref_slice %arg16[%add3A_75, %dma_wait3A_133] : memref<9472x128xf32, #tpu.memory_space<vmem_shared>> -> memref<80x128xf32, #tpu.memory_space<vmem_shared>>
      tpu.wait_dma2 semaphore(%run_scoped3A : memref<!tpu.dma_semaphore, #tpu.memory_space<semaphore_mem>>) src(%dma_wait3A_134 : memref<80x128xf32, #tpu.memory_space<vmem_shared>>) dst(%arg15 : memref<80x128xf32, #tpu.memory_space<vmem>>)
      tpu.yield
    }) : () -> ()
    %mul3A_76 = arith.constant 584 : i32
    %mul3A_77 = arith.muli %arg1, %mul3A_76 : i32
    %add3A_78 = arith.constant 80 : i32
    %add3A_79 = arith.addi %mul3A_77, %add3A_78 : i32
    "tpu.region"() ({
      %run_scoped3A = tpu.sem_alloc : memref<!tpu.dma_semaphore, #tpu.memory_space<semaphore_mem>>
      %dma_start3A = arith.constant 0 : i32
      %dma_start3A_128 = tpu.memref_slice %arg6[%arg0, %add3A_79, %dma_start3A] : memref<2x9344x128xf32, #tpu.memory_space<hbm>> -> memref<1x80x128xf32, #tpu.memory_space<hbm>>
      %dma_start3A_129 = tpu.memref_squeeze %dma_start3A_128 : memref<1x80x128xf32, #tpu.memory_space<hbm>> -> memref<80x128xf32, #tpu.memory_space<hbm>>
      %dma_start3A_130 = arith.constant 0 : i32
      %dma_start3A_131 = tpu.memref_slice %arg6[%arg0, %add3A_79, %dma_start3A_130] : memref<2x9344x128xf32, #tpu.memory_space<hbm>> -> memref<1x80x128xf32, #tpu.memory_space<hbm>>
      %dma_start3A_132 = tpu.memref_squeeze %dma_start3A_131 : memref<1x80x128xf32, #tpu.memory_space<hbm>> -> memref<80x128xf32, #tpu.memory_space<hbm>>
      tpu.enqueue_dma source(%arg15 : memref<80x128xf32, #tpu.memory_space<vmem>>) target(%dma_start3A_132 : memref<80x128xf32, #tpu.memory_space<hbm>>) target_semaphore(%run_scoped3A : memref<!tpu.dma_semaphore, #tpu.memory_space<semaphore_mem>>)
      %dma_wait3A_133 = arith.constant 0 : i32
      %dma_wait3A_134 = tpu.memref_slice %arg6[%arg0, %add3A_79, %dma_wait3A_133] : memref<2x9344x128xf32, #tpu.memory_space<hbm>> -> memref<1x80x128xf32, #tpu.memory_space<hbm>>
      %dma_wait3A_135 = tpu.memref_squeeze %dma_wait3A_134 : memref<1x80x128xf32, #tpu.memory_space<hbm>> -> memref<80x128xf32, #tpu.memory_space<hbm>>
      %dma_wait3A_136 = arith.constant 0 : i32
      %dma_wait3A_137 = tpu.memref_slice %arg6[%arg0, %add3A_79, %dma_wait3A_136] : memref<2x9344x128xf32, #tpu.memory_space<hbm>> -> memref<1x80x128xf32, #tpu.memory_space<hbm>>
      %dma_wait3A_138 = tpu.memref_squeeze %dma_wait3A_137 : memref<1x80x128xf32, #tpu.memory_space<hbm>> -> memref<80x128xf32, #tpu.memory_space<hbm>>
      tpu.wait_dma2 semaphore(%run_scoped3A : memref<!tpu.dma_semaphore, #tpu.memory_space<semaphore_mem>>) src(%arg15 : memref<80x128xf32, #tpu.memory_space<vmem>>) dst(%dma_wait3A_138 : memref<80x128xf32, #tpu.memory_space<hbm>>)
      tpu.yield
    }) : () -> ()
    %mul3A_80 = arith.constant 584 : i32
    %mul3A_81 = arith.muli %arg1, %mul3A_80 : i32
    %add3A_82 = arith.constant 160 : i32
    %add3A_83 = arith.addi %mul3A_81, %add3A_82 : i32
    "tpu.region"() ({
      %run_scoped3A = tpu.sem_alloc : memref<!tpu.dma_semaphore, #tpu.memory_space<semaphore_mem>>
      %dma_start3A = arith.constant 0 : i32
      %dma_start3A_128 = tpu.memref_slice %arg16[%add3A_83, %dma_start3A] : memref<9472x128xf32, #tpu.memory_space<vmem_shared>> -> memref<80x128xf32, #tpu.memory_space<vmem_shared>>
      %dma_start3A_129 = arith.constant 0 : i32
      %dma_start3A_130 = tpu.memref_slice %arg16[%add3A_83, %dma_start3A_129] : memref<9472x128xf32, #tpu.memory_space<vmem_shared>> -> memref<80x128xf32, #tpu.memory_space<vmem_shared>>
      tpu.enqueue_dma source(%dma_start3A_130 : memref<80x128xf32, #tpu.memory_space<vmem_shared>>) target(%arg15 : memref<80x128xf32, #tpu.memory_space<vmem>>) target_semaphore(%run_scoped3A : memref<!tpu.dma_semaphore, #tpu.memory_space<semaphore_mem>>)
      %dma_wait3A_131 = arith.constant 0 : i32
      %dma_wait3A_132 = tpu.memref_slice %arg16[%add3A_83, %dma_wait3A_131] : memref<9472x128xf32, #tpu.memory_space<vmem_shared>> -> memref<80x128xf32, #tpu.memory_space<vmem_shared>>
      %dma_wait3A_133 = arith.constant 0 : i32
      %dma_wait3A_134 = tpu.memref_slice %arg16[%add3A_83, %dma_wait3A_133] : memref<9472x128xf32, #tpu.memory_space<vmem_shared>> -> memref<80x128xf32, #tpu.memory_space<vmem_shared>>
      tpu.wait_dma2 semaphore(%run_scoped3A : memref<!tpu.dma_semaphore, #tpu.memory_space<semaphore_mem>>) src(%dma_wait3A_134 : memref<80x128xf32, #tpu.memory_space<vmem_shared>>) dst(%arg15 : memref<80x128xf32, #tpu.memory_space<vmem>>)
      tpu.yield
    }) : () -> ()
    %mul3A_84 = arith.constant 584 : i32
    %mul3A_85 = arith.muli %arg1, %mul3A_84 : i32
    %add3A_86 = arith.constant 160 : i32
    %add3A_87 = arith.addi %mul3A_85, %add3A_86 : i32
    "tpu.region"() ({
      %run_scoped3A = tpu.sem_alloc : memref<!tpu.dma_semaphore, #tpu.memory_space<semaphore_mem>>
      %dma_start3A = arith.constant 0 : i32
      %dma_start3A_128 = tpu.memref_slice %arg6[%arg0, %add3A_87, %dma_start3A] : memref<2x9344x128xf32, #tpu.memory_space<hbm>> -> memref<1x80x128xf32, #tpu.memory_space<hbm>>
      %dma_start3A_129 = tpu.memref_squeeze %dma_start3A_128 : memref<1x80x128xf32, #tpu.memory_space<hbm>> -> memref<80x128xf32, #tpu.memory_space<hbm>>
      %dma_start3A_130 = arith.constant 0 : i32
      %dma_start3A_131 = tpu.memref_slice %arg6[%arg0, %add3A_87, %dma_start3A_130] : memref<2x9344x128xf32, #tpu.memory_space<hbm>> -> memref<1x80x128xf32, #tpu.memory_space<hbm>>
      %dma_start3A_132 = tpu.memref_squeeze %dma_start3A_131 : memref<1x80x128xf32, #tpu.memory_space<hbm>> -> memref<80x128xf32, #tpu.memory_space<hbm>>
      tpu.enqueue_dma source(%arg15 : memref<80x128xf32, #tpu.memory_space<vmem>>) target(%dma_start3A_132 : memref<80x128xf32, #tpu.memory_space<hbm>>) target_semaphore(%run_scoped3A : memref<!tpu.dma_semaphore, #tpu.memory_space<semaphore_mem>>)
      %dma_wait3A_133 = arith.constant 0 : i32
      %dma_wait3A_134 = tpu.memref_slice %arg6[%arg0, %add3A_87, %dma_wait3A_133] : memref<2x9344x128xf32, #tpu.memory_space<hbm>> -> memref<1x80x128xf32, #tpu.memory_space<hbm>>
      %dma_wait3A_135 = tpu.memref_squeeze %dma_wait3A_134 : memref<1x80x128xf32, #tpu.memory_space<hbm>> -> memref<80x128xf32, #tpu.memory_space<hbm>>
      %dma_wait3A_136 = arith.constant 0 : i32
      %dma_wait3A_137 = tpu.memref_slice %arg6[%arg0, %add3A_87, %dma_wait3A_136] : memref<2x9344x128xf32, #tpu.memory_space<hbm>> -> memref<1x80x128xf32, #tpu.memory_space<hbm>>
      %dma_wait3A_138 = tpu.memref_squeeze %dma_wait3A_137 : memref<1x80x128xf32, #tpu.memory_space<hbm>> -> memref<80x128xf32, #tpu.memory_space<hbm>>
      tpu.wait_dma2 semaphore(%run_scoped3A : memref<!tpu.dma_semaphore, #tpu.memory_space<semaphore_mem>>) src(%arg15 : memref<80x128xf32, #tpu.memory_space<vmem>>) dst(%dma_wait3A_138 : memref<80x128xf32, #tpu.memory_space<hbm>>)
      tpu.yield
    }) : () -> ()
    %mul3A_88 = arith.constant 584 : i32
    %mul3A_89 = arith.muli %arg1, %mul3A_88 : i32
    %add3A_90 = arith.constant 240 : i32
    %add3A_91 = arith.addi %mul3A_89, %add3A_90 : i32
    "tpu.region"() ({
      %run_scoped3A = tpu.sem_alloc : memref<!tpu.dma_semaphore, #tpu.memory_space<semaphore_mem>>
      %dma_start3A = arith.constant 0 : i32
      %dma_start3A_128 = tpu.memref_slice %arg16[%add3A_91, %dma_start3A] : memref<9472x128xf32, #tpu.memory_space<vmem_shared>> -> memref<80x128xf32, #tpu.memory_space<vmem_shared>>
      %dma_start3A_129 = arith.constant 0 : i32
      %dma_start3A_130 = tpu.memref_slice %arg16[%add3A_91, %dma_start3A_129] : memref<9472x128xf32, #tpu.memory_space<vmem_shared>> -> memref<80x128xf32, #tpu.memory_space<vmem_shared>>
      tpu.enqueue_dma source(%dma_start3A_130 : memref<80x128xf32, #tpu.memory_space<vmem_shared>>) target(%arg15 : memref<80x128xf32, #tpu.memory_space<vmem>>) target_semaphore(%run_scoped3A : memref<!tpu.dma_semaphore, #tpu.memory_space<semaphore_mem>>)
      %dma_wait3A_131 = arith.constant 0 : i32
      %dma_wait3A_132 = tpu.memref_slice %arg16[%add3A_91, %dma_wait3A_131] : memref<9472x128xf32, #tpu.memory_space<vmem_shared>> -> memref<80x128xf32, #tpu.memory_space<vmem_shared>>
      %dma_wait3A_133 = arith.constant 0 : i32
      %dma_wait3A_134 = tpu.memref_slice %arg16[%add3A_91, %dma_wait3A_133] : memref<9472x128xf32, #tpu.memory_space<vmem_shared>> -> memref<80x128xf32, #tpu.memory_space<vmem_shared>>
      tpu.wait_dma2 semaphore(%run_scoped3A : memref<!tpu.dma_semaphore, #tpu.memory_space<semaphore_mem>>) src(%dma_wait3A_134 : memref<80x128xf32, #tpu.memory_space<vmem_shared>>) dst(%arg15 : memref<80x128xf32, #tpu.memory_space<vmem>>)
      tpu.yield
    }) : () -> ()
    %mul3A_92 = arith.constant 584 : i32
    %mul3A_93 = arith.muli %arg1, %mul3A_92 : i32
    %add3A_94 = arith.constant 240 : i32
    %add3A_95 = arith.addi %mul3A_93, %add3A_94 : i32
    "tpu.region"() ({
      %run_scoped3A = tpu.sem_alloc : memref<!tpu.dma_semaphore, #tpu.memory_space<semaphore_mem>>
      %dma_start3A = arith.constant 0 : i32
      %dma_start3A_128 = tpu.memref_slice %arg6[%arg0, %add3A_95, %dma_start3A] : memref<2x9344x128xf32, #tpu.memory_space<hbm>> -> memref<1x80x128xf32, #tpu.memory_space<hbm>>
      %dma_start3A_129 = tpu.memref_squeeze %dma_start3A_128 : memref<1x80x128xf32, #tpu.memory_space<hbm>> -> memref<80x128xf32, #tpu.memory_space<hbm>>
      %dma_start3A_130 = arith.constant 0 : i32
      %dma_start3A_131 = tpu.memref_slice %arg6[%arg0, %add3A_95, %dma_start3A_130] : memref<2x9344x128xf32, #tpu.memory_space<hbm>> -> memref<1x80x128xf32, #tpu.memory_space<hbm>>
      %dma_start3A_132 = tpu.memref_squeeze %dma_start3A_131 : memref<1x80x128xf32, #tpu.memory_space<hbm>> -> memref<80x128xf32, #tpu.memory_space<hbm>>
      tpu.enqueue_dma source(%arg15 : memref<80x128xf32, #tpu.memory_space<vmem>>) target(%dma_start3A_132 : memref<80x128xf32, #tpu.memory_space<hbm>>) target_semaphore(%run_scoped3A : memref<!tpu.dma_semaphore, #tpu.memory_space<semaphore_mem>>)
      %dma_wait3A_133 = arith.constant 0 : i32
      %dma_wait3A_134 = tpu.memref_slice %arg6[%arg0, %add3A_95, %dma_wait3A_133] : memref<2x9344x128xf32, #tpu.memory_space<hbm>> -> memref<1x80x128xf32, #tpu.memory_space<hbm>>
      %dma_wait3A_135 = tpu.memref_squeeze %dma_wait3A_134 : memref<1x80x128xf32, #tpu.memory_space<hbm>> -> memref<80x128xf32, #tpu.memory_space<hbm>>
      %dma_wait3A_136 = arith.constant 0 : i32
      %dma_wait3A_137 = tpu.memref_slice %arg6[%arg0, %add3A_95, %dma_wait3A_136] : memref<2x9344x128xf32, #tpu.memory_space<hbm>> -> memref<1x80x128xf32, #tpu.memory_space<hbm>>
      %dma_wait3A_138 = tpu.memref_squeeze %dma_wait3A_137 : memref<1x80x128xf32, #tpu.memory_space<hbm>> -> memref<80x128xf32, #tpu.memory_space<hbm>>
      tpu.wait_dma2 semaphore(%run_scoped3A : memref<!tpu.dma_semaphore, #tpu.memory_space<semaphore_mem>>) src(%arg15 : memref<80x128xf32, #tpu.memory_space<vmem>>) dst(%dma_wait3A_138 : memref<80x128xf32, #tpu.memory_space<hbm>>)
      tpu.yield
    }) : () -> ()
    %mul3A_96 = arith.constant 584 : i32
    %mul3A_97 = arith.muli %arg1, %mul3A_96 : i32
    %add3A_98 = arith.constant 320 : i32
    %add3A_99 = arith.addi %mul3A_97, %add3A_98 : i32
    "tpu.region"() ({
      %run_scoped3A = tpu.sem_alloc : memref<!tpu.dma_semaphore, #tpu.memory_space<semaphore_mem>>
      %dma_start3A = arith.constant 0 : i32
      %dma_start3A_128 = tpu.memref_slice %arg16[%add3A_99, %dma_start3A] : memref<9472x128xf32, #tpu.memory_space<vmem_shared>> -> memref<80x128xf32, #tpu.memory_space<vmem_shared>>
      %dma_start3A_129 = arith.constant 0 : i32
      %dma_start3A_130 = tpu.memref_slice %arg16[%add3A_99, %dma_start3A_129] : memref<9472x128xf32, #tpu.memory_space<vmem_shared>> -> memref<80x128xf32, #tpu.memory_space<vmem_shared>>
      tpu.enqueue_dma source(%dma_start3A_130 : memref<80x128xf32, #tpu.memory_space<vmem_shared>>) target(%arg15 : memref<80x128xf32, #tpu.memory_space<vmem>>) target_semaphore(%run_scoped3A : memref<!tpu.dma_semaphore, #tpu.memory_space<semaphore_mem>>)
      %dma_wait3A_131 = arith.constant 0 : i32
      %dma_wait3A_132 = tpu.memref_slice %arg16[%add3A_99, %dma_wait3A_131] : memref<9472x128xf32, #tpu.memory_space<vmem_shared>> -> memref<80x128xf32, #tpu.memory_space<vmem_shared>>
      %dma_wait3A_133 = arith.constant 0 : i32
      %dma_wait3A_134 = tpu.memref_slice %arg16[%add3A_99, %dma_wait3A_133] : memref<9472x128xf32, #tpu.memory_space<vmem_shared>> -> memref<80x128xf32, #tpu.memory_space<vmem_shared>>
      tpu.wait_dma2 semaphore(%run_scoped3A : memref<!tpu.dma_semaphore, #tpu.memory_space<semaphore_mem>>) src(%dma_wait3A_134 : memref<80x128xf32, #tpu.memory_space<vmem_shared>>) dst(%arg15 : memref<80x128xf32, #tpu.memory_space<vmem>>)
      tpu.yield
    }) : () -> ()
    %mul3A_100 = arith.constant 584 : i32
    %mul3A_101 = arith.muli %arg1, %mul3A_100 : i32
    %add3A_102 = arith.constant 320 : i32
    %add3A_103 = arith.addi %mul3A_101, %add3A_102 : i32
    "tpu.region"() ({
      %run_scoped3A = tpu.sem_alloc : memref<!tpu.dma_semaphore, #tpu.memory_space<semaphore_mem>>
      %dma_start3A = arith.constant 0 : i32
      %dma_start3A_128 = tpu.memref_slice %arg6[%arg0, %add3A_103, %dma_start3A] : memref<2x9344x128xf32, #tpu.memory_space<hbm>> -> memref<1x80x128xf32, #tpu.memory_space<hbm>>
      %dma_start3A_129 = tpu.memref_squeeze %dma_start3A_128 : memref<1x80x128xf32, #tpu.memory_space<hbm>> -> memref<80x128xf32, #tpu.memory_space<hbm>>
      %dma_start3A_130 = arith.constant 0 : i32
      %dma_start3A_131 = tpu.memref_slice %arg6[%arg0, %add3A_103, %dma_start3A_130] : memref<2x9344x128xf32, #tpu.memory_space<hbm>> -> memref<1x80x128xf32, #tpu.memory_space<hbm>>
      %dma_start3A_132 = tpu.memref_squeeze %dma_start3A_131 : memref<1x80x128xf32, #tpu.memory_space<hbm>> -> memref<80x128xf32, #tpu.memory_space<hbm>>
      tpu.enqueue_dma source(%arg15 : memref<80x128xf32, #tpu.memory_space<vmem>>) target(%dma_start3A_132 : memref<80x128xf32, #tpu.memory_space<hbm>>) target_semaphore(%run_scoped3A : memref<!tpu.dma_semaphore, #tpu.memory_space<semaphore_mem>>)
      %dma_wait3A_133 = arith.constant 0 : i32
      %dma_wait3A_134 = tpu.memref_slice %arg6[%arg0, %add3A_103, %dma_wait3A_133] : memref<2x9344x128xf32, #tpu.memory_space<hbm>> -> memref<1x80x128xf32, #tpu.memory_space<hbm>>
      %dma_wait3A_135 = tpu.memref_squeeze %dma_wait3A_134 : memref<1x80x128xf32, #tpu.memory_space<hbm>> -> memref<80x128xf32, #tpu.memory_space<hbm>>
      %dma_wait3A_136 = arith.constant 0 : i32
      %dma_wait3A_137 = tpu.memref_slice %arg6[%arg0, %add3A_103, %dma_wait3A_136] : memref<2x9344x128xf32, #tpu.memory_space<hbm>> -> memref<1x80x128xf32, #tpu.memory_space<hbm>>
      %dma_wait3A_138 = tpu.memref_squeeze %dma_wait3A_137 : memref<1x80x128xf32, #tpu.memory_space<hbm>> -> memref<80x128xf32, #tpu.memory_space<hbm>>
      tpu.wait_dma2 semaphore(%run_scoped3A : memref<!tpu.dma_semaphore, #tpu.memory_space<semaphore_mem>>) src(%arg15 : memref<80x128xf32, #tpu.memory_space<vmem>>) dst(%dma_wait3A_138 : memref<80x128xf32, #tpu.memory_space<hbm>>)
      tpu.yield
    }) : () -> ()
    %mul3A_104 = arith.constant 584 : i32
    %mul3A_105 = arith.muli %arg1, %mul3A_104 : i32
    %add3A_106 = arith.constant 400 : i32
    %add3A_107 = arith.addi %mul3A_105, %add3A_106 : i32
    "tpu.region"() ({
      %run_scoped3A = tpu.sem_alloc : memref<!tpu.dma_semaphore, #tpu.memory_space<semaphore_mem>>
      %dma_start3A = arith.constant 0 : i32
      %dma_start3A_128 = tpu.memref_slice %arg16[%add3A_107, %dma_start3A] : memref<9472x128xf32, #tpu.memory_space<vmem_shared>> -> memref<80x128xf32, #tpu.memory_space<vmem_shared>>
      %dma_start3A_129 = arith.constant 0 : i32
      %dma_start3A_130 = tpu.memref_slice %arg16[%add3A_107, %dma_start3A_129] : memref<9472x128xf32, #tpu.memory_space<vmem_shared>> -> memref<80x128xf32, #tpu.memory_space<vmem_shared>>
      tpu.enqueue_dma source(%dma_start3A_130 : memref<80x128xf32, #tpu.memory_space<vmem_shared>>) target(%arg15 : memref<80x128xf32, #tpu.memory_space<vmem>>) target_semaphore(%run_scoped3A : memref<!tpu.dma_semaphore, #tpu.memory_space<semaphore_mem>>)
      %dma_wait3A_131 = arith.constant 0 : i32
      %dma_wait3A_132 = tpu.memref_slice %arg16[%add3A_107, %dma_wait3A_131] : memref<9472x128xf32, #tpu.memory_space<vmem_shared>> -> memref<80x128xf32, #tpu.memory_space<vmem_shared>>
      %dma_wait3A_133 = arith.constant 0 : i32
      %dma_wait3A_134 = tpu.memref_slice %arg16[%add3A_107, %dma_wait3A_133] : memref<9472x128xf32, #tpu.memory_space<vmem_shared>> -> memref<80x128xf32, #tpu.memory_space<vmem_shared>>
      tpu.wait_dma2 semaphore(%run_scoped3A : memref<!tpu.dma_semaphore, #tpu.memory_space<semaphore_mem>>) src(%dma_wait3A_134 : memref<80x128xf32, #tpu.memory_space<vmem_shared>>) dst(%arg15 : memref<80x128xf32, #tpu.memory_space<vmem>>)
      tpu.yield
    }) : () -> ()
    %mul3A_108 = arith.constant 584 : i32
    %mul3A_109 = arith.muli %arg1, %mul3A_108 : i32
    %add3A_110 = arith.constant 400 : i32
    %add3A_111 = arith.addi %mul3A_109, %add3A_110 : i32
    "tpu.region"() ({
      %run_scoped3A = tpu.sem_alloc : memref<!tpu.dma_semaphore, #tpu.memory_space<semaphore_mem>>
      %dma_start3A = arith.constant 0 : i32
      %dma_start3A_128 = tpu.memref_slice %arg6[%arg0, %add3A_111, %dma_start3A] : memref<2x9344x128xf32, #tpu.memory_space<hbm>> -> memref<1x80x128xf32, #tpu.memory_space<hbm>>
      %dma_start3A_129 = tpu.memref_squeeze %dma_start3A_128 : memref<1x80x128xf32, #tpu.memory_space<hbm>> -> memref<80x128xf32, #tpu.memory_space<hbm>>
      %dma_start3A_130 = arith.constant 0 : i32
      %dma_start3A_131 = tpu.memref_slice %arg6[%arg0, %add3A_111, %dma_start3A_130] : memref<2x9344x128xf32, #tpu.memory_space<hbm>> -> memref<1x80x128xf32, #tpu.memory_space<hbm>>
      %dma_start3A_132 = tpu.memref_squeeze %dma_start3A_131 : memref<1x80x128xf32, #tpu.memory_space<hbm>> -> memref<80x128xf32, #tpu.memory_space<hbm>>
      tpu.enqueue_dma source(%arg15 : memref<80x128xf32, #tpu.memory_space<vmem>>) target(%dma_start3A_132 : memref<80x128xf32, #tpu.memory_space<hbm>>) target_semaphore(%run_scoped3A : memref<!tpu.dma_semaphore, #tpu.memory_space<semaphore_mem>>)
      %dma_wait3A_133 = arith.constant 0 : i32
      %dma_wait3A_134 = tpu.memref_slice %arg6[%arg0, %add3A_111, %dma_wait3A_133] : memref<2x9344x128xf32, #tpu.memory_space<hbm>> -> memref<1x80x128xf32, #tpu.memory_space<hbm>>
      %dma_wait3A_135 = tpu.memref_squeeze %dma_wait3A_134 : memref<1x80x128xf32, #tpu.memory_space<hbm>> -> memref<80x128xf32, #tpu.memory_space<hbm>>
      %dma_wait3A_136 = arith.constant 0 : i32
      %dma_wait3A_137 = tpu.memref_slice %arg6[%arg0, %add3A_111, %dma_wait3A_136] : memref<2x9344x128xf32, #tpu.memory_space<hbm>> -> memref<1x80x128xf32, #tpu.memory_space<hbm>>
      %dma_wait3A_138 = tpu.memref_squeeze %dma_wait3A_137 : memref<1x80x128xf32, #tpu.memory_space<hbm>> -> memref<80x128xf32, #tpu.memory_space<hbm>>
      tpu.wait_dma2 semaphore(%run_scoped3A : memref<!tpu.dma_semaphore, #tpu.memory_space<semaphore_mem>>) src(%arg15 : memref<80x128xf32, #tpu.memory_space<vmem>>) dst(%dma_wait3A_138 : memref<80x128xf32, #tpu.memory_space<hbm>>)
      tpu.yield
    }) : () -> ()
    %mul3A_112 = arith.constant 584 : i32
    %mul3A_113 = arith.muli %arg1, %mul3A_112 : i32
    %add3A_114 = arith.constant 480 : i32
    %add3A_115 = arith.addi %mul3A_113, %add3A_114 : i32
    "tpu.region"() ({
      %run_scoped3A = tpu.sem_alloc : memref<!tpu.dma_semaphore, #tpu.memory_space<semaphore_mem>>
      %dma_start3A = arith.constant 0 : i32
      %dma_start3A_128 = tpu.memref_slice %arg16[%add3A_115, %dma_start3A] : memref<9472x128xf32, #tpu.memory_space<vmem_shared>> -> memref<80x128xf32, #tpu.memory_space<vmem_shared>>
      %dma_start3A_129 = arith.constant 0 : i32
      %dma_start3A_130 = tpu.memref_slice %arg16[%add3A_115, %dma_start3A_129] : memref<9472x128xf32, #tpu.memory_space<vmem_shared>> -> memref<80x128xf32, #tpu.memory_space<vmem_shared>>
      tpu.enqueue_dma source(%dma_start3A_130 : memref<80x128xf32, #tpu.memory_space<vmem_shared>>) target(%arg15 : memref<80x128xf32, #tpu.memory_space<vmem>>) target_semaphore(%run_scoped3A : memref<!tpu.dma_semaphore, #tpu.memory_space<semaphore_mem>>)
      %dma_wait3A_131 = arith.constant 0 : i32
      %dma_wait3A_132 = tpu.memref_slice %arg16[%add3A_115, %dma_wait3A_131] : memref<9472x128xf32, #tpu.memory_space<vmem_shared>> -> memref<80x128xf32, #tpu.memory_space<vmem_shared>>
      %dma_wait3A_133 = arith.constant 0 : i32
      %dma_wait3A_134 = tpu.memref_slice %arg16[%add3A_115, %dma_wait3A_133] : memref<9472x128xf32, #tpu.memory_space<vmem_shared>> -> memref<80x128xf32, #tpu.memory_space<vmem_shared>>
      tpu.wait_dma2 semaphore(%run_scoped3A : memref<!tpu.dma_semaphore, #tpu.memory_space<semaphore_mem>>) src(%dma_wait3A_134 : memref<80x128xf32, #tpu.memory_space<vmem_shared>>) dst(%arg15 : memref<80x128xf32, #tpu.memory_space<vmem>>)
      tpu.yield
    }) : () -> ()
    %mul3A_116 = arith.constant 584 : i32
    %mul3A_117 = arith.muli %arg1, %mul3A_116 : i32
    %add3A_118 = arith.constant 480 : i32
    %add3A_119 = arith.addi %mul3A_117, %add3A_118 : i32
    "tpu.region"() ({
      %run_scoped3A = tpu.sem_alloc : memref<!tpu.dma_semaphore, #tpu.memory_space<semaphore_mem>>
      %dma_start3A = arith.constant 0 : i32
      %dma_start3A_128 = tpu.memref_slice %arg6[%arg0, %add3A_119, %dma_start3A] : memref<2x9344x128xf32, #tpu.memory_space<hbm>> -> memref<1x80x128xf32, #tpu.memory_space<hbm>>
      %dma_start3A_129 = tpu.memref_squeeze %dma_start3A_128 : memref<1x80x128xf32, #tpu.memory_space<hbm>> -> memref<80x128xf32, #tpu.memory_space<hbm>>
      %dma_start3A_130 = arith.constant 0 : i32
      %dma_start3A_131 = tpu.memref_slice %arg6[%arg0, %add3A_119, %dma_start3A_130] : memref<2x9344x128xf32, #tpu.memory_space<hbm>> -> memref<1x80x128xf32, #tpu.memory_space<hbm>>
      %dma_start3A_132 = tpu.memref_squeeze %dma_start3A_131 : memref<1x80x128xf32, #tpu.memory_space<hbm>> -> memref<80x128xf32, #tpu.memory_space<hbm>>
      tpu.enqueue_dma source(%arg15 : memref<80x128xf32, #tpu.memory_space<vmem>>) target(%dma_start3A_132 : memref<80x128xf32, #tpu.memory_space<hbm>>) target_semaphore(%run_scoped3A : memref<!tpu.dma_semaphore, #tpu.memory_space<semaphore_mem>>)
      %dma_wait3A_133 = arith.constant 0 : i32
      %dma_wait3A_134 = tpu.memref_slice %arg6[%arg0, %add3A_119, %dma_wait3A_133] : memref<2x9344x128xf32, #tpu.memory_space<hbm>> -> memref<1x80x128xf32, #tpu.memory_space<hbm>>
      %dma_wait3A_135 = tpu.memref_squeeze %dma_wait3A_134 : memref<1x80x128xf32, #tpu.memory_space<hbm>> -> memref<80x128xf32, #tpu.memory_space<hbm>>
      %dma_wait3A_136 = arith.constant 0 : i32
      %dma_wait3A_137 = tpu.memref_slice %arg6[%arg0, %add3A_119, %dma_wait3A_136] : memref<2x9344x128xf32, #tpu.memory_space<hbm>> -> memref<1x80x128xf32, #tpu.memory_space<hbm>>
      %dma_wait3A_138 = tpu.memref_squeeze %dma_wait3A_137 : memref<1x80x128xf32, #tpu.memory_space<hbm>> -> memref<80x128xf32, #tpu.memory_space<hbm>>
      tpu.wait_dma2 semaphore(%run_scoped3A : memref<!tpu.dma_semaphore, #tpu.memory_space<semaphore_mem>>) src(%arg15 : memref<80x128xf32, #tpu.memory_space<vmem>>) dst(%dma_wait3A_138 : memref<80x128xf32, #tpu.memory_space<hbm>>)
      tpu.yield
    }) : () -> ()
    %mul3A_120 = arith.constant 584 : i32
    %mul3A_121 = arith.muli %arg1, %mul3A_120 : i32
    %add3A_122 = arith.constant 560 : i32
    %add3A_123 = arith.addi %mul3A_121, %add3A_122 : i32
    "tpu.region"() ({
      %run_scoped3A = tpu.sem_alloc : memref<!tpu.dma_semaphore, #tpu.memory_space<semaphore_mem>>
      %dma_start3A = arith.constant 0 : i32
      %dma_start3A_128 = arith.constant 0 : i32
      %dma_start3A_129 = tpu.memref_slice %arg15[%dma_start3A, %dma_start3A_128] : memref<80x128xf32, #tpu.memory_space<vmem>> -> memref<24x128xf32, #tpu.memory_space<vmem>>
      %dma_start3A_130 = arith.constant 0 : i32
      %dma_start3A_131 = tpu.memref_slice %arg16[%add3A_123, %dma_start3A_130] : memref<9472x128xf32, #tpu.memory_space<vmem_shared>> -> memref<24x128xf32, #tpu.memory_space<vmem_shared>>
      %dma_start3A_132 = arith.constant 0 : i32
      %dma_start3A_133 = arith.constant 0 : i32
      %dma_start3A_134 = tpu.memref_slice %arg15[%dma_start3A_132, %dma_start3A_133] : memref<80x128xf32, #tpu.memory_space<vmem>> -> memref<24x128xf32, #tpu.memory_space<vmem>>
      %dma_start3A_135 = arith.constant 0 : i32
      %dma_start3A_136 = tpu.memref_slice %arg16[%add3A_123, %dma_start3A_135] : memref<9472x128xf32, #tpu.memory_space<vmem_shared>> -> memref<24x128xf32, #tpu.memory_space<vmem_shared>>
      tpu.enqueue_dma source(%dma_start3A_136 : memref<24x128xf32, #tpu.memory_space<vmem_shared>>) target(%dma_start3A_134 : memref<24x128xf32, #tpu.memory_space<vmem>>) target_semaphore(%run_scoped3A : memref<!tpu.dma_semaphore, #tpu.memory_space<semaphore_mem>>)
      %dma_wait3A_137 = arith.constant 0 : i32
      %dma_wait3A_138 = arith.constant 0 : i32
      %dma_wait3A_139 = tpu.memref_slice %arg15[%dma_wait3A_137, %dma_wait3A_138] : memref<80x128xf32, #tpu.memory_space<vmem>> -> memref<24x128xf32, #tpu.memory_space<vmem>>
      %dma_wait3A_140 = arith.constant 0 : i32
      %dma_wait3A_141 = tpu.memref_slice %arg16[%add3A_123, %dma_wait3A_140] : memref<9472x128xf32, #tpu.memory_space<vmem_shared>> -> memref<24x128xf32, #tpu.memory_space<vmem_shared>>
      %dma_wait3A_142 = arith.constant 0 : i32
      %dma_wait3A_143 = arith.constant 0 : i32
      %dma_wait3A_144 = tpu.memref_slice %arg15[%dma_wait3A_142, %dma_wait3A_143] : memref<80x128xf32, #tpu.memory_space<vmem>> -> memref<24x128xf32, #tpu.memory_space<vmem>>
      %dma_wait3A_145 = arith.constant 0 : i32
      %dma_wait3A_146 = tpu.memref_slice %arg16[%add3A_123, %dma_wait3A_145] : memref<9472x128xf32, #tpu.memory_space<vmem_shared>> -> memref<24x128xf32, #tpu.memory_space<vmem_shared>>
      tpu.wait_dma2 semaphore(%run_scoped3A : memref<!tpu.dma_semaphore, #tpu.memory_space<semaphore_mem>>) src(%dma_wait3A_146 : memref<24x128xf32, #tpu.memory_space<vmem_shared>>) dst(%dma_wait3A_144 : memref<24x128xf32, #tpu.memory_space<vmem>>)
      tpu.yield
    }) : () -> ()
    %mul3A_124 = arith.constant 584 : i32
    %mul3A_125 = arith.muli %arg1, %mul3A_124 : i32
    %add3A_126 = arith.constant 560 : i32
    %add3A_127 = arith.addi %mul3A_125, %add3A_126 : i32
    "tpu.region"() ({
      %run_scoped3A = tpu.sem_alloc : memref<!tpu.dma_semaphore, #tpu.memory_space<semaphore_mem>>
      %dma_start3A = arith.constant 0 : i32
      %dma_start3A_128 = arith.constant 0 : i32
      %dma_start3A_129 = tpu.memref_slice %arg15[%dma_start3A, %dma_start3A_128] : memref<80x128xf32, #tpu.memory_space<vmem>> -> memref<24x128xf32, #tpu.memory_space<vmem>>
      %dma_start3A_130 = arith.constant 0 : i32
      %dma_start3A_131 = tpu.memref_slice %arg6[%arg0, %add3A_127, %dma_start3A_130] : memref<2x9344x128xf32, #tpu.memory_space<hbm>> -> memref<1x24x128xf32, #tpu.memory_space<hbm>>
      %dma_start3A_132 = tpu.memref_squeeze %dma_start3A_131 : memref<1x24x128xf32, #tpu.memory_space<hbm>> -> memref<24x128xf32, #tpu.memory_space<hbm>>
      %dma_start3A_133 = arith.constant 0 : i32
      %dma_start3A_134 = tpu.memref_slice %arg6[%arg0, %add3A_127, %dma_start3A_133] : memref<2x9344x128xf32, #tpu.memory_space<hbm>> -> memref<1x24x128xf32, #tpu.memory_space<hbm>>
      %dma_start3A_135 = tpu.memref_squeeze %dma_start3A_134 : memref<1x24x128xf32, #tpu.memory_space<hbm>> -> memref<24x128xf32, #tpu.memory_space<hbm>>
      %dma_start3A_136 = arith.constant 0 : i32
      %dma_start3A_137 = arith.constant 0 : i32
      %dma_start3A_138 = tpu.memref_slice %arg15[%dma_start3A_136, %dma_start3A_137] : memref<80x128xf32, #tpu.memory_space<vmem>> -> memref<24x128xf32, #tpu.memory_space<vmem>>
      tpu.enqueue_dma source(%dma_start3A_138 : memref<24x128xf32, #tpu.memory_space<vmem>>) target(%dma_start3A_135 : memref<24x128xf32, #tpu.memory_space<hbm>>) target_semaphore(%run_scoped3A : memref<!tpu.dma_semaphore, #tpu.memory_space<semaphore_mem>>)
      %dma_wait3A_139 = arith.constant 0 : i32
      %dma_wait3A_140 = arith.constant 0 : i32
      %dma_wait3A_141 = tpu.memref_slice %arg15[%dma_wait3A_139, %dma_wait3A_140] : memref<80x128xf32, #tpu.memory_space<vmem>> -> memref<24x128xf32, #tpu.memory_space<vmem>>
      %dma_wait3A_142 = arith.constant 0 : i32
      %dma_wait3A_143 = tpu.memref_slice %arg6[%arg0, %add3A_127, %dma_wait3A_142] : memref<2x9344x128xf32, #tpu.memory_space<hbm>> -> memref<1x24x128xf32, #tpu.memory_space<hbm>>
      %dma_wait3A_144 = tpu.memref_squeeze %dma_wait3A_143 : memref<1x24x128xf32, #tpu.memory_space<hbm>> -> memref<24x128xf32, #tpu.memory_space<hbm>>
      %dma_wait3A_145 = arith.constant 0 : i32
      %dma_wait3A_146 = tpu.memref_slice %arg6[%arg0, %add3A_127, %dma_wait3A_145] : memref<2x9344x128xf32, #tpu.memory_space<hbm>> -> memref<1x24x128xf32, #tpu.memory_space<hbm>>
      %dma_wait3A_147 = tpu.memref_squeeze %dma_wait3A_146 : memref<1x24x128xf32, #tpu.memory_space<hbm>> -> memref<24x128xf32, #tpu.memory_space<hbm>>
      %dma_wait3A_148 = arith.constant 0 : i32
      %dma_wait3A_149 = arith.constant 0 : i32
      %dma_wait3A_150 = tpu.memref_slice %arg15[%dma_wait3A_148, %dma_wait3A_149] : memref<80x128xf32, #tpu.memory_space<vmem>> -> memref<24x128xf32, #tpu.memory_space<vmem>>
      tpu.wait_dma2 semaphore(%run_scoped3A : memref<!tpu.dma_semaphore, #tpu.memory_space<semaphore_mem>>) src(%dma_wait3A_150 : memref<24x128xf32, #tpu.memory_space<vmem>>) dst(%dma_wait3A_147 : memref<24x128xf32, #tpu.memory_space<hbm>>)
      tpu.yield
    }) : () -> ()
    return
  }
}

module attributes {stable_mosaic.version = 14 : i64} {
  func.func @_combine(%arg0: memref<2x9344x128xf32, #tpu.memory_space<vmem>>, %arg1: memref<576xf32, #tpu.memory_space<vmem>>, %arg2: memref<576xf32, #tpu.memory_space<vmem>>, %arg3: memref<576xf32, #tpu.memory_space<vmem>>, %arg4: memref<576x32xf32, #tpu.memory_space<vmem>>, %arg5: memref<9261x32xf32, #tpu.memory_space<vmem>>) attributes {dimension_semantics = [], scalar_prefetch = 0 : i64, scratch_operands = 0 : i64, tpu.core_type = #tpu.core_type<tc>} {
    %get3A = arith.constant 0 : index
    %get3A_0 = arith.constant 0 : index
    %get3A_1 = arith.constant 0 : index
    %get3A_2 = vector.load %arg0[%get3A, %get3A_0, %get3A_1] : memref<2x9344x128xf32, #tpu.memory_space<vmem>>, vector<1x9261x32xf32>
    %get3A_3 = vector.shape_cast %get3A_2 : vector<1x9261x32xf32> to vector<9261x32xf32>
    %get3A_4 = arith.constant 1 : index
    %get3A_5 = arith.constant 0 : index
    %get3A_6 = arith.constant 0 : index
    %get3A_7 = vector.load %arg0[%get3A_4, %get3A_5, %get3A_6] : memref<2x9344x128xf32, #tpu.memory_space<vmem>>, vector<1x9261x32xf32>
    %get3A_8 = vector.shape_cast %get3A_7 : vector<1x9261x32xf32> to vector<9261x32xf32>
    %add3A = arith.addf %get3A_3, %get3A_8 : vector<9261x32xf32>
    %get3A_9 = arith.constant 0 : index
    %get3A_10 = vector.load %arg1[%get3A_9] : memref<576xf32, #tpu.memory_space<vmem>>, vector<576xf32>
    %add3A_11 = arith.constant 1.000000e+01 : f32
    %add3A_12 = vector.broadcast %add3A_11 : f32 to vector<576xf32>
    %add3A_13 = arith.addf %get3A_10, %add3A_12 : vector<576xf32>
    %get3A_14 = arith.constant 0 : index
    %get3A_15 = vector.load %arg2[%get3A_14] : memref<576xf32, #tpu.memory_space<vmem>>, vector<576xf32>
    %add3A_16 = arith.constant 1.000000e+01 : f32
    %add3A_17 = vector.broadcast %add3A_16 : f32 to vector<576xf32>
    %add3A_18 = arith.addf %get3A_15, %add3A_17 : vector<576xf32>
    %get3A_19 = arith.constant 0 : index
    %get3A_20 = vector.load %arg3[%get3A_19] : memref<576xf32, #tpu.memory_space<vmem>>, vector<576xf32>
    %add3A_21 = arith.constant 1.000000e+01 : f32
    %add3A_22 = vector.broadcast %add3A_21 : f32 to vector<576xf32>
    %add3A_23 = arith.addf %get3A_20, %add3A_22 : vector<576xf32>
    %ge3A = arith.constant -5.000000e-01 : f32
    %ge3A_24 = vector.broadcast %ge3A : f32 to vector<576xf32>
    %ge3A_25 = arith.cmpf oge, %add3A_13, %ge3A_24 : vector<576xf32>
    %le3A = arith.constant 2.050000e+01 : f32
    %le3A_26 = vector.broadcast %le3A : f32 to vector<576xf32>
    %le3A_27 = arith.cmpf ole, %add3A_13, %le3A_26 : vector<576xf32>
    %and3A = arith.andi %ge3A_25, %le3A_27 : vector<576xi1>
    %ge3A_28 = arith.constant -5.000000e-01 : f32
    %ge3A_29 = vector.broadcast %ge3A_28 : f32 to vector<576xf32>
    %ge3A_30 = arith.cmpf oge, %add3A_18, %ge3A_29 : vector<576xf32>
    %and3A_31 = arith.andi %and3A, %ge3A_30 : vector<576xi1>
    %le3A_32 = arith.constant 2.050000e+01 : f32
    %le3A_33 = vector.broadcast %le3A_32 : f32 to vector<576xf32>
    %le3A_34 = arith.cmpf ole, %add3A_18, %le3A_33 : vector<576xf32>
    %and3A_35 = arith.andi %and3A_31, %le3A_34 : vector<576xi1>
    %ge3A_36 = arith.constant -5.000000e-01 : f32
    %ge3A_37 = vector.broadcast %ge3A_36 : f32 to vector<576xf32>
    %ge3A_38 = arith.cmpf oge, %add3A_23, %ge3A_37 : vector<576xf32>
    %and3A_39 = arith.andi %and3A_35, %ge3A_38 : vector<576xi1>
    %le3A_40 = arith.constant 2.050000e+01 : f32
    %le3A_41 = vector.broadcast %le3A_40 : f32 to vector<576xf32>
    %le3A_42 = arith.cmpf ole, %add3A_23, %le3A_41 : vector<576xf32>
    %and3A_43 = arith.andi %and3A_39, %le3A_42 : vector<576xi1>
    %add3A_44 = arith.constant 5.000000e-01 : f32
    %add3A_45 = vector.broadcast %add3A_44 : f32 to vector<576xf32>
    %add3A_46 = arith.addf %add3A_13, %add3A_45 : vector<576xf32>
    %convert_element_type3A = arith.fptosi %add3A_46 : vector<576xf32> to vector<576xi32>
    %min3A = arith.constant 20 : i32
    %min3A_47 = vector.broadcast %min3A : i32 to vector<576xi32>
    %min3A_48 = arith.minsi %convert_element_type3A, %min3A_47 : vector<576xi32>
    %add3A_49 = arith.constant 5.000000e-01 : f32
    %add3A_50 = vector.broadcast %add3A_49 : f32 to vector<576xf32>
    %add3A_51 = arith.addf %add3A_18, %add3A_50 : vector<576xf32>
    %convert_element_type3A_52 = arith.fptosi %add3A_51 : vector<576xf32> to vector<576xi32>
    %min3A_53 = arith.constant 20 : i32
    %min3A_54 = vector.broadcast %min3A_53 : i32 to vector<576xi32>
    %min3A_55 = arith.minsi %convert_element_type3A_52, %min3A_54 : vector<576xi32>
    %add3A_56 = arith.constant 5.000000e-01 : f32
    %add3A_57 = vector.broadcast %add3A_56 : f32 to vector<576xf32>
    %add3A_58 = arith.addf %add3A_23, %add3A_57 : vector<576xf32>
    %convert_element_type3A_59 = arith.fptosi %add3A_58 : vector<576xf32> to vector<576xi32>
    %min3A_60 = arith.constant 20 : i32
    %min3A_61 = vector.broadcast %min3A_60 : i32 to vector<576xi32>
    %min3A_62 = arith.minsi %convert_element_type3A_59, %min3A_61 : vector<576xi32>
    %mul3A = arith.constant 441 : i32
    %mul3A_63 = vector.broadcast %mul3A : i32 to vector<576xi32>
    %mul3A_64 = arith.muli %min3A_48, %mul3A_63 : vector<576xi32>
    %mul3A_65 = arith.constant 21 : i32
    %mul3A_66 = vector.broadcast %mul3A_65 : i32 to vector<576xi32>
    %mul3A_67 = arith.muli %min3A_55, %mul3A_66 : vector<576xi32>
    %add3A_68 = arith.addi %mul3A_64, %mul3A_67 : vector<576xi32>
    %add3A_69 = arith.addi %add3A_68, %min3A_62 : vector<576xi32>
    %jit3A = arith.constant -1 : i32
    %broadcast_in_dim3A = vector.broadcast %jit3A : i32 to vector<576xi32>
    %select_n3A = arith.select %and3A_43, %add3A_69, %broadcast_in_dim3A : vector<576xi1>, vector<576xi32>
    %iota3A = tpu.iota {dimensions = array<i32: 0>} : vector<9261x576xi32>
    %broadcast_in_dim3A_70 = vector.shape_cast %select_n3A : vector<576xi32> to vector<1x576xi32>
    %eq3A = vector.broadcast %broadcast_in_dim3A_70 : vector<1x576xi32> to vector<9261x576xi32>
    %eq3A_71 = arith.cmpi eq, %iota3A, %eq3A : vector<9261x576xi32>
    %convert_element_type3A_72 = arith.extui %eq3A_71 : vector<9261x576xi1> to vector<9261x576xi32>
    %convert_element_type3A_73 = arith.sitofp %convert_element_type3A_72 : vector<9261x576xi32> to vector<9261x576xf32>
    %get3A_74 = arith.constant 0 : index
    %get3A_75 = arith.constant 0 : index
    %get3A_76 = vector.load %arg4[%get3A_74, %get3A_75] : memref<576x32xf32, #tpu.memory_space<vmem>>, vector<576x32xf32>
    %dot_general3A = arith.constant dense<0.000000e+00> : vector<9261x32xf32>
    %dot_general3A_77 = tpu.matmul %convert_element_type3A_73, %get3A_76, %dot_general3A {dimension_numbers = #tpu.dot_dimension_numbers<[1], [0], [0], [1], [0, 0, 1, 1], [], []>, transpose_lhs_hint = false} : vector<9261x576xf32>, vector<576x32xf32>, vector<9261x32xf32> -> vector<9261x32xf32>
    %add3A_78 = arith.addf %add3A, %dot_general3A_77 : vector<9261x32xf32>
    %swap3A = arith.constant 0 : index
    %swap3A_79 = arith.constant 0 : index
    %swap3A_80 = vector.load %arg5[%swap3A, %swap3A_79] : memref<9261x32xf32, #tpu.memory_space<vmem>>, vector<9261x32xf32>
    tpu.vector_store %arg5[%swap3A, %swap3A_79], %add3A_78 {strides = array<i32>} : memref<9261x32xf32, #tpu.memory_space<vmem>>, vector<9261x32xf32>,
    return
  }
}

</mosaic_0001>

<sc_bundles>
// kernel: kernel.4.cloned.1.call-start
scs
__scs_entry_jumppad:
0x0: {  	(pc) =	sbr.rel $0x88, $3  }
0x1: {  	(tag) =	ssettag $0x0;
	lr =	simm.s32 $0x1  }
0x2: {  	[smem:$0x3F9F] =	sst lr;
	_ =	strace $0xD0000000  }
0x3: {  	_ = 	snop  }
0x4: {  	_ = 	snop  }
0x5: {  	_ = 	snop  }
0x6: {  	_ = 	snop  }
0x7: {  	_ = 	snop  }
__scs_overlays_trampoline_lowered:
0x8: {  	[smem:$0x3FAE] =	sst s0  }
0x9: {  	[smem:$0x3FAF] =	sst s1  }
0xa: {  	[smem:$0x3FB0] =	sst s2  }
0xb: {  	[smem:$0x3FB1] =	sst s3  }
0xc: {  	[smem:$0x3FB2] =	sst s4  }
0xd: {  	[smem:$0x3FB3] =	sst s5  }
0xe: {  	[smem:$0x3FB4] =	sst s6  }
0xf: {  	[smem:$0x3FB5] =	sst s7  }
0x10: {  	[smem:$0x3FB6] =	sst s8  }
0x11: {  	[smem:$0x3FB7] =	sst s9;
	s0 =	simm.s32 @!p0 $0x0  }
0x12: {  	s1 =	sld [smem:$0x3F9D];
	s0 =	simm.s32 @p0 $0x1  }
0x13: {  	[smem:$0x3FB8] =	sst s0;
	s0 =	simm.s32 @!p1 $0x0  }
0x14: {  	s2 =	sld [smem:$0x3F9C];
	s0 =	simm.s32 @p1 $0x1  }
0x15: {  	[smem:$0x3FB9] =	sst s0;
	s0 =	simm.s32 @!p2 $0x0  }
0x16: {  	s3 =	sld [smem:$0x3FDB];
	s0 =	simm.s32 @p2 $0x1  }
0x17: {  	s4 =	simm.s32 $0x1BF5;
	[smem:$0x3FBB] =	sst s0  }
0x18: {  	s0 =	sld [smem:$0x3F9E];
	_ =	swait.ge [sflag:s4], $0x0  }
0x19: {  	s7 =	sld [smem:$0x3F9F]  }
0x1a: {  	s8 =	sadd.s32 $0xFFFFE003, lr  }
0x1b: {  	s9 =	sadd.s32 $0xFFFFFEF7, lr;
	s5 =	simm.s32 $0xFFFFFFFF;
	p2 =	slt.u32 s8, $0xFFFFF086  }
0x1c: {  	p1 =	slt.u32 s9, $0xF7A;
	s5 =	simm.s32 @!p2 $0x0  }
0x1d: {  	s5 =	simm.s32 @p1 $0x1;
	p0 =	seq.s32 s7, s2  }
0x1e: {  	s7 =	smul.u32 @!p0 $0xF7A, s2;
	p2 =	seq.s32 @!p0 s5, $0x0  }
0x1f: {  	s9 =	smul.u32 $0xF7A, s1;
	s8 =	simm.s32 @!p0 $0x1BF5;
	p2 =	por !p2, p0  }
0x20: {  	[sflag:s8] =	ssyncset.s32 @!p0 $0xFFFFF086;
	s6 =	sadd.s32 @!p0 s3, s7;
	s7 =	simm.s32 @!p0 $0x108  }
0x21: {  	s3 =	sadd.s32 s3, s9;
	s6 =	sadd.s32 @!p0 $0x88, s6;
	s7 =	simm.s32 @p2 $0x1082  }
0x22: {  	[simem:s7], [sflag:s8] =	dma.local @!p0 [hbm:s6], $0xF7A  }
0x23: {  	s9 =	sor.u32 $0xD0000000, s2;
	s6 =	simm.s32 $0x108;
	_ =	swait.ge @!p0 [sflag:s8], $0x0  }
0x24: {  	s3 =	sadd.s32 $0x88, s3;
	s6 =	simm.s32 @!p1 $0x1082;
	[sflag:s4] =	ssyncset.s32 $0xFFFFF086  }
0x25: {  	[simem:s6], [sflag:s4] =	dma.local [hbm:s3], $0xF7A  }
0x26: {  	[smem:$0x3F9F] =	sst s1;
	(tag) =	ssettag s2;
	_ =	strace s9  }
0x27: {  	s1 =	sld [smem:$0x3FAF]  }
0x28: {  	s2 =	sld [smem:$0x3FB0]  }
0x29: {  	s4 =	sld [smem:$0x3FB2]  }
0x2a: {  	p0 =	seq.s32 s5, $0x0;
	s5 =	sld [smem:$0x3FB3]  }
0x2b: {  	s6 =	sld [smem:$0x3FB4]  }
0x2c: {  	s7 =	sld [smem:$0x3FB5]  }
0x2d: {  	s3 =	simm.s32 $0x108;
	s8 =	sld [smem:$0x3FB6]  }
0x2e: {  	s3 =	simm.s32 @!p0 $0x1082;
	s9 =	sld [smem:$0x3FB7]  }
0x2f: {  	lr =	sadd.s32 s0, s3;
	s0 =	sld [smem:$0x3FAE]  }
0x30: {  	s3 =	sld [smem:$0x3FB1]  }
0x31: {  	[smem:$0x3FBA] =	sst s10  }
0x32: {  	s10 =	sld [smem:$0x3FB8];
	_ =	sdelay $0x3  }
0x33: {  	p0 =	seq.s32 s10, $0x1;
	s10 =	sld [smem:$0x3FBA];
	_ =	sdelay $0x3  }
0x34: {  	[smem:$0x3FBA] =	sst s10  }
0x35: {  	s10 =	sld [smem:$0x3FB9];
	_ =	sdelay $0x3  }
0x36: {  	p1 =	seq.s32 s10, $0x1;
	s10 =	sld [smem:$0x3FBA];
	_ =	sdelay $0x3  }
0x37: {  	[smem:$0x3FBA] =	sst s10  }
0x38: {  	s10 =	sld [smem:$0x3FBB]  }
0x39: {  	_ = 	snop;
	(pc) =	sbr.ind lr, $3  }
0x3a: {  	_ = 	snop  }
0x3b: {  	_ = 	snop  }
0x3c: {  	p2 =	seq.s32 s10, $0x1;
	s10 =	sld [smem:$0x3FBA]  }
0x3d: {  	_ =	shalt  }
0x3e: {  	_ =	shalt  }
0x3f: {  	_ =	shalt  }
0x40: {  	_ =	shalt  }
0x41: {  	_ =	shalt  }
0x42: {  	_ =	shalt  }
0x43: {  	_ =	shalt  }
0x44: {  	_ =	shalt  }
0x45: {  	_ =	shalt  }
0x46: {  	_ =	shalt  }
0x47: {  	_ =	shalt  }
0x48: {  	_ =	shalt  }
0x49: {  	_ =	shalt  }
0x4a: {  	_ =	shalt  }
0x4b: {  	_ =	shalt  }
0x4c: {  	_ =	shalt  }
0x4d: {  	_ =	shalt  }
0x4e: {  	_ =	shalt  }
0x4f: {  	_ =	shalt  }
0x50: {  	_ =	shalt  }
0x51: {  	_ =	shalt  }
0x52: {  	_ =	shalt  }
0x53: {  	_ =	shalt  }
0x54: {  	_ =	shalt  }
0x55: {  	_ =	shalt  }
0x56: {  	_ =	shalt  }
0x57: {  	_ =	shalt  }
0x58: {  	_ =	shalt  }
0x59: {  	_ =	shalt  }
0x5a: {  	_ =	shalt  }
0x5b: {  	_ =	shalt  }
0x5c: {  	_ =	shalt  }
0x5d: {  	_ =	shalt  }
0x5e: {  	_ =	shalt  }
0x5f: {  	_ =	shalt  }
0x60: {  	_ =	shalt  }
0x61: {  	_ =	shalt  }
0x62: {  	_ =	shalt  }
0x63: {  	_ =	shalt  }
0x64: {  	_ =	shalt  }
0x65: {  	_ =	shalt  }
0x66: {  	_ =	shalt  }
0x67: {  	_ =	shalt  }
0x68: {  	_ =	shalt  }
0x69: {  	_ =	shalt  }
0x6a: {  	_ =	shalt  }
0x6b: {  	_ =	shalt  }
0x6c: {  	_ =	shalt  }
0x6d: {  	_ =	shalt  }
0x6e: {  	_ =	shalt  }
0x6f: {  	_ =	shalt  }
0x70: {  	_ =	shalt  }
0x71: {  	_ =	shalt  }
0x72: {  	_ =	shalt  }
0x73: {  	_ =	shalt  }
0x74: {  	_ =	shalt  }
0x75: {  	_ =	shalt  }
0x76: {  	_ =	shalt  }
0x77: {  	_ =	shalt  }
0x78: {  	_ =	shalt  }
0x79: {  	_ =	shalt  }
0x7a: {  	_ =	shalt  }
0x7b: {  	_ =	shalt  }
0x7c: {  	_ =	shalt  }
0x7d: {  	_ =	shalt  }
0x7e: {  	_ =	shalt  }
0x7f: {  	_ =	shalt  }
0x80: {  	_ =	shalt  }
0x81: {  	_ =	shalt  }
0x82: {  	_ =	shalt  }
0x83: {  	_ =	shalt  }
0x84: {  	_ =	shalt  }
0x85: {  	_ =	shalt  }
0x86: {  	_ =	shalt  }
0x87: {  	_ =	shalt  }
.Lfunc_end0:
.L_simem_size_0:
called_computation_lowered:
.L_overlay_start_0:
0x88: {  	s2 =	sld [smem:$0x3FD9]  }
0x89: {  	s3 =	sld [smem:$0x3FFE];
	_ =	sdelay $0x1  }
0x8a: {  	s1 =	srdreg.scid  }
0x8b: {  	s0 =	sand.u32 $0x1, s1  }
0x8c: {  	s17 =	sshll.u32 s0, $0xA;
	s2 =	sadd.s32 s3, s2  }
0x8d: {  	s2 =	sadd.s32 s2, s17  }
0x8e: {  	[smem:$0x3FC6] =	sst s2  }
0x8f: {  	_ = 	snop  }
0x90: {  	s2 =	sld [smem:$0x3FC8]  }
0x91: {  	s18 =	sld [smem:$0x3FD0];
	(tm) =	ssettm $0x1  }
0x92: {  	s4 =	sld [smem:$0x3FFB];
	_ =	sdelay $0x3  }
0x93: {  	_ =	strace s4  }
0x94: {  	s4 =	sld [smem:$0x3FFC];
	_ =	sdelay $0x3  }
0x95: {  	_ =	strace s4  }
0x96: {  	s4 =	sld [smem:$0x3FFD];
	_ =	sdelay $0x3  }
0x97: {  	_ =	strace s4  }
0x98: {  	_ =	strace $0x8FFFFFFF  }
0x99: {  	s19 =	sld [smem:$0x3FDB];
	_ =	sdelay $0x1  }
0x9a: {  	s5 =	simm.s32 $_scs_section_size  }
0x9b: {  	s6 =	simm.s32 $_size__tile_overlayer_lowered;
	s7 =	simm.s32 $_tile_overlayer_lowered  }
0x9c: {  	s22 =	simm.s32 $0x1BFF;
	s21 =	sshll.u32 s7, $0x1;
	s4 =	sadd.s32 s5, s19  }
0x9d: {  	s8 =	simm.s32 $0x0;
	s20 =	sshll.u32 s6, $0x1;
	s6 =	sadd.s32 s21, s4  }
0x9e: {  	[timem:s8], [sflag:s22] =	dma.local [hbm:s6], s20  }
0x9f: {  	_ =	swait.ge [sflag:s22], s20  }
0xa0: {  	s5 =	ssub.s32 $0x0, s20;
	[sflag:s22] =	ssyncset.done $0x0  }
0xa1: {  	[sflag:s22] =	ssyncadd.s32 s5;
	_ =	sdelay $0x1  }
0xa2: {  	s23 =	simm.s32 $0x1B8B  }
0xa3: {  	_ =	swait.ge [sflag:s23], $0x1  }
0xa4: {  	[sflag:s23] =	ssyncset.done $0x0  }
0xa5: {  	s25 =	simm.s32 $0x1B8E;
	s24 =	sld [smem:$0x3FFE];
	[sflag:s23] =	ssyncadd.s32 $0xFFFFFFFF  }
0xa6: {  	s26 =	simm.s32 $execute0_lowered;
	[smem:$0x3FD2] =	sst s25  }
0xa7: {  	s6 =	sshll.u32 s26, $0x1;
	_ =	strace $0x80000046;
	[dreg:$0x1] =	wrdreg $0xFFFFFFFF  }
0xa8: {  	s28 =	simm.s32 $_size_execute0_lowered;
	s4 =	sadd.s32 s4, s6;
	[dreg:$0x0] =	wrdreg $0x0  }
0xa9: {  	s6 =	sshll.u32 s28, $0x1;
	[dreg:$0x2] =	wrdreg s4  }
0xaa: {  	[dreg:$0x3] =	wrdreg s6  }
0xab: {  	[dreg:$0x4] =	wrdreg $0xC0  }
0xac: {  	_ =	task [dreg:s8], $0x5FFFF  }
0xad: {  	[dreg:$0x1] =	wrdreg $0xFFFFFFFF  }
0xae: {  	[dreg:$0x0] =	wrdreg $0x60  }
0xaf: {  	[dreg:$0x2] =	wrdreg s24  }
0xb0: {  	[dreg:$0x3] =	wrdreg s18  }
0xb1: {  	[dreg:$0x4] =	wrdreg s2  }
0xb2: {  	[dreg:$0x5] =	wrdreg $0xD2000  }
0xb3: {  	[dreg:$0x6] =	wrdreg $0x9  }
0xb4: {  	_ =	task.clear_ibuf [dreg:s8], $0x7FFFF;
	_ =	strace $0x90000046  }
0xb5: {  	s29 =	simm.s32 $0x9;
	_ =	strace $0x80000048  }
0xb6: {  	_ =	swait.ge [sflag:s29], $0x1  }
0xb7: {  	[sflag:s29] =	ssyncadd.s32 $0xFFFFFFFF  }
0xb8: {  	_ =	strace $0x90000048  }
0xb9: {  	_ =	sfence  }
0xba: {  	s30 =	sld [smem:$0x0];
	_ =	sdelay $0x2  }
0xbb: {  	s31 =	sshll.u32 s1, $0xD;
	s1 =	sshrl.u32 s1, $0x2  }
0xbc: {  	s3 =	sand.u32 $0x4000, s31;
	s1 =	sadd.s32 s1, s30  }
0xbd: {  	s0 =	sor.u32 s3, s0;
	s1 =	sshll.u32 s1, $0x11  }
0xbe: {  	s0 =	sor.u32 s1, s0  }
0xbf: {  	s0 =	sadd.s32 $0x8F2B, s0  }
0xc0: {  	[sflag:s0] =	ssyncadd.remote.s32 $0x1  }
0xc1: {  	_ =	sfence.sel $0xFFFF  }
0xc2: {  	[dreg:$0x0] =	wrdreg $0xFFFFFFFF;
	(pc) =	sbr.abs _section_cstart, $3  }
0xc3: {  	[dreg:$0x1] =	wrdreg $0xFFFFFFFF  }
0xc4: {  	_ =	task.clear_ibuf [dreg:s8], $0x2FFFF;
	_ =	strace $0x9FFFFFFF  }
0xc5: {  	(tm) =	ssettm $0x7FFFFFFF  }
tec
execute0_lowered:
.L_overlay_start_1:
0x0: {  	(tag) =	ssettag $0x1  }
0x1: {  	s1 =	rddreg [dreg:$0x0]  }
0x2: {  	s3 =	rddreg [dreg:$0x2]  }
0x3: {  	s5 =	rddreg [dreg:$0x3]  }
0x4: {  	s0 =	srdreg.scid;
	s2 =	stileid.u32  }
0x5: {  	s18 =	simm.s32 $0x0;
	s0 =	sand.u32 $0x1, s0;
	s8 =	smul.u32 $0x12400, s2  }
0x6: {  	s9 =	sadd.s32 $0x3D400, s1;
	s14 =	sshll.u32 s2, $0x1;
	s11 =	smul.u32 $0x4A000, s2  }
0x7: {  	[smem:$0x7FF] =	sst s18;
	s4 =	ssub.s32 $0x2, s0;
	s6 =	smul.u32 $0x124000, s0  }
0x8: {  	s0 =	sor.u32 s0, s14;
	s7 =	sshrl.u32 s4, $0x1;
	s10 =	sadd.s32 $0x2800, s8  }
0x9: {  	s13 =	sadd.s32 $0x7800, s8;
	s22 =	sadd.s32 $0xC800, s8;
	s4 =	ssub.s32 s4, s7  }
0xa: {  	s15 =	sadd.s32 s8, s6;
	s12 =	sadd.s32 s6, s10;
	s14 =	sadd.s32 s6, s13  }
0xb: {  	s23 =	sadd.s32 s6, s22;
	s7 =	sshrl.u32 s15, $0x3;
	s16 =	sshrl.u32 s12, $0x3  }
0xc: {  	s12 =	sadd.s32 $0x5000, s8;
	s15 =	sadd.s32 $0xA000, s8;
	s19 =	sshrl.u32 s14, $0x3  }
0xd: {  	s7 =	sadd.s32 s9, s7;
	s17 =	sadd.s32 s6, s12;
	s20 =	sadd.s32 s6, s15  }
0xe: {  	[dreg:$0x5] =	wrdreg s7;
	s7 =	sadd.s32 s9, s16;
	s21 =	sshrl.u32 s20, $0x3  }
0xf: {  	[dreg:$0x6] =	wrdreg s7;
	s7 =	sshrl.u32 s17, $0x3;
	s17 =	sadd.s32 $0xF000, s8  }
0x10: {  	s8 =	sadd.s32 $0x11800, s8;
	s7 =	sadd.s32 s9, s7;
	s16 =	sadd.s32 s6, s17  }
0x11: {  	s6 =	sadd.s32 s6, s8;
	[dreg:$0x7] =	wrdreg s7;
	s7 =	sadd.s32 s9, s19  }
0x12: {  	s6 =	sshrl.u32 s6, $0x3;
	[dreg:$0x8] =	wrdreg s7;
	s7 =	sadd.s32 s9, s21  }
0x13: {  	s26 =	sadd.s32 s9, s6;
	[dreg:$0x9] =	wrdreg s7;
	s7 =	sshrl.u32 s23, $0x3  }
0x14: {  	s24 =	sshrl.u32 s16, $0x3;
	[dreg:$0xc] =	wrdreg s26;
	s7 =	sadd.s32 s9, s7  }
0x15: {  	[dreg:$0xa] =	wrdreg s7;
	s7 =	sadd.s32 s9, s24  }
0x16: {  	s29 =	sshrl.u32 s11, $0x2;
	s10 =	sadd.s32 s10, s5;
	[dreg:$0xb] =	wrdreg s7  }
0x17: {  	s11 =	sadd.s32 s12, s5;
	_ =	strace $0x80000047;
	[dreg:$0xf] =	wrdreg s10  }
0x18: {  	s12 =	sadd.s32 s13, s5;
	[dreg:$0x10] =	wrdreg s11  }
0x19: {  	s13 =	sadd.s32 s15, s5;
	[dreg:$0x11] =	wrdreg s12  }
0x1a: {  	s15 =	sadd.s32 s22, s5;
	[dreg:$0x12] =	wrdreg s13  }
0x1b: {  	s28 =	simm.s32 $0x4;
	s18 =	sadd.s32 s17, s5;
	[dreg:$0x13] =	wrdreg s15  }
0x1c: {  	s30 =	simm.s32 $0x0;
	s19 =	sadd.s32 s8, s5;
	[dreg:$0x14] =	wrdreg s18  }
0x1d: {  	s31 =	sadd.s32 s29, s5;
	s20 =	smax.u32 s4, $0x1;
	[dreg:$0x15] =	wrdreg s19  }
0x1e: {  	s25 =	smul.u32 $0x49000, s2;
	s21 =	sadd.s32 $0x2800, s31;
	[dreg:$0x16] =	wrdreg s20  }
0x1f: {  	s2 =	simm.s32 $0x0;
	s22 =	sadd.s32 $0x5000, s31;
	[dreg:$0x17] =	wrdreg s21  }
0x20: {  	s29 =	sadd.s32 $0xF000, s31;
	s23 =	sadd.s32 $0x7800, s31;
	[dreg:$0x18] =	wrdreg s22  }
0x21: {  	s14 =	simm.s32 $0x200;
	s24 =	sadd.s32 $0xA000, s31;
	[dreg:$0x19] =	wrdreg s23  }
0x22: {  	s7 =	sshrl.u32 s25, $0x2;
	s25 =	sadd.s32 $0xC800, s31;
	[dreg:$0x1a] =	wrdreg s24  }
0x23: {  	s17 =	simm.s32 $0x400;
	s16 =	smul.u32 $0x7A00, s0;
	[dreg:$0x1b] =	wrdreg s25  }
0x24: {  	s8 =	sadd.s32 $0x80, s3;
	s6 =	simm.s32 $0xAA00;
	[dreg:$0x1c] =	wrdreg s29  }
0x25: {  	s26 =	sadd.s32 $0x1EA00, s1;
	s9 =	sadd.s32 s7, s5;
	[dreg:$0xd] =	wrdreg s31  }
0x26: {  	v9 =	vlaneseq.u32;
	s31 =	sadd.s32 $0x11800, s31;
	s10 =	sadd.s32 $0x180, s3;
	s12 =	simm.s32 $0x5  }
0x27: {  	v0 =	vimm.f32 $0.0e+00;
	v1 =	vor.u32 $0x2480, v9;
	s13 =	simm.s32 $0x1;
	s18 =	simm.s32 $0x7A1400;
	s19 =	simm.s32 $0xA00  }
0x28: {  	v2 =	vor.u32 $0x2490, v9;
	v3 =	vor.u32 $0x24A0, v9;
	v4 =	vmul.u32 $0x80, v9;
	s20 =	simm.s32 $0x1A00;
	s21 =	simm.s32 $0x80;
	s22 =	simm.s32 $0x2A00  }
0x29: {  	v5 =	vor.u32 $0x24B0, v9;
	v6 =	vor.u32 $0x24C0, v9;
	v7 =	vor.u32 $0x24D0, v9;
	s23 =	simm.s32 $0x2;
	s24 =	simm.s32 $0x6A00;
	[dreg:$0xe] =	wrdreg s9  }
0x2a: {  	v8 =	vor.u32 $0x24E0, v9;
	v9 =	vor.u32 $0x24F0, v9;
	v10 =	vor.u32 $0x800, v4;
	s25 =	simm.s32 $0x3;
	[dreg:$0x1d] =	wrdreg s31;
	s9 =	sadd.s32 $0x100, s3  }
.LBB2_1:
0x2b: {  	s0 =	simm.s32 $0x0;
	s4 =	simm.s32 $0x200  }
.LBB2_2:
0x2c: {  	p0 =	sne.s32 s4, $0x9E00;
	[tilespmem:s0+$0xAA70] =	vst v0  }
0x2d: {  	[tilespmem:s0+$0xAA00] =	vst v0  }
0x2e: {  	[tilespmem:s0+$0xAA10] =	vst v0  }
.Ltmp0:
0x2f: {  	[tilespmem:s0+$0xAA20] =	vst v0;
	(pc) =	sbr.rel @p0 .LBB2_2-.Ltmp0, $4  }
0x30: {  	[tilespmem:s0+$0xAA30] =	vst v0  }
0x31: {  	[tilespmem:s0+$0xAA40] =	vst v0  }
0x32: {  	[tilespmem:s0+$0xAA50] =	vst v0  }
0x33: {  	[tilespmem:s0+$0xAA60] =	vst v0;
	s0 =	sshra.s32 s4, $0x2;
	s4 =	sadd.s32 $0x200, s4  }
0x34: {  	[tilespmem:s0+$0xAA70] =	vst v0  }
0x35: {  	[tilespmem:s0+$0xAA00] =	vst v0  }
0x36: {  	[tilespmem:s0+$0xAA10] =	vst v0  }
0x37: {  	[tilespmem:s0+$0xAA20] =	vst v0  }
0x38: {  	[tilespmem:s0+$0xAA30] =	vst v0  }
0x39: {  	[tilespmem:s0+$0xAA40] =	vst v0  }
0x3a: {  	[tilespmem:s0+$0xAA50] =	vst v0  }
0x3b: {  	[tilespmem:s0+$0xAA60] =	vst v0;
	s0 =	simm.s32 $0x0;
	s4 =	simm.s32 $0x200  }
.LBB2_4:
0x3c: {  	p0 =	sne.s32 s4, $0xFE00;
	[tilespmem:s0+$0x6A70] =	vst v0  }
0x3d: {  	[tilespmem:s0+$0x2A20] =	vst v0  }
0x3e: {  	[tilespmem:s0+$0x6A20] =	vst v0  }
0x3f: {  	[tilespmem:s0+$0x2A30] =	vst v0  }
0x40: {  	[tilespmem:s0+$0x6A30] =	vst v0  }
0x41: {  	[tilespmem:s0+$0x2A40] =	vst v0  }
0x42: {  	[tilespmem:s0+$0x6A40] =	vst v0  }
.Ltmp1:
0x43: {  	[tilespmem:s0+$0x2A50] =	vst v0;
	(pc) =	sbr.rel @p0 .LBB2_4-.Ltmp1, $4  }
0x44: {  	[tilespmem:s0+$0x6A50] =	vst v0  }
0x45: {  	[tilespmem:s0+$0x2A60] =	vst v0  }
0x46: {  	[tilespmem:s0+$0x6A60] =	vst v0  }
0x47: {  	[tilespmem:s0+$0x2A70] =	vst v0;
	s0 =	sshra.s32 s4, $0x2;
	s4 =	sadd.s32 $0x200, s4  }
0x48: {  	[tilespmem:s0+$0x6A70] =	vst v0  }
0x49: {  	[tilespmem:s0+$0x2A20] =	vst v0  }
0x4a: {  	[tilespmem:s0+$0x6A20] =	vst v0  }
0x4b: {  	[tilespmem:s0+$0x2A30] =	vst v0  }
0x4c: {  	[tilespmem:s0+$0x6A30] =	vst v0  }
0x4d: {  	[tilespmem:s0+$0x2A40] =	vst v0  }
0x4e: {  	[tilespmem:s0+$0x6A40] =	vst v0  }
0x4f: {  	[tilespmem:s0+$0x2A50] =	vst v0  }
0x50: {  	[tilespmem:s0+$0x6A50] =	vst v0  }
0x51: {  	[tilespmem:s0+$0x2A60] =	vst v0  }
0x52: {  	[dreg:$0x1e] =	wrdreg s2;
	[tilespmem:s0+$0x6A60] =	vst v0  }
0x53: {  	[tilespmem:s0+$0x2A70] =	vst v0;
	s15 =	rddreg [dreg:$0xd]  }
0x54: {  	[spmem:s15] =	stream.linear.scatter [tilespmem:s6], [sflag:$0x5], $0x2800, $0x38;
	[tilespmem:$0x1FA00] =	vst v63  }
0x55: {  	_ =	swait.ge [sflag:s12], $0x2800  }
0x56: {  	[sflag:s12] =	ssyncset.done $0x0  }
0x57: {  	s29 =	rddreg [dreg:$0x17];
	[sflag:s12] =	ssyncadd.s32 $0xFFFFD800  }
0x58: {  	[spmem:s29] =	stream.linear.scatter [tilespmem:s6], [sflag:$0x5], $0x2800, $0x38;
	[tilespmem:$0x1FA00] =	vst v63  }
0x59: {  	_ =	swait.ge [sflag:s12], $0x2800  }
0x5a: {  	[sflag:s12] =	ssyncset.done $0x0  }
0x5b: {  	s2 =	rddreg [dreg:$0x18];
	[sflag:s12] =	ssyncadd.s32 $0xFFFFD800  }
0x5c: {  	[spmem:s2] =	stream.linear.scatter [tilespmem:s6], [sflag:$0x5], $0x2800, $0x38;
	[tilespmem:$0x1FA00] =	vst v63  }
0x5d: {  	_ =	swait.ge [sflag:s12], $0x2800  }
0x5e: {  	[sflag:s12] =	ssyncset.done $0x0  }
0x5f: {  	s4 =	rddreg [dreg:$0x19];
	[sflag:s12] =	ssyncadd.s32 $0xFFFFD800  }
0x60: {  	[spmem:s4] =	stream.linear.scatter [tilespmem:s6], [sflag:$0x5], $0x2800, $0x38;
	[tilespmem:$0x1FA00] =	vst v63  }
0x61: {  	_ =	swait.ge [sflag:s12], $0x2800  }
0x62: {  	[sflag:s12] =	ssyncset.done $0x0  }
0x63: {  	s7 =	rddreg [dreg:$0x1a];
	[sflag:s12] =	ssyncadd.s32 $0xFFFFD800  }
0x64: {  	[spmem:s7] =	stream.linear.scatter [tilespmem:s6], [sflag:$0x5], $0x2800, $0x38;
	[tilespmem:$0x1FA00] =	vst v63  }
0x65: {  	_ =	swait.ge [sflag:s12], $0x2800  }
0x66: {  	[sflag:s12] =	ssyncset.done $0x0  }
0x67: {  	s11 =	rddreg [dreg:$0x1b];
	[sflag:s12] =	ssyncadd.s32 $0xFFFFD800  }
0x68: {  	[spmem:s11] =	stream.linear.scatter [tilespmem:s6], [sflag:$0x5], $0x2800, $0x38;
	[tilespmem:$0x1FA00] =	vst v63  }
0x69: {  	_ =	swait.ge [sflag:s12], $0x2800  }
0x6a: {  	[sflag:s12] =	ssyncset.done $0x0  }
0x6b: {  	s15 =	rddreg [dreg:$0x1c];
	[sflag:s12] =	ssyncadd.s32 $0xFFFFD800  }
0x6c: {  	[spmem:s15] =	stream.linear.scatter [tilespmem:s6], [sflag:$0x5], $0x2800, $0x38;
	[tilespmem:$0x1FA00] =	vst v63  }
0x6d: {  	_ =	swait.ge [sflag:s12], $0x2800  }
0x6e: {  	[sflag:s12] =	ssyncset.done $0x0  }
0x6f: {  	s29 =	rddreg [dreg:$0x1d];
	[sflag:s12] =	ssyncadd.s32 $0xFFFFD800  }
0x70: {  	[spmem:s29] =	stream.linear.scatter [tilespmem:s6], [sflag:$0x5], $0x1000, $0x38;
	[tilespmem:$0x1FA00] =	vst v63  }
0x71: {  	_ =	swait.ge [sflag:s12], $0x1000  }
0x72: {  	[sflag:s12] =	ssyncset.done $0x0  }
0x73: {  	[sflag:s12] =	ssyncadd.s32 $0xFFFFF000  }
0x74: {  	p0 =	por $0x0, $0x0;
	s31 =	simm.s32 $0x0;
	[bflag:$0x0] =	sbarrier.arrive $0xFFFF  }
.LBB2_6:
0x75: {  	s0 =	sshll.u32 s31, $0x9  }
0x76: {  	s0 =	sadd.s32 s16, s0  }
0x77: {  	s4 =	sshrl.u32 s0, $0x3  }
0x78: {  	s6 =	sadd.s32 s26, s4  }
0x79: {  	[tilespmem:s30], [sflag:$0x5] =	stream.linear.gather [hbm4b:s6+s30], $0x200, $0x38;
	[tilespmem:$0x1FA00] =	vst v63  }
0x7a: {  	_ =	swait.ge [sflag:s12], $0x200  }
0x7b: {  	[sflag:s12] =	ssyncset.done $0x0  }
0x7c: {  	s15 =	sadd.s32 s1, s4;
	[sflag:s12] =	ssyncadd.s32 $0xFFFFFE00  }
0x7d: {  	[tilespmem:s14], [sflag:$0x5] =	stream.linear.gather [hbm4b:s15+s30], $0x200, $0x38;
	[tilespmem:$0x1FA00] =	vst v63  }
0x7e: {  	_ =	swait.ge [sflag:s12], $0x200  }
0x7f: {  	[sflag:s12] =	ssyncset.done $0x0  }
0x80: {  	[sflag:s12] =	ssyncadd.s32 $0xFFFFFE00  }
0x81: {  	s2 =	rddreg [dreg:$0x1]  }
0x82: {  	s4 =	sadd.s32 s2, s4  }
0x83: {  	[tilespmem:s17], [sflag:$0x5] =	stream.linear.gather [hbm4b:s4+s30], $0x200, $0x38;
	[tilespmem:$0x1FA00] =	vst v63  }
0x84: {  	_ =	swait.ge [sflag:s12], $0x200  }
0x85: {  	[sflag:s12] =	ssyncset.done $0x0  }
0x86: {  	s7 =	simm.s32 $0x0;
	[sflag:s12] =	ssyncadd.s32 $0xFFFFFE00  }
0x87: {  	v11 =	vld [tilespmem:s7+$0x0]  }
0x88: {  	v12 =	vld [tilespmem:s7+$0x200];
	_ =	sdelay $0x2  }
0x89: {  	s4 =	simm.s32 $0x1;
	v13 =	vld [tilespmem:s7+$0x400]  }
0x8a: {  	s4 =	simm.s32 @!p0 $0x0  }
0x8b: {  	s4 =	sshll.u32 s4, $0x9;
	v14 =	vadd.f32 $1.000000000e+01, v11;
	v12 =	vadd.f32 $1.000000000e+01, v12  }
0x8c: {  	s4 =	sadd.s32 $0x600, s4  }
0x8d: {  	v11 =	vmov s4;
	v15 =	vadd.f32 $5.000000000e-01, v12;
	v16 =	vadd.f32 $5.000000000e-01, v14  }
0x8e: {  	v13 =	vadd.f32 $1.000000000e+01, v13;
	vm0 =	vge.f32 v14, $-5.000000000e-01;
	vm1 =	vge.f32 v12, $-5.000000000e-01  }
0x8f: {  	vm14 =	vle.f32 v14, $2.050000000e+01;
	v14 =	vtrunc.f32 v15;
	v15 =	vtrunc.f32 v16  }
0x90: {  	v57 =	vadd.f32 $5.000000000e-01, v13;
	v14 =	vcvt.f32.s32 v14;
	v15 =	vcvt.f32.s32 v15  }
0x91: {  	vm15 =	vle.f32 v12, $2.050000000e+01;
	vm2 =	vge.f32 v13, $-5.000000000e-01;
	vm0 =	vmand vm0, vm1  }
0x92: {  	v12 =	vtrunc.f32 v57;
	vm3 =	vlt.s32 v14, $0x14;
	vm4 =	vlt.s32 v15, $0x14  }
0x93: {  	v12 =	vcvt.f32.s32 v12;
	v14 =	vnsel vm3, $0x14, v14;
	v15 =	vnsel vm4, $0x14, v15  }
0x94: {  	vm0 =	vmand vm0, vm14;
	v15 =	vmul.u32 $0x1B9, v15;
	v14 =	vmul.u32 $0x15, v14  }
0x95: {  	vm8 =	vle.f32 v13, $2.050000000e+01;
	vm0 =	vmand vm15, vm0;
	vm7 =	vlt.s32 v12, $0x14  }
0x96: {  	vm0 =	vmand vm2, vm0;
	v12 =	vnsel vm7, $0x14, v12;
	v13 =	vadd.s32 v15, v14  }
0x97: {  	vm0 =	vmand vm8, vm0;
	v12 =	vadd.s32 v12, v13  }
0x98: {  	v12 =	vsel vm0, v12, v1  }
0x99: {  	[tilespmem:v11+s7+$0x0 ss:$0x1] =	vst.idx.msk $0xffff, v12  }
0x9a: {  	v12 =	vld [tilespmem:s7+$0x10]  }
0x9b: {  	v13 =	vld [tilespmem:s7+$0x210]  }
0x9c: {  	v14 =	vld [tilespmem:s7+$0x410];
	_ =	sdelay $0x3  }
0x9d: {  	v12 =	vadd.f32 $1.000000000e+01, v12;
	v13 =	vadd.f32 $1.000000000e+01, v13  }
0x9e: {  	v14 =	vadd.f32 $1.000000000e+01, v14  }
0x9f: {  	v15 =	vadd.f32 $5.000000000e-01, v12;
	v58 =	vadd.f32 $5.000000000e-01, v13  }
0xa0: {  	vm9 =	vge.f32 v12, $-5.000000000e-01;
	v17 =	vadd.f32 $5.000000000e-01, v14  }
0xa1: {  	vm10 =	vge.f32 v13, $-5.000000000e-01;
	v15 =	vtrunc.f32 v15;
	v16 =	vtrunc.f32 v58  }
0xa2: {  	vm11 =	vle.f32 v12, $2.050000000e+01;
	v15 =	vcvt.f32.s32 v15;
	v12 =	vcvt.f32.s32 v16  }
0xa3: {  	vm12 =	vle.f32 v13, $2.050000000e+01;
	vm15 =	vge.f32 v14, $-5.000000000e-01;
	vm0 =	vmand vm9, vm10  }
0xa4: {  	v13 =	vtrunc.f32 v17;
	vm13 =	vlt.s32 v15, $0x14;
	vm14 =	vlt.s32 v12, $0x14  }
0xa5: {  	v13 =	vcvt.f32.s32 v13;
	v15 =	vnsel vm13, $0x14, v15;
	v12 =	vnsel vm14, $0x14, v12  }
0xa6: {  	vm0 =	vmand vm0, vm11;
	v15 =	vmul.u32 $0x1B9, v15;
	v12 =	vmul.u32 $0x15, v12  }
0xa7: {  	vm5 =	vle.f32 v14, $2.050000000e+01;
	vm0 =	vmand vm12, vm0;
	vm4 =	vlt.s32 v13, $0x14  }
0xa8: {  	vm0 =	vmand vm15, vm0;
	v13 =	vnsel vm4, $0x14, v13;
	v12 =	vadd.s32 v15, v12  }
0xa9: {  	vm0 =	vmand vm5, vm0;
	v12 =	vadd.s32 v13, v12  }
0xaa: {  	v12 =	vsel vm0, v12, v2  }
0xab: {  	[tilespmem:v11+s7+$0x10 ss:$0x1] =	vst.idx.msk $0xffff, v12  }
0xac: {  	v12 =	vld [tilespmem:s7+$0x20]  }
0xad: {  	v13 =	vld [tilespmem:s7+$0x220];
	_ =	sdelay $0x2  }
0xae: {  	v14 =	vld [tilespmem:s7+$0x420];
	_ =	sdelay $0x1  }
0xaf: {  	v12 =	vadd.f32 $1.000000000e+01, v12;
	v13 =	vadd.f32 $1.000000000e+01, v13;
	_ =	sdelay $0x1  }
0xb0: {  	v15 =	vadd.f32 $5.000000000e-01, v12;
	v59 =	vadd.f32 $5.000000000e-01, v13  }
0xb1: {  	v14 =	vadd.f32 $1.000000000e+01, v14;
	vm6 =	vle.f32 v12, $2.050000000e+01;
	vm7 =	vge.f32 v12, $-5.000000000e-01  }
0xb2: {  	vm8 =	vge.f32 v13, $-5.000000000e-01;
	v12 =	vtrunc.f32 v15;
	v16 =	vtrunc.f32 v59  }
0xb3: {  	v15 =	vadd.f32 $5.000000000e-01, v14;
	v12 =	vcvt.f32.s32 v12;
	v16 =	vcvt.f32.s32 v16  }
0xb4: {  	vm9 =	vge.f32 v14, $-5.000000000e-01;
	vm10 =	vle.f32 v13, $2.050000000e+01;
	vm1 =	vmand vm7, vm8  }
0xb5: {  	v15 =	vtrunc.f32 v15;
	vm11 =	vlt.s32 v12, $0x14;
	vm12 =	vlt.s32 v16, $0x14  }
0xb6: {  	v13 =	vcvt.f32.s32 v15;
	v12 =	vnsel vm11, $0x14, v12;
	v15 =	vnsel vm12, $0x14, v16  }
0xb7: {  	vm0 =	vmand vm1, vm6;
	v12 =	vmul.u32 $0x1B9, v12;
	v15 =	vmul.u32 $0x15, v15  }
0xb8: {  	vm14 =	vle.f32 v14, $2.050000000e+01;
	vm0 =	vmand vm10, vm0;
	vm13 =	vlt.s32 v13, $0x14  }
0xb9: {  	vm0 =	vmand vm9, vm0;
	v13 =	vnsel vm13, $0x14, v13;
	v12 =	vadd.s32 v12, v15  }
0xba: {  	vm0 =	vmand vm14, vm0;
	v12 =	vadd.s32 v13, v12  }
0xbb: {  	v12 =	vsel vm0, v12, v3  }
0xbc: {  	[tilespmem:v11+s7+$0x20 ss:$0x1] =	vst.idx.msk $0xffff, v12  }
0xbd: {  	v12 =	vld [tilespmem:s7+$0x30]  }
0xbe: {  	v13 =	vld [tilespmem:s7+$0x230];
	_ =	sdelay $0x2  }
0xbf: {  	v14 =	vld [tilespmem:s7+$0x430]  }
0xc0: {  	v12 =	vadd.f32 $1.000000000e+01, v12  }
0xc1: {  	v13 =	vadd.f32 $1.000000000e+01, v13  }
0xc2: {  	vm15 =	vge.f32 v12, $-5.000000000e-01  }
0xc3: {  	vm4 =	vle.f32 v12, $2.050000000e+01;
	v12 =	vadd.f32 $5.000000000e-01, v12;
	v15 =	vadd.f32 $5.000000000e-01, v13  }
0xc4: {  	v14 =	vadd.f32 $1.000000000e+01, v14;
	vm5 =	vge.f32 v13, $-5.000000000e-01  }
0xc5: {  	vm6 =	vle.f32 v13, $2.050000000e+01;
	v12 =	vtrunc.f32 v12;
	v13 =	vtrunc.f32 v15  }
0xc6: {  	v15 =	vadd.f32 $5.000000000e-01, v14;
	v12 =	vcvt.f32.s32 v12;
	v13 =	vcvt.f32.s32 v13  }
0xc7: {  	vm9 =	vge.f32 v14, $-5.000000000e-01;
	vm0 =	vmand vm15, vm5  }
0xc8: {  	v15 =	vtrunc.f32 v15;
	vm7 =	vlt.s32 v12, $0x14;
	vm8 =	vlt.s32 v13, $0x14  }
0xc9: {  	v15 =	vcvt.f32.s32 v15;
	v12 =	vnsel vm7, $0x14, v12;
	v13 =	vnsel vm8, $0x14, v13  }
0xca: {  	vm0 =	vmand vm0, vm4;
	v12 =	vmul.u32 $0x1B9, v12;
	v13 =	vmul.u32 $0x15, v13  }
0xcb: {  	vm11 =	vle.f32 v14, $2.050000000e+01;
	vm0 =	vmand vm6, vm0;
	vm10 =	vlt.s32 v15, $0x14  }
0xcc: {  	vm0 =	vmand vm9, vm0;
	v14 =	vnsel vm10, $0x14, v15;
	v12 =	vadd.s32 v12, v13  }
0xcd: {  	vm0 =	vmand vm11, vm0;
	v12 =	vadd.s32 v14, v12  }
0xce: {  	v12 =	vsel vm0, v12, v5  }
0xcf: {  	[tilespmem:v11+s7+$0x30 ss:$0x1] =	vst.idx.msk $0xffff, v12  }
0xd0: {  	v12 =	vld [tilespmem:s7+$0x40]  }
0xd1: {  	v13 =	vld [tilespmem:s7+$0x240]  }
0xd2: {  	v14 =	vld [tilespmem:s7+$0x440];
	_ =	sdelay $0x3  }
0xd3: {  	v12 =	vadd.f32 $1.000000000e+01, v12;
	v13 =	vadd.f32 $1.000000000e+01, v13  }
0xd4: {  	v14 =	vadd.f32 $1.000000000e+01, v14  }
0xd5: {  	v15 =	vadd.f32 $5.000000000e-01, v12;
	v60 =	vadd.f32 $5.000000000e-01, v13  }
0xd6: {  	vm12 =	vge.f32 v12, $-5.000000000e-01;
	vm13 =	vge.f32 v13, $-5.000000000e-01;
	vm14 =	vle.f32 v12, $2.050000000e+01  }
0xd7: {  	vm15 =	vle.f32 v13, $2.050000000e+01;
	v12 =	vtrunc.f32 v15;
	v13 =	vtrunc.f32 v60  }
0xd8: {  	v15 =	vadd.f32 $5.000000000e-01, v14;
	v12 =	vcvt.f32.s32 v12;
	v13 =	vcvt.f32.s32 v13  }
0xd9: {  	vm6 =	vge.f32 v14, $-5.000000000e-01;
	vm0 =	vmand vm12, vm13  }
0xda: {  	v15 =	vtrunc.f32 v15;
	vm4 =	vlt.s32 v12, $0x14;
	vm5 =	vlt.s32 v13, $0x14  }
0xdb: {  	v15 =	vcvt.f32.s32 v15;
	v12 =	vnsel vm4, $0x14, v12;
	v13 =	vnsel vm5, $0x14, v13  }
0xdc: {  	vm0 =	vmand vm0, vm14;
	v12 =	vmul.u32 $0x1B9, v12;
	v13 =	vmul.u32 $0x15, v13  }
0xdd: {  	vm8 =	vle.f32 v14, $2.050000000e+01;
	vm0 =	vmand vm15, vm0;
	vm7 =	vlt.s32 v15, $0x14  }
0xde: {  	vm0 =	vmand vm6, vm0;
	v14 =	vnsel vm7, $0x14, v15;
	v12 =	vadd.s32 v12, v13  }
0xdf: {  	vm0 =	vmand vm8, vm0;
	v12 =	vadd.s32 v14, v12  }
0xe0: {  	v12 =	vsel vm0, v12, v6  }
0xe1: {  	[tilespmem:v11+s7+$0x40 ss:$0x1] =	vst.idx.msk $0xffff, v12  }
0xe2: {  	v12 =	vld [tilespmem:s7+$0x50]  }
0xe3: {  	v13 =	vld [tilespmem:s7+$0x250]  }
0xe4: {  	v14 =	vld [tilespmem:s7+$0x450];
	_ =	sdelay $0x3  }
0xe5: {  	v12 =	vadd.f32 $1.000000000e+01, v12;
	v13 =	vadd.f32 $1.000000000e+01, v13  }
0xe6: {  	v14 =	vadd.f32 $1.000000000e+01, v14  }
0xe7: {  	v15 =	vadd.f32 $5.000000000e-01, v12;
	v61 =	vadd.f32 $5.000000000e-01, v13  }
0xe8: {  	vm9 =	vge.f32 v12, $-5.000000000e-01;
	vm10 =	vge.f32 v13, $-5.000000000e-01;
	vm11 =	vle.f32 v13, $2.050000000e+01  }
0xe9: {  	vm12 =	vle.f32 v12, $2.050000000e+01;
	v13 =	vtrunc.f32 v15;
	v16 =	vtrunc.f32 v61  }
0xea: {  	v15 =	vadd.f32 $5.000000000e-01, v14;
	v12 =	vcvt.f32.s32 v13;
	v13 =	vcvt.f32.s32 v16  }
0xeb: {  	vm13 =	vge.f32 v14, $-5.000000000e-01;
	vm0 =	vmand vm9, vm10  }
0xec: {  	v15 =	vtrunc.f32 v15;
	vm14 =	vlt.s32 v12, $0x14;
	vm15 =	vlt.s32 v13, $0x14  }
0xed: {  	v15 =	vcvt.f32.s32 v15;
	v12 =	vnsel vm14, $0x14, v12;
	v13 =	vnsel vm15, $0x14, v13  }
0xee: {  	vm0 =	vmand vm0, vm12;
	v12 =	vmul.u32 $0x1B9, v12;
	v13 =	vmul.u32 $0x15, v13  }
0xef: {  	vm6 =	vle.f32 v14, $2.050000000e+01;
	vm0 =	vmand vm11, vm0;
	vm5 =	vlt.s32 v15, $0x14  }
0xf0: {  	vm0 =	vmand vm13, vm0;
	v15 =	vnsel vm5, $0x14, v15;
	v12 =	vadd.s32 v12, v13  }
0xf1: {  	vm0 =	vmand vm6, vm0;
	v12 =	vadd.s32 v15, v12  }
0xf2: {  	v12 =	vsel vm0, v12, v7  }
0xf3: {  	[tilespmem:v11+s7+$0x50 ss:$0x1] =	vst.idx.msk $0xffff, v12  }
0xf4: {  	v12 =	vld [tilespmem:s7+$0x60]  }
0xf5: {  	v13 =	vld [tilespmem:s7+$0x260];
	_ =	sdelay $0x2  }
0xf6: {  	v14 =	vld [tilespmem:s7+$0x460];
	_ =	sdelay $0x1  }
0xf7: {  	v12 =	vadd.f32 $1.000000000e+01, v12;
	v13 =	vadd.f32 $1.000000000e+01, v13;
	_ =	sdelay $0x1  }
0xf8: {  	v15 =	vadd.f32 $5.000000000e-01, v12;
	v62 =	vadd.f32 $5.000000000e-01, v13  }
0xf9: {  	v14 =	vadd.f32 $1.000000000e+01, v14;
	vm7 =	vle.f32 v12, $2.050000000e+01;
	vm8 =	vge.f32 v12, $-5.000000000e-01  }
0xfa: {  	vm9 =	vge.f32 v13, $-5.000000000e-01;
	v12 =	vtrunc.f32 v15;
	v15 =	vtrunc.f32 v62  }
0xfb: {  	v63 =	vadd.f32 $5.000000000e-01, v14;
	v12 =	vcvt.f32.s32 v12;
	v15 =	vcvt.f32.s32 v15  }
0xfc: {  	vm10 =	vge.f32 v14, $-5.000000000e-01;
	vm11 =	vle.f32 v13, $2.050000000e+01;
	vm1 =	vmand vm8, vm9  }
0xfd: {  	v13 =	vtrunc.f32 v63;
	vm12 =	vlt.s32 v12, $0x14;
	vm13 =	vlt.s32 v15, $0x14  }
0xfe: {  	v13 =	vcvt.f32.s32 v13;
	v12 =	vnsel vm12, $0x14, v12;
	v15 =	vnsel vm13, $0x14, v15  }
0xff: {  	vm0 =	vmand vm1, vm7;
	v12 =	vmul.u32 $0x1B9, v12;
	v15 =	vmul.u32 $0x15, v15  }
0x100: {  	vm15 =	vle.f32 v14, $2.050000000e+01;
	vm0 =	vmand vm11, vm0;
	vm14 =	vlt.s32 v13, $0x14  }
0x101: {  	vm0 =	vmand vm10, vm0;
	v13 =	vnsel vm14, $0x14, v13;
	v12 =	vadd.s32 v12, v15  }
0x102: {  	vm0 =	vmand vm15, vm0;
	v12 =	vadd.s32 v13, v12  }
0x103: {  	v12 =	vsel vm0, v12, v8  }
0x104: {  	[tilespmem:v11+s7+$0x60 ss:$0x1] =	vst.idx.msk $0xffff, v12  }
0x105: {  	v13 =	vld [tilespmem:s7+$0x70]  }
0x106: {  	v15 =	vld [tilespmem:s7+$0x270];
	_ =	sdelay $0x2  }
0x107: {  	v12 =	vld [tilespmem:s7+$0x470]  }
0x108: {  	s29 =	sshll.u32 s31, $0x2;
	v14 =	vadd.f32 $1.000000000e+01, v13  }
0x109: {  	s15 =	simm.s32 $0x200;
	s4 =	sand.u32 $0x4, s29;
	v13 =	vadd.f32 $1.000000000e+01, v15  }
.LBB2_7:
0x10a: {  	p1 =	sne.s32 s15, $0x600;
	vm0 =	vge.f32 v14, $-5.000000000e-01;
	vm1 =	vle.f32 v14, $2.050000000e+01;
	s6 =	smov.u32 s15;
	s15 =	sadd.s32 $0x200, s15  }
0x10b: {  	v14 =	vadd.f32 $5.000000000e-01, v14;
	vm2 =	vge.f32 v13, $-5.000000000e-01;
	v15 =	vadd.f32 $5.000000000e-01, v13  }
0x10c: {  	v12 =	vadd.f32 $1.000000000e+01, v12;
	vm0 =	vmand vm0, vm2;
	vm2 =	vle.f32 v13, $2.050000000e+01  }
0x10d: {  	v13 =	vtrunc.f32 v14;
	vm0 =	vmand vm0, vm1;
	v14 =	vtrunc.f32 v15  }
0x10e: {  	v13 =	vcvt.f32.s32 v13;
	v15 =	vadd.f32 $5.000000000e-01, v12;
	v14 =	vcvt.f32.s32 v14  }
0x10f: {  	vm1 =	vge.f32 v12, $-5.000000000e-01;
	vm0 =	vmand vm2, vm0  }
0x110: {  	vm2 =	vlt.s32 v13, $0x14;
	v15 =	vtrunc.f32 v15;
	vm3 =	vlt.s32 v14, $0x14  }
0x111: {  	v13 =	vnsel vm2, $0x14, v13;
	v15 =	vcvt.f32.s32 v15;
	v14 =	vnsel vm3, $0x14, v14  }
0x112: {  	vm0 =	vmand vm1, vm0;
	v13 =	vmul.u32 $0x1B9, v13;
	v14 =	vmul.u32 $0x15, v14  }
0x113: {  	vm1 =	vlt.s32 v15, $0x14  }
0x114: {  	vm2 =	vle.f32 v12, $2.050000000e+01;
	v12 =	vnsel vm1, $0x14, v15;
	v13 =	vadd.s32 v13, v14  }
0x115: {  	vm0 =	vmand vm2, vm0;
	v12 =	vadd.s32 v12, v13  }
0x116: {  	v12 =	vsel vm0, v12, v9  }
0x117: {  	[tilespmem:v11+s7+$0x70 ss:$0x1] =	vst.idx.msk $0xffff, v12;
	s7 =	sshra.s32 s6, $0x2;
	_ =	sdelay $0x2  }
0x118: {  	v12 =	vld [tilespmem:s7+$0x0]  }
0x119: {  	v13 =	vld [tilespmem:s7+$0x200]  }
0x11a: {  	v14 =	vld [tilespmem:s7+$0x400];
	_ =	sdelay $0x2  }
0x11b: {  	v12 =	vadd.f32 $1.000000000e+01, v12  }
0x11c: {  	v13 =	vadd.f32 $1.000000000e+01, v13  }
0x11d: {  	vm0 =	vge.f32 v12, $-5.000000000e-01  }
0x11e: {  	vm1 =	vge.f32 v13, $-5.000000000e-01;
	v15 =	vadd.f32 $5.000000000e-01, v13  }
0x11f: {  	v16 =	vadd.f32 $5.000000000e-01, v12;
	vm0 =	vmand vm0, vm1  }
0x120: {  	vm1 =	vle.f32 v12, $2.050000000e+01;
	v12 =	vtrunc.f32 v15  }
0x121: {  	v14 =	vadd.f32 $1.000000000e+01, v14;
	v15 =	vtrunc.f32 v16;
	v12 =	vcvt.f32.s32 v12  }
0x122: {  	vm0 =	vmand vm0, vm1;
	vm1 =	vle.f32 v13, $2.050000000e+01;
	v13 =	vcvt.f32.s32 v15  }
0x123: {  	vm2 =	vge.f32 v14, $-5.000000000e-01;
	v15 =	vadd.f32 $5.000000000e-01, v14;
	vm3 =	vlt.s32 v12, $0x14  }
0x124: {  	vm0 =	vmand vm1, vm0;
	vm1 =	vlt.s32 v13, $0x14;
	v12 =	vnsel vm3, $0x14, v12  }
0x125: {  	vm0 =	vmand vm2, vm0;
	v15 =	vtrunc.f32 v15;
	v13 =	vnsel vm1, $0x14, v13  }
0x126: {  	v15 =	vcvt.f32.s32 v15;
	v13 =	vmul.u32 $0x1B9, v13  }
0x127: {  	v12 =	vmul.u32 $0x15, v12  }
0x128: {  	vm1 =	vlt.s32 v15, $0x14  }
0x129: {  	vm2 =	vle.f32 v14, $2.050000000e+01;
	v14 =	vnsel vm1, $0x14, v15;
	v12 =	vadd.s32 v13, v12  }
0x12a: {  	vm0 =	vmand vm2, vm0;
	v12 =	vadd.s32 v14, v12  }
0x12b: {  	v12 =	vsel vm0, v12, v1  }
0x12c: {  	[tilespmem:v11+s7+$0x0 ss:$0x1] =	vst.idx.msk $0xffff, v12  }
0x12d: {  	v12 =	vld [tilespmem:s7+$0x10]  }
0x12e: {  	v13 =	vld [tilespmem:s7+$0x410]  }
0x12f: {  	v14 =	vld [tilespmem:s7+$0x210];
	_ =	sdelay $0x2  }
0x130: {  	v12 =	vadd.f32 $1.000000000e+01, v12  }
0x131: {  	v13 =	vadd.f32 $1.000000000e+01, v13  }
0x132: {  	v14 =	vadd.f32 $1.000000000e+01, v14;
	v15 =	vadd.f32 $5.000000000e-01, v12  }
0x133: {  	vm0 =	vge.f32 v12, $-5.000000000e-01;
	v16 =	vadd.f32 $5.000000000e-01, v13  }
0x134: {  	vm1 =	vle.f32 v14, $2.050000000e+01;
	v15 =	vtrunc.f32 v15;
	v17 =	vadd.f32 $5.000000000e-01, v14  }
0x135: {  	vm2 =	vge.f32 v14, $-5.000000000e-01;
	v14 =	vcvt.f32.s32 v15;
	v15 =	vtrunc.f32 v16  }
0x136: {  	vm3 =	vle.f32 v12, $2.050000000e+01;
	vm0 =	vmand vm0, vm2;
	v12 =	vtrunc.f32 v17  }
0x137: {  	vm0 =	vmand vm0, vm3;
	vm2 =	vlt.s32 v14, $0x14;
	v12 =	vcvt.f32.s32 v12  }
0x138: {  	vm0 =	vmand vm1, vm0;
	vm1 =	vge.f32 v13, $-5.000000000e-01;
	v14 =	vnsel vm2, $0x14, v14  }
0x139: {  	vm0 =	vmand vm1, vm0;
	vm1 =	vlt.s32 v12, $0x14  }
0x13a: {  	v15 =	vcvt.f32.s32 v15;
	v12 =	vnsel vm1, $0x14, v12  }
0x13b: {  	v14 =	vmul.u32 $0x1B9, v14;
	v12 =	vmul.u32 $0x15, v12  }
0x13c: {  	vm1 =	vlt.s32 v15, $0x14  }
0x13d: {  	vm2 =	vle.f32 v13, $2.050000000e+01;
	v13 =	vnsel vm1, $0x14, v15;
	v12 =	vadd.s32 v14, v12  }
0x13e: {  	vm0 =	vmand vm2, vm0;
	v12 =	vadd.s32 v13, v12  }
0x13f: {  	v12 =	vsel vm0, v12, v2  }
0x140: {  	[tilespmem:v11+s7+$0x10 ss:$0x1] =	vst.idx.msk $0xffff, v12  }
0x141: {  	v12 =	vld [tilespmem:s7+$0x20]  }
0x142: {  	v13 =	vld [tilespmem:s7+$0x220]  }
0x143: {  	v14 =	vld [tilespmem:s7+$0x420];
	_ =	sdelay $0x2  }
0x144: {  	v12 =	vadd.f32 $1.000000000e+01, v12  }
0x145: {  	v13 =	vadd.f32 $1.000000000e+01, v13  }
0x146: {  	v14 =	vadd.f32 $1.000000000e+01, v14;
	vm0 =	vle.f32 v12, $2.050000000e+01;
	v15 =	vadd.f32 $5.000000000e-01, v12  }
0x147: {  	vm1 =	vge.f32 v12, $-5.000000000e-01;
	vm2 =	vge.f32 v13, $-5.000000000e-01;
	v12 =	vadd.f32 $5.000000000e-01, v13  }
0x148: {  	vm1 =	vmand vm1, vm2;
	v15 =	vtrunc.f32 v15;
	v16 =	vadd.f32 $5.000000000e-01, v14  }
0x149: {  	vm0 =	vmand vm1, vm0;
	v15 =	vcvt.f32.s32 v15;
	v12 =	vtrunc.f32 v12  }
0x14a: {  	vm1 =	vge.f32 v14, $-5.000000000e-01;
	v12 =	vcvt.f32.s32 v12;
	v16 =	vtrunc.f32 v16  }
0x14b: {  	vm2 =	vle.f32 v13, $2.050000000e+01;
	vm3 =	vlt.s32 v15, $0x14;
	v13 =	vcvt.f32.s32 v16  }
0x14c: {  	vm0 =	vmand vm2, vm0;
	v15 =	vnsel vm3, $0x14, v15;
	vm2 =	vlt.s32 v12, $0x14  }
0x14d: {  	vm0 =	vmand vm1, vm0;
	v12 =	vnsel vm2, $0x14, v12;
	vm1 =	vlt.s32 v13, $0x14  }
0x14e: {  	v15 =	vmul.u32 $0x1B9, v15;
	v13 =	vnsel vm1, $0x14, v13;
	v12 =	vmul.u32 $0x15, v12;
	_ =	sdelay $0x1  }
0x14f: {  	vm1 =	vle.f32 v14, $2.050000000e+01;
	v12 =	vadd.s32 v15, v12  }
0x150: {  	vm0 =	vmand vm1, vm0;
	v12 =	vadd.s32 v13, v12  }
0x151: {  	v12 =	vsel vm0, v12, v3  }
0x152: {  	[tilespmem:v11+s7+$0x20 ss:$0x1] =	vst.idx.msk $0xffff, v12  }
0x153: {  	v12 =	vld [tilespmem:s7+$0x30]  }
0x154: {  	v13 =	vld [tilespmem:s7+$0x230]  }
0x155: {  	v14 =	vld [tilespmem:s7+$0x430];
	_ =	sdelay $0x2  }
0x156: {  	v12 =	vadd.f32 $1.000000000e+01, v12  }
0x157: {  	v13 =	vadd.f32 $1.000000000e+01, v13  }
0x158: {  	vm0 =	vge.f32 v12, $-5.000000000e-01;
	vm1 =	vle.f32 v12, $2.050000000e+01;
	v12 =	vadd.f32 $5.000000000e-01, v12  }
0x159: {  	v14 =	vadd.f32 $1.000000000e+01, v14;
	vm2 =	vge.f32 v13, $-5.000000000e-01;
	v15 =	vadd.f32 $5.000000000e-01, v13  }
0x15a: {  	vm0 =	vmand vm0, vm2;
	vm2 =	vle.f32 v13, $2.050000000e+01;
	v12 =	vtrunc.f32 v12  }
0x15b: {  	vm0 =	vmand vm0, vm1;
	v12 =	vcvt.f32.s32 v12;
	v13 =	vtrunc.f32 v15  }
0x15c: {  	v15 =	vadd.f32 $5.000000000e-01, v14;
	vm0 =	vmand vm2, vm0;
	v13 =	vcvt.f32.s32 v13  }
0x15d: {  	vm1 =	vge.f32 v14, $-5.000000000e-01;
	vm2 =	vlt.s32 v12, $0x14  }
0x15e: {  	v15 =	vtrunc.f32 v15;
	v12 =	vnsel vm2, $0x14, v12;
	vm2 =	vlt.s32 v13, $0x14  }
0x15f: {  	v15 =	vcvt.f32.s32 v15;
	v13 =	vnsel vm2, $0x14, v13;
	v12 =	vmul.u32 $0x1B9, v12  }
0x160: {  	vm0 =	vmand vm1, vm0;
	v13 =	vmul.u32 $0x15, v13  }
0x161: {  	vm1 =	vlt.s32 v15, $0x14  }
0x162: {  	vm2 =	vle.f32 v14, $2.050000000e+01;
	v14 =	vnsel vm1, $0x14, v15;
	v12 =	vadd.s32 v12, v13  }
0x163: {  	vm0 =	vmand vm2, vm0;
	v12 =	vadd.s32 v14, v12  }
0x164: {  	v12 =	vsel vm0, v12, v5  }
0x165: {  	[tilespmem:v11+s7+$0x30 ss:$0x1] =	vst.idx.msk $0xffff, v12  }
0x166: {  	v12 =	vld [tilespmem:s7+$0x40]  }
0x167: {  	v13 =	vld [tilespmem:s7+$0x240];
	_ =	sdelay $0x1  }
0x168: {  	v14 =	vld [tilespmem:s7+$0x440];
	_ =	sdelay $0x1  }
0x169: {  	v12 =	vadd.f32 $1.000000000e+01, v12  }
0x16a: {  	v13 =	vadd.f32 $1.000000000e+01, v13  }
0x16b: {  	vm0 =	vge.f32 v12, $-5.000000000e-01;
	v15 =	vadd.f32 $5.000000000e-01, v12  }
0x16c: {  	v14 =	vadd.f32 $1.000000000e+01, v14;
	vm1 =	vge.f32 v13, $-5.000000000e-01;
	v16 =	vadd.f32 $5.000000000e-01, v13  }
0x16d: {  	vm2 =	vle.f32 v12, $2.050000000e+01;
	vm0 =	vmand vm0, vm1;
	v12 =	vtrunc.f32 v15  }
0x16e: {  	vm1 =	vle.f32 v13, $2.050000000e+01;
	v12 =	vcvt.f32.s32 v12;
	v13 =	vtrunc.f32 v16  }
0x16f: {  	vm0 =	vmand vm0, vm2;
	v15 =	vadd.f32 $5.000000000e-01, v14;
	v13 =	vcvt.f32.s32 v13  }
0x170: {  	vm0 =	vmand vm1, vm0;
	vm1 =	vge.f32 v14, $-5.000000000e-01;
	vm2 =	vlt.s32 v12, $0x14  }
0x171: {  	v15 =	vtrunc.f32 v15;
	v12 =	vnsel vm2, $0x14, v12;
	vm2 =	vlt.s32 v13, $0x14  }
0x172: {  	v15 =	vcvt.f32.s32 v15;
	v13 =	vnsel vm2, $0x14, v13;
	v12 =	vmul.u32 $0x1B9, v12  }
0x173: {  	vm0 =	vmand vm1, vm0;
	v13 =	vmul.u32 $0x15, v13  }
0x174: {  	vm1 =	vlt.s32 v15, $0x14  }
0x175: {  	vm2 =	vle.f32 v14, $2.050000000e+01;
	v14 =	vnsel vm1, $0x14, v15;
	v12 =	vadd.s32 v12, v13  }
0x176: {  	vm0 =	vmand vm2, vm0;
	v12 =	vadd.s32 v14, v12  }
0x177: {  	v12 =	vsel vm0, v12, v6  }
0x178: {  	[tilespmem:v11+s7+$0x40 ss:$0x1] =	vst.idx.msk $0xffff, v12  }
0x179: {  	v12 =	vld [tilespmem:s7+$0x50]  }
0x17a: {  	v13 =	vld [tilespmem:s7+$0x250]  }
0x17b: {  	v14 =	vld [tilespmem:s7+$0x450];
	_ =	sdelay $0x2  }
0x17c: {  	v12 =	vadd.f32 $1.000000000e+01, v12  }
0x17d: {  	v13 =	vadd.f32 $1.000000000e+01, v13  }
0x17e: {  	v14 =	vadd.f32 $1.000000000e+01, v14;
	vm0 =	vge.f32 v12, $-5.000000000e-01;
	v15 =	vadd.f32 $5.000000000e-01, v12  }
0x17f: {  	vm1 =	vge.f32 v13, $-5.000000000e-01;
	vm2 =	vle.f32 v13, $2.050000000e+01;
	v13 =	vadd.f32 $5.000000000e-01, v13  }
0x180: {  	vm3 =	vle.f32 v12, $2.050000000e+01;
	v12 =	vtrunc.f32 v15;
	v15 =	vadd.f32 $5.000000000e-01, v14  }
0x181: {  	vm4 =	vge.f32 v14, $-5.000000000e-01;
	v12 =	vcvt.f32.s32 v12;
	v13 =	vtrunc.f32 v13  }
0x182: {  	vm0 =	vmand vm0, vm1;
	v13 =	vcvt.f32.s32 v13;
	v15 =	vtrunc.f32 v15  }
0x183: {  	vm0 =	vmand vm0, vm3;
	vm1 =	vlt.s32 v12, $0x14;
	v15 =	vcvt.f32.s32 v15  }
0x184: {  	vm0 =	vmand vm2, vm0;
	v12 =	vnsel vm1, $0x14, v12;
	vm1 =	vlt.s32 v13, $0x14  }
0x185: {  	v13 =	vnsel vm1, $0x14, v13;
	vm1 =	vlt.s32 v15, $0x14;
	v12 =	vmul.u32 $0x1B9, v12  }
0x186: {  	vm0 =	vmand vm4, vm0;
	v15 =	vnsel vm1, $0x14, v15;
	v13 =	vmul.u32 $0x15, v13;
	_ =	sdelay $0x1  }
0x187: {  	vm1 =	vle.f32 v14, $2.050000000e+01;
	v12 =	vadd.s32 v12, v13  }
0x188: {  	vm0 =	vmand vm1, vm0;
	v12 =	vadd.s32 v15, v12  }
0x189: {  	v12 =	vsel vm0, v12, v7  }
0x18a: {  	[tilespmem:v11+s7+$0x50 ss:$0x1] =	vst.idx.msk $0xffff, v12  }
0x18b: {  	v12 =	vld [tilespmem:s7+$0x60]  }
0x18c: {  	v13 =	vld [tilespmem:s7+$0x260]  }
0x18d: {  	v14 =	vld [tilespmem:s7+$0x460];
	_ =	sdelay $0x2  }
0x18e: {  	v12 =	vadd.f32 $1.000000000e+01, v12  }
0x18f: {  	v13 =	vadd.f32 $1.000000000e+01, v13  }
0x190: {  	v14 =	vadd.f32 $1.000000000e+01, v14;
	vm0 =	vle.f32 v12, $2.050000000e+01;
	v15 =	vadd.f32 $5.000000000e-01, v12  }
0x191: {  	vm1 =	vge.f32 v12, $-5.000000000e-01;
	vm2 =	vge.f32 v13, $-5.000000000e-01;
	v12 =	vadd.f32 $5.000000000e-01, v13  }
0x192: {  	vm1 =	vmand vm1, vm2;
	vm2 =	vge.f32 v14, $-5.000000000e-01;
	v15 =	vtrunc.f32 v15  }
0x193: {  	v16 =	vadd.f32 $5.000000000e-01, v14;
	v15 =	vcvt.f32.s32 v15;
	v12 =	vtrunc.f32 v12  }
0x194: {  	vm0 =	vmand vm1, vm0;
	vm1 =	vle.f32 v13, $2.050000000e+01;
	v12 =	vcvt.f32.s32 v12  }
0x195: {  	vm0 =	vmand vm1, vm0;
	v13 =	vtrunc.f32 v16;
	vm1 =	vlt.s32 v15, $0x14  }
0x196: {  	v13 =	vcvt.f32.s32 v13;
	v15 =	vnsel vm1, $0x14, v15;
	vm1 =	vlt.s32 v12, $0x14  }
0x197: {  	vm0 =	vmand vm2, vm0;
	v12 =	vnsel vm1, $0x14, v12;
	v15 =	vmul.u32 $0x1B9, v15  }
0x198: {  	vm1 =	vlt.s32 v13, $0x14;
	v12 =	vmul.u32 $0x15, v12  }
0x199: {  	v13 =	vnsel vm1, $0x14, v13  }
0x19a: {  	vm1 =	vle.f32 v14, $2.050000000e+01;
	v12 =	vadd.s32 v15, v12  }
0x19b: {  	vm0 =	vmand vm1, vm0;
	v12 =	vadd.s32 v13, v12  }
0x19c: {  	v12 =	vsel vm0, v12, v8  }
0x19d: {  	[tilespmem:v11+s7+$0x60 ss:$0x1] =	vst.idx.msk $0xffff, v12  }
0x19e: {  	v13 =	vld [tilespmem:s7+$0x70]  }
0x19f: {  	v15 =	vld [tilespmem:s7+$0x270]  }
.Ltmp2:
0x1a0: {  	v12 =	vld [tilespmem:s7+$0x470];
	(pc) =	sbr.rel @p1 .LBB2_7-.Ltmp2, $3  }
0x1a1: {  	_ =	sdelay $0x1  }
0x1a2: {  	v14 =	vadd.f32 $1.000000000e+01, v13  }
0x1a3: {  	v13 =	vadd.f32 $1.000000000e+01, v15  }
0x1a4: {  	vm0 =	vge.f32 v14, $-5.000000000e-01  }
0x1a5: {  	vm1 =	vle.f32 v14, $2.050000000e+01;
	v14 =	vadd.f32 $5.000000000e-01, v14;
	v15 =	vadd.f32 $5.000000000e-01, v13  }
0x1a6: {  	v12 =	vadd.f32 $1.000000000e+01, v12;
	vm2 =	vge.f32 v13, $-5.000000000e-01  }
0x1a7: {  	vm10 =	vle.f32 v13, $2.050000000e+01;
	v13 =	vtrunc.f32 v14;
	v14 =	vtrunc.f32 v15  }
0x1a8: {  	v13 =	vcvt.f32.s32 v13;
	v15 =	vadd.f32 $5.000000000e-01, v12;
	v14 =	vcvt.f32.s32 v14  }
0x1a9: {  	vm0 =	vmand vm0, vm2;
	vm13 =	vge.f32 v12, $-5.000000000e-01  }
0x1aa: {  	vm11 =	vlt.s32 v13, $0x14;
	v15 =	vtrunc.f32 v15;
	vm12 =	vlt.s32 v14, $0x14  }
0x1ab: {  	v13 =	vnsel vm11, $0x14, v13;
	v15 =	vcvt.f32.s32 v15;
	v14 =	vnsel vm12, $0x14, v14  }
0x1ac: {  	vm0 =	vmand vm0, vm1;
	v13 =	vmul.u32 $0x1B9, v13;
	v14 =	vmul.u32 $0x15, v14  }
0x1ad: {  	vm15 =	vle.f32 v12, $2.050000000e+01;
	vm0 =	vmand vm10, vm0;
	vm14 =	vlt.s32 v15, $0x14  }
0x1ae: {  	vm0 =	vmand vm13, vm0;
	v12 =	vnsel vm14, $0x14, v15;
	v13 =	vadd.s32 v13, v14  }
0x1af: {  	vm0 =	vmand vm15, vm0;
	v12 =	vadd.s32 v12, v13  }
0x1b0: {  	v12 =	vsel vm0, v12, v9  }
0x1b1: {  	s6 =	sadd.s32 s3, s0;
	s2 =	simm.s32 $0x0;
	[tilespmem:v11+s7+$0x70 ss:$0x1] =	vst.idx.msk $0xffff, v12  }
0x1b2: {  	v11 =	vmov s2;
	[tilespmem:s19], [sflag:$0x1] =	stream.strided.gather [hbm4b:s6+s17], $0x1000, s18, s17, $0x38;
	[tilespmem:$0x1FA00] =	vst v63  }
0x1b3: {  	s11 =	sadd.s32 s0, s8;
	v11 =	vand.u32 $0x78, v11  }
0x1b4: {  	v11 =	vbroadcast v11, $0x0;
	[tilespmem:s20], [sflag:$0x2] =	stream.strided.gather [hbm4b:s11+s17], $0x1000, s18, s17, $0x38;
	[tilespmem:$0x1FA00] =	vst v63  }
0x1b5: {  	_ =	swait.ge [sflag:s13], $0x1000  }
0x1b6: {  	p1 =	seq.s32 s31, $0x0;
	v12 =	vor.u32 v4, v11;
	[sflag:s13] =	ssyncset.done $0x0  }
0x1b7: {  	s6 =	simm.s32 @!p1 $0x3;
	v11 =	vor.u32 v10, v11;
	[sflag:s13] =	ssyncadd.s32 $0xFFFFF000  }
0x1b8: {  	s15 =	simm.s32 $0x1;
	_ =	swait.ge @!p1 [sflag:s6], $0x4000  }
0x1b9: {  	v13 =	vmov s15;
	[sflag:s6] =	ssyncset.done @!p1 $0x0  }
0x1ba: {  	v13 =	vand.u32 $0x79, v13;
	[sflag:s6] =	ssyncadd.s32 @!p1 $0xFFFFC000  }
0x1bb: {  	v13 =	vbroadcast v13, $0x0;
	v12 =	vld.idx.msk [tilespmem:v12+s19+$0x0], $0xffff  }
0x1bc: {  	v11 =	vld.idx.msk [tilespmem:v11+s19+$0x0], $0xffff  }
0x1bd: {  	v14 =	vor.u32 v4, v13  }
0x1be: {  	v13 =	vor.u32 v10, v13  }
0x1bf: {  	s15 =	simm.s32 $0x2C00;
	s2 =	simm.s32 $0x2  }
0x1c0: {  	[tilespmem:s15+$0xFFFFFE00] =	vst v12;
	v12 =	vmov s2  }
0x1c1: {  	[tilespmem:s15+$0xFFFFFE10] =	vst v11;
	v11 =	vand.u32 $0x7A, v12  }
0x1c2: {  	v12 =	vld.idx.msk [tilespmem:v14+s19+$0x0], $0xffff;
	v11 =	vbroadcast v11, $0x0  }
0x1c3: {  	v13 =	vld.idx.msk [tilespmem:v13+s19+$0x0], $0xffff  }
0x1c4: {  	v14 =	vor.u32 v4, v11  }
0x1c5: {  	v11 =	vor.u32 v10, v11  }
0x1c6: {  	s7 =	simm.s32 $0x3  }
0x1c7: {  	[tilespmem:s15+$0xFFFFFE80] =	vst v12;
	v12 =	vmov s7  }
0x1c8: {  	[tilespmem:s15+$0xFFFFFE90] =	vst v13;
	v12 =	vand.u32 $0x7B, v12  }
0x1c9: {  	v12 =	vbroadcast v12, $0x0;
	v13 =	vld.idx.msk [tilespmem:v14+s19+$0x0], $0xffff  }
0x1ca: {  	v11 =	vld.idx.msk [tilespmem:v11+s19+$0x0], $0xffff  }
0x1cb: {  	v14 =	vor.u32 v4, v12  }
0x1cc: {  	v12 =	vor.u32 v10, v12  }
0x1cd: {  	s11 =	simm.s32 $0x4  }
0x1ce: {  	[tilespmem:s15+$0xFFFFFF00] =	vst v13;
	v13 =	vmov s11  }
0x1cf: {  	[tilespmem:s15+$0xFFFFFF10] =	vst v11;
	v11 =	vand.u32 $0x7C, v13  }
0x1d0: {  	v13 =	vld.idx.msk [tilespmem:v14+s19+$0x0], $0xffff;
	v11 =	vbroadcast v11, $0x0  }
0x1d1: {  	v12 =	vld.idx.msk [tilespmem:v12+s19+$0x0], $0xffff  }
0x1d2: {  	v14 =	vor.u32 v4, v11  }
0x1d3: {  	v11 =	vor.u32 v10, v11  }
0x1d4: {  	s2 =	simm.s32 $0x5  }
0x1d5: {  	[tilespmem:s15+$0xFFFFFF80] =	vst v13;
	v13 =	vmov s2  }
0x1d6: {  	[tilespmem:s15+$0xFFFFFF90] =	vst v12;
	v12 =	vand.u32 $0x7D, v13  }
0x1d7: {  	v12 =	vbroadcast v12, $0x0;
	v13 =	vld.idx.msk [tilespmem:v14+s19+$0x0], $0xffff  }
0x1d8: {  	v11 =	vld.idx.msk [tilespmem:v11+s19+$0x0], $0xffff  }
0x1d9: {  	v14 =	vor.u32 v4, v12  }
0x1da: {  	v12 =	vor.u32 v10, v12  }
0x1db: {  	s7 =	simm.s32 $0x6  }
0x1dc: {  	[tilespmem:s15+$0x0] =	vst v13;
	v13 =	vmov s7  }
0x1dd: {  	[tilespmem:s15+$0x10] =	vst v11;
	v11 =	vand.u32 $0x7E, v13  }
0x1de: {  	v13 =	vld.idx.msk [tilespmem:v14+s19+$0x0], $0xffff;
	v11 =	vbroadcast v11, $0x0  }
0x1df: {  	v12 =	vld.idx.msk [tilespmem:v12+s19+$0x0], $0xffff  }
0x1e0: {  	v14 =	vor.u32 v4, v11;
	_ =	sdelay $0x1  }
0x1e1: {  	v11 =	vor.u32 v10, v11  }
0x1e2: {  	s11 =	simm.s32 $0x7;
	[tilespmem:s15+$0x80] =	vst v13  }
0x1e3: {  	[tilespmem:s15+$0x90] =	vst v12;
	v12 =	vmov s11  }
0x1e4: {  	v12 =	vand.u32 $0x7F, v12;
	v14 =	vld.idx.msk [tilespmem:v14+s19+$0x0], $0xffff  }
0x1e5: {  	v15 =	vbroadcast v12, $0x0  }
0x1e6: {  	v13 =	vld.idx.msk [tilespmem:v11+s19+$0x0], $0xffff  }
0x1e7: {  	v12 =	vor.u32 v4, v15  }
0x1e8: {  	s29 =	simm.s32 $0x17;
	v11 =	vor.u32 v10, v15  }
0x1e9: {  	s6 =	simm.s32 $0x2C00;
	s7 =	simm.s32 $0xF;
	s11 =	simm.s32 $0x8;
	[tilespmem:s15+$0x100] =	vst v14  }
.LBB2_9:
0x1ea: {  	p2 =	sne.s32 s29, $0x7F  }
0x1eb: {  	v14 =	vmov s11;
	[tilespmem:s15+$0x110] =	vst v13;
	s6 =	sadd.s32 $0x400, s6;
	s11 =	smov.u32 s29;
	s29 =	sadd.s32 $0x8, s29  }
0x1ec: {  	v13 =	vand.u32 $0x78, v14;
	v12 =	vld.idx.msk [tilespmem:v12+s19+$0x0], $0xffff  }
0x1ed: {  	v13 =	vbroadcast v13, $0x0;
	v11 =	vld.idx.msk [tilespmem:v11+s19+$0x0], $0xffff;
	_ =	sdelay $0x1  }
0x1ee: {  	v14 =	vor.u32 v4, v13;
	v13 =	vor.u32 v10, v13;
	_ =	sdelay $0x2  }
0x1ef: {  	s2 =	sadd.s32 $0xFFFFFFFA, s7;
	[tilespmem:s15+$0x180] =	vst v12  }
0x1f0: {  	v12 =	vmov s2;
	[tilespmem:s15+$0x190] =	vst v11;
	s15 =	smov.u32 s6  }
0x1f1: {  	v12 =	vand.u32 $0x79, v12;
	v11 =	vld.idx.msk [tilespmem:v14+s19+$0x0], $0xffff  }
0x1f2: {  	v12 =	vbroadcast v12, $0x0;
	v13 =	vld.idx.msk [tilespmem:v13+s19+$0x0], $0xffff;
	_ =	sdelay $0x1  }
0x1f3: {  	v14 =	vor.u32 v4, v12;
	v12 =	vor.u32 v10, v12;
	_ =	sdelay $0x2  }
0x1f4: {  	s2 =	sadd.s32 $0xFFFFFFFB, s7;
	[tilespmem:s6+$0xFFFFFE00] =	vst v11  }
0x1f5: {  	v11 =	vmov s2;
	[tilespmem:s6+$0xFFFFFE10] =	vst v13  }
0x1f6: {  	v11 =	vand.u32 $0x7A, v11;
	v13 =	vld.idx.msk [tilespmem:v14+s19+$0x0], $0xffff  }
0x1f7: {  	v11 =	vbroadcast v11, $0x0;
	v12 =	vld.idx.msk [tilespmem:v12+s19+$0x0], $0xffff;
	_ =	sdelay $0x1  }
0x1f8: {  	v14 =	vor.u32 v4, v11;
	v11 =	vor.u32 v10, v11;
	_ =	sdelay $0x2  }
0x1f9: {  	s2 =	sadd.s32 $0xFFFFFFFC, s7;
	[tilespmem:s6+$0xFFFFFE80] =	vst v13  }
0x1fa: {  	[tilespmem:s6+$0xFFFFFE90] =	vst v12;
	v12 =	vmov s2  }
0x1fb: {  	v13 =	vld.idx.msk [tilespmem:v14+s19+$0x0], $0xffff;
	v12 =	vand.u32 $0x7B, v12  }
0x1fc: {  	v11 =	vld.idx.msk [tilespmem:v11+s19+$0x0], $0xffff;
	v12 =	vbroadcast v12, $0x0;
	_ =	sdelay $0x1  }
0x1fd: {  	v14 =	vor.u32 v4, v12;
	v12 =	vor.u32 v10, v12;
	_ =	sdelay $0x2  }
0x1fe: {  	s2 =	sadd.s32 $0xFFFFFFFD, s7;
	[tilespmem:s6+$0xFFFFFF00] =	vst v13  }
0x1ff: {  	[tilespmem:s6+$0xFFFFFF10] =	vst v11;
	v11 =	vmov s2  }
0x200: {  	v13 =	vld.idx.msk [tilespmem:v14+s19+$0x0], $0xffff;
	v11 =	vand.u32 $0x7C, v11  }
0x201: {  	v12 =	vld.idx.msk [tilespmem:v12+s19+$0x0], $0xffff;
	v11 =	vbroadcast v11, $0x0;
	_ =	sdelay $0x1  }
0x202: {  	v14 =	vor.u32 v4, v11;
	v11 =	vor.u32 v10, v11;
	_ =	sdelay $0x2  }
0x203: {  	s2 =	sadd.s32 $0xFFFFFFFE, s7;
	[tilespmem:s6+$0xFFFFFF80] =	vst v13  }
0x204: {  	[tilespmem:s6+$0xFFFFFF90] =	vst v12;
	v12 =	vmov s2  }
0x205: {  	v13 =	vld.idx.msk [tilespmem:v14+s19+$0x0], $0xffff;
	v12 =	vand.u32 $0x7D, v12  }
0x206: {  	v11 =	vld.idx.msk [tilespmem:v11+s19+$0x0], $0xffff;
	v12 =	vbroadcast v12, $0x0;
	_ =	sdelay $0x1  }
0x207: {  	v14 =	vor.u32 v4, v12;
	v12 =	vor.u32 v10, v12;
	_ =	sdelay $0x2  }
0x208: {  	s2 =	sadd.s32 $0xFFFFFFFF, s7;
	[tilespmem:s6+$0x0] =	vst v13  }
0x209: {  	[tilespmem:s6+$0x10] =	vst v11;
	v11 =	vmov s2  }
0x20a: {  	v13 =	vld.idx.msk [tilespmem:v14+s19+$0x0], $0xffff;
	v11 =	vand.u32 $0x7E, v11  }
0x20b: {  	v12 =	vld.idx.msk [tilespmem:v12+s19+$0x0], $0xffff;
	v11 =	vbroadcast v11, $0x0;
	_ =	sdelay $0x1  }
0x20c: {  	v14 =	vor.u32 v4, v11;
	v11 =	vor.u32 v10, v11;
	_ =	sdelay $0x2  }
0x20d: {  	[tilespmem:s6+$0x80] =	vst v13  }
0x20e: {  	[tilespmem:s6+$0x90] =	vst v12;
	v12 =	vmov s7;
	s7 =	smov.u32 s11  }
0x20f: {  	v14 =	vld.idx.msk [tilespmem:v14+s19+$0x0], $0xffff;
	v12 =	vand.u32 $0x7F, v12  }
0x210: {  	v13 =	vld.idx.msk [tilespmem:v11+s19+$0x0], $0xffff;
	v11 =	vbroadcast v12, $0x0  }
.Ltmp3:
0x211: {  	(pc) =	sbr.rel @p2 .LBB2_9-.Ltmp3, $2  }
0x212: {  	v12 =	vor.u32 v4, v11;
	v11 =	vor.u32 v10, v11;
	_ =	sdelay $0x2  }
0x213: {  	s11 =	sadd.s32 $0xFFFFFFF9, s7;
	[tilespmem:s6+$0x100] =	vst v14  }
0x214: {  	_ =	sdelay $0x1  }
0x215: {  	v14 =	vmov s11  }
0x216: {  	[tilespmem:s15+$0x110] =	vst v13;
	v13 =	vand.u32 $0x78, v14  }
0x217: {  	v12 =	vld.idx.msk [tilespmem:v12+s19+$0x0], $0xffff;
	v13 =	vbroadcast v13, $0x0  }
0x218: {  	v11 =	vld.idx.msk [tilespmem:v11+s19+$0x0], $0xffff  }
0x219: {  	v14 =	vor.u32 v4, v13  }
0x21a: {  	v13 =	vor.u32 v10, v13  }
0x21b: {  	s2 =	sadd.s32 $0xFFFFFFFA, s7  }
0x21c: {  	[tilespmem:s15+$0x180] =	vst v12;
	v12 =	vmov s2  }
0x21d: {  	[tilespmem:s15+$0x190] =	vst v11;
	v11 =	vand.u32 $0x79, v12  }
0x21e: {  	v11 =	vbroadcast v11, $0x0;
	v12 =	vld.idx.msk [tilespmem:v14+s19+$0x0], $0xffff  }
0x21f: {  	v13 =	vld.idx.msk [tilespmem:v13+s19+$0x0], $0xffff  }
0x220: {  	v14 =	vor.u32 v4, v11  }
0x221: {  	v11 =	vor.u32 v10, v11  }
0x222: {  	s6 =	sadd.s32 $0x400, s6;
	s15 =	sadd.s32 $0xFFFFFFFB, s7  }
0x223: {  	[tilespmem:s6+$0xFFFFFE00] =	vst v12;
	v12 =	vmov s15  }
0x224: {  	[tilespmem:s6+$0xFFFFFE10] =	vst v13;
	v12 =	vand.u32 $0x7A, v12  }
0x225: {  	v13 =	vld.idx.msk [tilespmem:v14+s19+$0x0], $0xffff;
	v12 =	vbroadcast v12, $0x0  }
0x226: {  	v11 =	vld.idx.msk [tilespmem:v11+s19+$0x0], $0xffff  }
0x227: {  	v14 =	vor.u32 v4, v12  }
0x228: {  	v12 =	vor.u32 v10, v12  }
0x229: {  	s11 =	sadd.s32 $0xFFFFFFFC, s7  }
0x22a: {  	[tilespmem:s6+$0xFFFFFE80] =	vst v13;
	v13 =	vmov s11  }
0x22b: {  	[tilespmem:s6+$0xFFFFFE90] =	vst v11;
	v11 =	vand.u32 $0x7B, v13  }
0x22c: {  	v11 =	vbroadcast v11, $0x0;
	v13 =	vld.idx.msk [tilespmem:v14+s19+$0x0], $0xffff  }
0x22d: {  	v12 =	vld.idx.msk [tilespmem:v12+s19+$0x0], $0xffff  }
0x22e: {  	v14 =	vor.u32 v4, v11  }
0x22f: {  	v11 =	vor.u32 v10, v11  }
0x230: {  	s15 =	sadd.s32 $0xFFFFFFFD, s7  }
0x231: {  	[tilespmem:s6+$0xFFFFFF00] =	vst v13;
	v13 =	vmov s15  }
0x232: {  	[tilespmem:s6+$0xFFFFFF10] =	vst v12;
	v12 =	vand.u32 $0x7C, v13  }
0x233: {  	v13 =	vld.idx.msk [tilespmem:v14+s19+$0x0], $0xffff;
	v12 =	vbroadcast v12, $0x0  }
0x234: {  	v11 =	vld.idx.msk [tilespmem:v11+s19+$0x0], $0xffff  }
0x235: {  	v14 =	vor.u32 v4, v12  }
0x236: {  	v12 =	vor.u32 v10, v12  }
0x237: {  	s11 =	sadd.s32 $0xFFFFFFFE, s7  }
0x238: {  	[tilespmem:s6+$0xFFFFFF80] =	vst v13;
	v13 =	vmov s11  }
0x239: {  	[tilespmem:s6+$0xFFFFFF90] =	vst v11;
	v11 =	vand.u32 $0x7D, v13  }
0x23a: {  	v11 =	vbroadcast v11, $0x0;
	v13 =	vld.idx.msk [tilespmem:v14+s19+$0x0], $0xffff  }
0x23b: {  	v12 =	vld.idx.msk [tilespmem:v12+s19+$0x0], $0xffff  }
0x23c: {  	v14 =	vor.u32 v4, v11  }
0x23d: {  	v11 =	vor.u32 v10, v11  }
0x23e: {  	s15 =	sadd.s32 $0xFFFFFFFF, s7  }
0x23f: {  	[tilespmem:s6+$0x0] =	vst v13;
	v13 =	vmov s15  }
0x240: {  	[tilespmem:s6+$0x10] =	vst v12;
	v12 =	vand.u32 $0x7E, v13  }
0x241: {  	v13 =	vld.idx.msk [tilespmem:v14+s19+$0x0], $0xffff;
	v12 =	vbroadcast v12, $0x0  }
0x242: {  	v11 =	vld.idx.msk [tilespmem:v11+s19+$0x0], $0xffff  }
0x243: {  	v14 =	vor.u32 v4, v12  }
0x244: {  	v12 =	vor.u32 v10, v12;
	_ =	sdelay $0x1  }
0x245: {  	[tilespmem:s6+$0x80] =	vst v13;
	v13 =	vmov s7  }
0x246: {  	[tilespmem:s6+$0x90] =	vst v11;
	v11 =	vand.u32 $0x7F, v13  }
0x247: {  	v11 =	vbroadcast v11, $0x0;
	v13 =	vld.idx.msk [tilespmem:v14+s19+$0x0], $0xffff  }
0x248: {  	v12 =	vld.idx.msk [tilespmem:v12+s19+$0x0], $0xffff  }
0x249: {  	v14 =	vor.u32 v4, v11  }
0x24a: {  	v11 =	vor.u32 v10, v11;
	_ =	sdelay $0x1  }
0x24b: {  	[tilespmem:s6+$0x100] =	vst v13  }
0x24c: {  	[tilespmem:s6+$0x110] =	vst v12  }
0x24d: {  	v12 =	vld.idx.msk [tilespmem:v14+s19+$0x0], $0xffff  }
0x24e: {  	v11 =	vld.idx.msk [tilespmem:v11+s19+$0x0], $0xffff;
	_ =	sdelay $0x3  }
0x24f: {  	s4 =	sshll.u32 s4, $0x7;
	[tilespmem:s6+$0x180] =	vst v12  }
0x250: {  	s7 =	simm.s32 $0x0;
	[tilespmem:s6+$0x190] =	vst v11;
	s6 =	sadd.s32 $0x600, s4  }
0x251: {  	v11 =	vmov s7;
	[spmem:s5] =	stream.indirect.scatter.add.f32 [tilespmem:s22], [sflag:$0x3], $0x80, s6, s21, $0xb8;
	[tilespmem:$0x1FA00] =	vst v63  }
0x252: {  	s11 =	sadd.s32 s0, s9;
	v11 =	vand.u32 $0x78, v11  }
0x253: {  	v11 =	vbroadcast v11, $0x0;
	[tilespmem:s19], [sflag:$0x1] =	stream.strided.gather [hbm4b:s11+s17], $0x1000, s18, s17, $0x38;
	[tilespmem:$0x1FA00] =	vst v63  }
0x254: {  	_ =	swait.ge [sflag:s23], $0x1000  }
0x255: {  	v12 =	vor.u32 v4, v11;
	[sflag:s23] =	ssyncset.done $0x0  }
0x256: {  	s2 =	simm.s32 @!p1 $0x4;
	v11 =	vor.u32 v10, v11;
	[sflag:s23] =	ssyncadd.s32 $0xFFFFF000  }
0x257: {  	s15 =	simm.s32 $0x1;
	_ =	swait.ge @!p1 [sflag:s2], $0x4000  }
0x258: {  	v13 =	vmov s15;
	[sflag:s2] =	ssyncset.done @!p1 $0x0  }
0x259: {  	v13 =	vand.u32 $0x79, v13;
	[sflag:s2] =	ssyncadd.s32 @!p1 $0xFFFFC000  }
0x25a: {  	v13 =	vbroadcast v13, $0x0;
	v12 =	vld.idx.msk [tilespmem:v12+s20+$0x0], $0xffff  }
0x25b: {  	v11 =	vld.idx.msk [tilespmem:v11+s20+$0x0], $0xffff  }
0x25c: {  	v14 =	vor.u32 v4, v13  }
0x25d: {  	v13 =	vor.u32 v10, v13  }
0x25e: {  	s15 =	simm.s32 $0x6C00;
	s6 =	simm.s32 $0x2  }
0x25f: {  	[tilespmem:s15+$0xFFFFFE00] =	vst v12;
	v12 =	vmov s6  }
0x260: {  	[tilespmem:s15+$0xFFFFFE10] =	vst v11;
	v11 =	vand.u32 $0x7A, v12  }
0x261: {  	v12 =	vld.idx.msk [tilespmem:v14+s20+$0x0], $0xffff;
	v11 =	vbroadcast v11, $0x0  }
0x262: {  	v13 =	vld.idx.msk [tilespmem:v13+s20+$0x0], $0xffff  }
0x263: {  	v14 =	vor.u32 v4, v11  }
0x264: {  	v11 =	vor.u32 v10, v11  }
0x265: {  	s7 =	simm.s32 $0x3  }
0x266: {  	[tilespmem:s15+$0xFFFFFE80] =	vst v12;
	v12 =	vmov s7  }
0x267: {  	[tilespmem:s15+$0xFFFFFE90] =	vst v13;
	v12 =	vand.u32 $0x7B, v12  }
0x268: {  	v12 =	vbroadcast v12, $0x0;
	v13 =	vld.idx.msk [tilespmem:v14+s20+$0x0], $0xffff  }
0x269: {  	v11 =	vld.idx.msk [tilespmem:v11+s20+$0x0], $0xffff  }
0x26a: {  	v14 =	vor.u32 v4, v12  }
0x26b: {  	v12 =	vor.u32 v10, v12  }
0x26c: {  	s11 =	simm.s32 $0x4  }
0x26d: {  	[tilespmem:s15+$0xFFFFFF00] =	vst v13;
	v13 =	vmov s11  }
0x26e: {  	[tilespmem:s15+$0xFFFFFF10] =	vst v11;
	v11 =	vand.u32 $0x7C, v13  }
0x26f: {  	v13 =	vld.idx.msk [tilespmem:v14+s20+$0x0], $0xffff;
	v11 =	vbroadcast v11, $0x0  }
0x270: {  	v12 =	vld.idx.msk [tilespmem:v12+s20+$0x0], $0xffff  }
0x271: {  	v14 =	vor.u32 v4, v11  }
0x272: {  	v11 =	vor.u32 v10, v11  }
0x273: {  	s6 =	simm.s32 $0x5  }
0x274: {  	[tilespmem:s15+$0xFFFFFF80] =	vst v13;
	v13 =	vmov s6  }
0x275: {  	[tilespmem:s15+$0xFFFFFF90] =	vst v12;
	v12 =	vand.u32 $0x7D, v13  }
0x276: {  	v12 =	vbroadcast v12, $0x0;
	v13 =	vld.idx.msk [tilespmem:v14+s20+$0x0], $0xffff  }
0x277: {  	v11 =	vld.idx.msk [tilespmem:v11+s20+$0x0], $0xffff  }
0x278: {  	v14 =	vor.u32 v4, v12  }
0x279: {  	v12 =	vor.u32 v10, v12  }
0x27a: {  	s7 =	simm.s32 $0x6  }
0x27b: {  	[tilespmem:s15+$0x0] =	vst v13;
	v13 =	vmov s7  }
0x27c: {  	[tilespmem:s15+$0x10] =	vst v11;
	v11 =	vand.u32 $0x7E, v13  }
0x27d: {  	v13 =	vld.idx.msk [tilespmem:v14+s20+$0x0], $0xffff;
	v11 =	vbroadcast v11, $0x0  }
0x27e: {  	v12 =	vld.idx.msk [tilespmem:v12+s20+$0x0], $0xffff  }
0x27f: {  	v14 =	vor.u32 v4, v11;
	_ =	sdelay $0x1  }
0x280: {  	v11 =	vor.u32 v10, v11  }
0x281: {  	s11 =	simm.s32 $0x7;
	[tilespmem:s15+$0x80] =	vst v13  }
0x282: {  	[tilespmem:s15+$0x90] =	vst v12;
	v12 =	vmov s11  }
0x283: {  	v12 =	vand.u32 $0x7F, v12;
	v14 =	vld.idx.msk [tilespmem:v14+s20+$0x0], $0xffff  }
0x284: {  	v15 =	vbroadcast v12, $0x0  }
0x285: {  	v13 =	vld.idx.msk [tilespmem:v11+s20+$0x0], $0xffff  }
0x286: {  	v12 =	vor.u32 v4, v15  }
0x287: {  	s29 =	simm.s32 $0x17;
	v11 =	vor.u32 v10, v15  }
0x288: {  	s6 =	simm.s32 $0x6C00;
	s7 =	simm.s32 $0xF;
	s11 =	simm.s32 $0x8;
	[tilespmem:s15+$0x100] =	vst v14  }
.LBB2_11:
0x289: {  	p1 =	sne.s32 s29, $0x7F  }
0x28a: {  	v14 =	vmov s11;
	[tilespmem:s15+$0x110] =	vst v13;
	s6 =	sadd.s32 $0x400, s6;
	s11 =	smov.u32 s29;
	s29 =	sadd.s32 $0x8, s29  }
0x28b: {  	v13 =	vand.u32 $0x78, v14;
	v12 =	vld.idx.msk [tilespmem:v12+s20+$0x0], $0xffff  }
0x28c: {  	v13 =	vbroadcast v13, $0x0;
	v11 =	vld.idx.msk [tilespmem:v11+s20+$0x0], $0xffff;
	_ =	sdelay $0x1  }
0x28d: {  	v14 =	vor.u32 v4, v13;
	v13 =	vor.u32 v10, v13;
	_ =	sdelay $0x2  }
0x28e: {  	s2 =	sadd.s32 $0xFFFFFFFA, s7;
	[tilespmem:s15+$0x180] =	vst v12  }
0x28f: {  	v12 =	vmov s2;
	[tilespmem:s15+$0x190] =	vst v11;
	s15 =	smov.u32 s6  }
0x290: {  	v12 =	vand.u32 $0x79, v12;
	v11 =	vld.idx.msk [tilespmem:v14+s20+$0x0], $0xffff  }
0x291: {  	v12 =	vbroadcast v12, $0x0;
	v13 =	vld.idx.msk [tilespmem:v13+s20+$0x0], $0xffff;
	_ =	sdelay $0x1  }
0x292: {  	v14 =	vor.u32 v4, v12;
	v12 =	vor.u32 v10, v12;
	_ =	sdelay $0x2  }
0x293: {  	s2 =	sadd.s32 $0xFFFFFFFB, s7;
	[tilespmem:s6+$0xFFFFFE00] =	vst v11  }
0x294: {  	v11 =	vmov s2;
	[tilespmem:s6+$0xFFFFFE10] =	vst v13  }
0x295: {  	v11 =	vand.u32 $0x7A, v11;
	v13 =	vld.idx.msk [tilespmem:v14+s20+$0x0], $0xffff  }
0x296: {  	v11 =	vbroadcast v11, $0x0;
	v12 =	vld.idx.msk [tilespmem:v12+s20+$0x0], $0xffff;
	_ =	sdelay $0x1  }
0x297: {  	v14 =	vor.u32 v4, v11;
	v11 =	vor.u32 v10, v11;
	_ =	sdelay $0x2  }
0x298: {  	s2 =	sadd.s32 $0xFFFFFFFC, s7;
	[tilespmem:s6+$0xFFFFFE80] =	vst v13  }
0x299: {  	[tilespmem:s6+$0xFFFFFE90] =	vst v12;
	v12 =	vmov s2  }
0x29a: {  	v13 =	vld.idx.msk [tilespmem:v14+s20+$0x0], $0xffff;
	v12 =	vand.u32 $0x7B, v12  }
0x29b: {  	v11 =	vld.idx.msk [tilespmem:v11+s20+$0x0], $0xffff;
	v12 =	vbroadcast v12, $0x0;
	_ =	sdelay $0x1  }
0x29c: {  	v14 =	vor.u32 v4, v12;
	v12 =	vor.u32 v10, v12;
	_ =	sdelay $0x2  }
0x29d: {  	s2 =	sadd.s32 $0xFFFFFFFD, s7;
	[tilespmem:s6+$0xFFFFFF00] =	vst v13  }
0x29e: {  	[tilespmem:s6+$0xFFFFFF10] =	vst v11;
	v11 =	vmov s2  }
0x29f: {  	v13 =	vld.idx.msk [tilespmem:v14+s20+$0x0], $0xffff;
	v11 =	vand.u32 $0x7C, v11  }
0x2a0: {  	v12 =	vld.idx.msk [tilespmem:v12+s20+$0x0], $0xffff;
	v11 =	vbroadcast v11, $0x0;
	_ =	sdelay $0x1  }
0x2a1: {  	v14 =	vor.u32 v4, v11;
	v11 =	vor.u32 v10, v11;
	_ =	sdelay $0x2  }
0x2a2: {  	s2 =	sadd.s32 $0xFFFFFFFE, s7;
	[tilespmem:s6+$0xFFFFFF80] =	vst v13  }
0x2a3: {  	[tilespmem:s6+$0xFFFFFF90] =	vst v12;
	v12 =	vmov s2  }
0x2a4: {  	v13 =	vld.idx.msk [tilespmem:v14+s20+$0x0], $0xffff;
	v12 =	vand.u32 $0x7D, v12  }
0x2a5: {  	v11 =	vld.idx.msk [tilespmem:v11+s20+$0x0], $0xffff;
	v12 =	vbroadcast v12, $0x0;
	_ =	sdelay $0x1  }
0x2a6: {  	v14 =	vor.u32 v4, v12;
	v12 =	vor.u32 v10, v12;
	_ =	sdelay $0x2  }
0x2a7: {  	s2 =	sadd.s32 $0xFFFFFFFF, s7;
	[tilespmem:s6+$0x0] =	vst v13  }
0x2a8: {  	[tilespmem:s6+$0x10] =	vst v11;
	v11 =	vmov s2  }
0x2a9: {  	v13 =	vld.idx.msk [tilespmem:v14+s20+$0x0], $0xffff;
	v11 =	vand.u32 $0x7E, v11  }
0x2aa: {  	v12 =	vld.idx.msk [tilespmem:v12+s20+$0x0], $0xffff;
	v11 =	vbroadcast v11, $0x0;
	_ =	sdelay $0x1  }
0x2ab: {  	v14 =	vor.u32 v4, v11;
	v11 =	vor.u32 v10, v11;
	_ =	sdelay $0x2  }
0x2ac: {  	[tilespmem:s6+$0x80] =	vst v13  }
0x2ad: {  	[tilespmem:s6+$0x90] =	vst v12;
	v12 =	vmov s7;
	s7 =	smov.u32 s11  }
0x2ae: {  	v14 =	vld.idx.msk [tilespmem:v14+s20+$0x0], $0xffff;
	v12 =	vand.u32 $0x7F, v12  }
0x2af: {  	v13 =	vld.idx.msk [tilespmem:v11+s20+$0x0], $0xffff;
	v11 =	vbroadcast v12, $0x0  }
.Ltmp4:
0x2b0: {  	(pc) =	sbr.rel @p1 .LBB2_11-.Ltmp4, $2  }
0x2b1: {  	v12 =	vor.u32 v4, v11;
	v11 =	vor.u32 v10, v11;
	_ =	sdelay $0x2  }
0x2b2: {  	s11 =	sadd.s32 $0xFFFFFFF9, s7;
	[tilespmem:s6+$0x100] =	vst v14  }
0x2b3: {  	_ =	sdelay $0x1  }
0x2b4: {  	v14 =	vmov s11  }
0x2b5: {  	[tilespmem:s15+$0x110] =	vst v13;
	v13 =	vand.u32 $0x78, v14  }
0x2b6: {  	v12 =	vld.idx.msk [tilespmem:v12+s20+$0x0], $0xffff;
	v13 =	vbroadcast v13, $0x0  }
0x2b7: {  	v11 =	vld.idx.msk [tilespmem:v11+s20+$0x0], $0xffff  }
0x2b8: {  	v14 =	vor.u32 v4, v13  }
0x2b9: {  	v13 =	vor.u32 v10, v13  }
0x2ba: {  	s2 =	sadd.s32 $0xFFFFFFFA, s7  }
0x2bb: {  	[tilespmem:s15+$0x180] =	vst v12;
	v12 =	vmov s2  }
0x2bc: {  	[tilespmem:s15+$0x190] =	vst v11;
	v11 =	vand.u32 $0x79, v12  }
0x2bd: {  	v11 =	vbroadcast v11, $0x0;
	v12 =	vld.idx.msk [tilespmem:v14+s20+$0x0], $0xffff  }
0x2be: {  	v13 =	vld.idx.msk [tilespmem:v13+s20+$0x0], $0xffff  }
0x2bf: {  	v14 =	vor.u32 v4, v11  }
0x2c0: {  	v11 =	vor.u32 v10, v11  }
0x2c1: {  	s6 =	sadd.s32 $0x400, s6;
	s15 =	sadd.s32 $0xFFFFFFFB, s7  }
0x2c2: {  	[tilespmem:s6+$0xFFFFFE00] =	vst v12;
	v12 =	vmov s15  }
0x2c3: {  	[tilespmem:s6+$0xFFFFFE10] =	vst v13;
	v12 =	vand.u32 $0x7A, v12  }
0x2c4: {  	v13 =	vld.idx.msk [tilespmem:v14+s20+$0x0], $0xffff;
	v12 =	vbroadcast v12, $0x0  }
0x2c5: {  	v11 =	vld.idx.msk [tilespmem:v11+s20+$0x0], $0xffff  }
0x2c6: {  	v14 =	vor.u32 v4, v12  }
0x2c7: {  	v12 =	vor.u32 v10, v12  }
0x2c8: {  	s29 =	sadd.s32 $0xFFFFFFFC, s7  }
0x2c9: {  	[tilespmem:s6+$0xFFFFFE80] =	vst v13;
	v13 =	vmov s29  }
0x2ca: {  	[tilespmem:s6+$0xFFFFFE90] =	vst v11;
	v11 =	vand.u32 $0x7B, v13  }
0x2cb: {  	v11 =	vbroadcast v11, $0x0;
	v13 =	vld.idx.msk [tilespmem:v14+s20+$0x0], $0xffff  }
0x2cc: {  	v12 =	vld.idx.msk [tilespmem:v12+s20+$0x0], $0xffff  }
0x2cd: {  	v14 =	vor.u32 v4, v11  }
0x2ce: {  	v11 =	vor.u32 v10, v11  }
0x2cf: {  	s11 =	sadd.s32 $0xFFFFFFFD, s7  }
0x2d0: {  	[tilespmem:s6+$0xFFFFFF00] =	vst v13;
	v13 =	vmov s11  }
0x2d1: {  	[tilespmem:s6+$0xFFFFFF10] =	vst v12;
	v12 =	vand.u32 $0x7C, v13  }
0x2d2: {  	v13 =	vld.idx.msk [tilespmem:v14+s20+$0x0], $0xffff;
	v12 =	vbroadcast v12, $0x0  }
0x2d3: {  	v11 =	vld.idx.msk [tilespmem:v11+s20+$0x0], $0xffff  }
0x2d4: {  	v14 =	vor.u32 v4, v12  }
0x2d5: {  	v12 =	vor.u32 v10, v12  }
0x2d6: {  	s15 =	sadd.s32 $0xFFFFFFFE, s7  }
0x2d7: {  	[tilespmem:s6+$0xFFFFFF80] =	vst v13;
	v13 =	vmov s15  }
0x2d8: {  	[tilespmem:s6+$0xFFFFFF90] =	vst v11;
	v11 =	vand.u32 $0x7D, v13  }
0x2d9: {  	v11 =	vbroadcast v11, $0x0;
	v13 =	vld.idx.msk [tilespmem:v14+s20+$0x0], $0xffff  }
0x2da: {  	v12 =	vld.idx.msk [tilespmem:v12+s20+$0x0], $0xffff  }
0x2db: {  	v14 =	vor.u32 v4, v11  }
0x2dc: {  	v11 =	vor.u32 v10, v11  }
0x2dd: {  	s29 =	sadd.s32 $0xFFFFFFFF, s7  }
0x2de: {  	[tilespmem:s6+$0x0] =	vst v13;
	v13 =	vmov s29  }
0x2df: {  	[tilespmem:s6+$0x10] =	vst v12;
	v12 =	vand.u32 $0x7E, v13  }
0x2e0: {  	v13 =	vld.idx.msk [tilespmem:v14+s20+$0x0], $0xffff;
	v12 =	vbroadcast v12, $0x0  }
0x2e1: {  	v11 =	vld.idx.msk [tilespmem:v11+s20+$0x0], $0xffff  }
0x2e2: {  	v14 =	vor.u32 v4, v12  }
0x2e3: {  	v12 =	vor.u32 v10, v12;
	_ =	sdelay $0x1  }
0x2e4: {  	[tilespmem:s6+$0x80] =	vst v13;
	v13 =	vmov s7  }
0x2e5: {  	[tilespmem:s6+$0x90] =	vst v11;
	v11 =	vand.u32 $0x7F, v13  }
0x2e6: {  	v11 =	vbroadcast v11, $0x0;
	v13 =	vld.idx.msk [tilespmem:v14+s20+$0x0], $0xffff  }
0x2e7: {  	v12 =	vld.idx.msk [tilespmem:v12+s20+$0x0], $0xffff  }
0x2e8: {  	v14 =	vor.u32 v4, v11  }
0x2e9: {  	v11 =	vor.u32 v10, v11;
	_ =	sdelay $0x1  }
0x2ea: {  	[tilespmem:s6+$0x100] =	vst v13  }
0x2eb: {  	[tilespmem:s6+$0x110] =	vst v12  }
0x2ec: {  	v12 =	vld.idx.msk [tilespmem:v14+s20+$0x0], $0xffff  }
0x2ed: {  	v11 =	vld.idx.msk [tilespmem:v11+s20+$0x0], $0xffff;
	_ =	sdelay $0x3  }
0x2ee: {  	[tilespmem:s6+$0x180] =	vst v12  }
0x2ef: {  	s11 =	simm.s32 $0x0;
	s7 =	sadd.s32 $0x680, s4;
	[tilespmem:s6+$0x190] =	vst v11  }
0x2f0: {  	v11 =	vmov s11;
	[spmem:s5] =	stream.indirect.scatter.add.f32 [tilespmem:s24], [sflag:$0x4], $0x80, s7, s21, $0xb8;
	[tilespmem:$0x1FA00] =	vst v63  }
0x2f1: {  	s0 =	sadd.s32 s0, s10;
	v11 =	vand.u32 $0x78, v11  }
0x2f2: {  	v11 =	vbroadcast v11, $0x0;
	[tilespmem:s20], [sflag:$0x2] =	stream.strided.gather [hbm4b:s0+s17], $0x1000, s18, s17, $0x38;
	[tilespmem:$0x1FA00] =	vst v63  }
0x2f3: {  	_ =	swait.ge [sflag:s13], $0x1000  }
0x2f4: {  	v12 =	vor.u32 v4, v11;
	[sflag:s13] =	ssyncset.done $0x0  }
0x2f5: {  	v11 =	vor.u32 v10, v11;
	[sflag:s13] =	ssyncadd.s32 $0xFFFFF000  }
0x2f6: {  	s15 =	simm.s32 $0x1;
	_ =	swait.ge [sflag:s25], $0x4000  }
0x2f7: {  	v13 =	vmov s15;
	[sflag:s25] =	ssyncset.done $0x0  }
0x2f8: {  	v13 =	vand.u32 $0x79, v13;
	[sflag:s25] =	ssyncadd.s32 $0xFFFFC000  }
0x2f9: {  	v13 =	vbroadcast v13, $0x0;
	v12 =	vld.idx.msk [tilespmem:v12+s19+$0x0], $0xffff  }
0x2fa: {  	v11 =	vld.idx.msk [tilespmem:v11+s19+$0x0], $0xffff  }
0x2fb: {  	v14 =	vor.u32 v4, v13  }
0x2fc: {  	v13 =	vor.u32 v10, v13  }
0x2fd: {  	s29 =	simm.s32 $0x2;
	s7 =	simm.s32 $0x2C00  }
0x2fe: {  	[tilespmem:s7+$0xFFFFFE00] =	vst v12;
	v12 =	vmov s29  }
0x2ff: {  	[tilespmem:s7+$0xFFFFFE10] =	vst v11;
	v11 =	vand.u32 $0x7A, v12  }
0x300: {  	v12 =	vld.idx.msk [tilespmem:v14+s19+$0x0], $0xffff;
	v11 =	vbroadcast v11, $0x0  }
0x301: {  	v13 =	vld.idx.msk [tilespmem:v13+s19+$0x0], $0xffff  }
0x302: {  	v14 =	vor.u32 v4, v11  }
0x303: {  	v11 =	vor.u32 v10, v11  }
0x304: {  	s2 =	simm.s32 $0x3  }
0x305: {  	[tilespmem:s7+$0xFFFFFE80] =	vst v12;
	v12 =	vmov s2  }
0x306: {  	[tilespmem:s7+$0xFFFFFE90] =	vst v13;
	v12 =	vand.u32 $0x7B, v12  }
0x307: {  	v12 =	vbroadcast v12, $0x0;
	v13 =	vld.idx.msk [tilespmem:v14+s19+$0x0], $0xffff  }
0x308: {  	v11 =	vld.idx.msk [tilespmem:v11+s19+$0x0], $0xffff  }
0x309: {  	v14 =	vor.u32 v4, v12  }
0x30a: {  	v12 =	vor.u32 v10, v12  }
0x30b: {  	s6 =	simm.s32 $0x4  }
0x30c: {  	[tilespmem:s7+$0xFFFFFF00] =	vst v13;
	v13 =	vmov s6  }
0x30d: {  	[tilespmem:s7+$0xFFFFFF10] =	vst v11;
	v11 =	vand.u32 $0x7C, v13  }
0x30e: {  	v13 =	vld.idx.msk [tilespmem:v14+s19+$0x0], $0xffff;
	v11 =	vbroadcast v11, $0x0  }
0x30f: {  	v12 =	vld.idx.msk [tilespmem:v12+s19+$0x0], $0xffff  }
0x310: {  	v14 =	vor.u32 v4, v11  }
0x311: {  	v11 =	vor.u32 v10, v11  }
0x312: {  	s11 =	simm.s32 $0x5  }
0x313: {  	[tilespmem:s7+$0xFFFFFF80] =	vst v13;
	v13 =	vmov s11  }
0x314: {  	[tilespmem:s7+$0xFFFFFF90] =	vst v12;
	v12 =	vand.u32 $0x7D, v13  }
0x315: {  	v12 =	vbroadcast v12, $0x0;
	v13 =	vld.idx.msk [tilespmem:v14+s19+$0x0], $0xffff  }
0x316: {  	v11 =	vld.idx.msk [tilespmem:v11+s19+$0x0], $0xffff  }
0x317: {  	v14 =	vor.u32 v4, v12  }
0x318: {  	v12 =	vor.u32 v10, v12  }
0x319: {  	s15 =	simm.s32 $0x6  }
0x31a: {  	[tilespmem:s7+$0x0] =	vst v13;
	v13 =	vmov s15  }
0x31b: {  	[tilespmem:s7+$0x10] =	vst v11;
	v11 =	vand.u32 $0x7E, v13  }
0x31c: {  	v13 =	vld.idx.msk [tilespmem:v14+s19+$0x0], $0xffff;
	v11 =	vbroadcast v11, $0x0  }
0x31d: {  	v12 =	vld.idx.msk [tilespmem:v12+s19+$0x0], $0xffff  }
0x31e: {  	v14 =	vor.u32 v4, v11;
	_ =	sdelay $0x1  }
0x31f: {  	v11 =	vor.u32 v10, v11  }
0x320: {  	s29 =	simm.s32 $0x7;
	[tilespmem:s7+$0x80] =	vst v13  }
0x321: {  	[tilespmem:s7+$0x90] =	vst v12;
	v12 =	vmov s29  }
0x322: {  	v12 =	vand.u32 $0x7F, v12;
	v14 =	vld.idx.msk [tilespmem:v14+s19+$0x0], $0xffff  }
0x323: {  	v15 =	vbroadcast v12, $0x0  }
0x324: {  	v13 =	vld.idx.msk [tilespmem:v11+s19+$0x0], $0xffff  }
0x325: {  	v12 =	vor.u32 v4, v15  }
0x326: {  	s0 =	simm.s32 $0xF;
	v11 =	vor.u32 v10, v15  }
0x327: {  	s6 =	simm.s32 $0x2C00;
	s11 =	simm.s32 $0x8;
	s15 =	simm.s32 $0x17;
	[tilespmem:s7+$0x100] =	vst v14  }
.LBB2_13:
0x328: {  	p1 =	sne.s32 s15, $0x7F  }
0x329: {  	v14 =	vmov s11;
	[tilespmem:s7+$0x110] =	vst v13;
	s6 =	sadd.s32 $0x400, s6;
	s11 =	smov.u32 s15;
	s15 =	sadd.s32 $0x8, s15  }
0x32a: {  	v13 =	vand.u32 $0x78, v14;
	v12 =	vld.idx.msk [tilespmem:v12+s19+$0x0], $0xffff  }
0x32b: {  	v13 =	vbroadcast v13, $0x0;
	v11 =	vld.idx.msk [tilespmem:v11+s19+$0x0], $0xffff;
	_ =	sdelay $0x1  }
0x32c: {  	v14 =	vor.u32 v4, v13;
	v13 =	vor.u32 v10, v13;
	_ =	sdelay $0x2  }
0x32d: {  	s2 =	sadd.s32 $0xFFFFFFFA, s0;
	[tilespmem:s7+$0x180] =	vst v12  }
0x32e: {  	v12 =	vmov s2;
	[tilespmem:s7+$0x190] =	vst v11;
	s7 =	smov.u32 s6  }
0x32f: {  	v12 =	vand.u32 $0x79, v12;
	v11 =	vld.idx.msk [tilespmem:v14+s19+$0x0], $0xffff  }
0x330: {  	v12 =	vbroadcast v12, $0x0;
	v13 =	vld.idx.msk [tilespmem:v13+s19+$0x0], $0xffff;
	_ =	sdelay $0x1  }
0x331: {  	v14 =	vor.u32 v4, v12;
	v12 =	vor.u32 v10, v12;
	_ =	sdelay $0x2  }
0x332: {  	s2 =	sadd.s32 $0xFFFFFFFB, s0;
	[tilespmem:s6+$0xFFFFFE00] =	vst v11  }
0x333: {  	v11 =	vmov s2;
	[tilespmem:s6+$0xFFFFFE10] =	vst v13  }
0x334: {  	v11 =	vand.u32 $0x7A, v11;
	v13 =	vld.idx.msk [tilespmem:v14+s19+$0x0], $0xffff  }
0x335: {  	v11 =	vbroadcast v11, $0x0;
	v12 =	vld.idx.msk [tilespmem:v12+s19+$0x0], $0xffff;
	_ =	sdelay $0x1  }
0x336: {  	v14 =	vor.u32 v4, v11;
	v11 =	vor.u32 v10, v11;
	_ =	sdelay $0x2  }
0x337: {  	s2 =	sadd.s32 $0xFFFFFFFC, s0;
	[tilespmem:s6+$0xFFFFFE80] =	vst v13  }
0x338: {  	[tilespmem:s6+$0xFFFFFE90] =	vst v12;
	v12 =	vmov s2  }
0x339: {  	v13 =	vld.idx.msk [tilespmem:v14+s19+$0x0], $0xffff;
	v12 =	vand.u32 $0x7B, v12  }
0x33a: {  	v11 =	vld.idx.msk [tilespmem:v11+s19+$0x0], $0xffff;
	v12 =	vbroadcast v12, $0x0;
	_ =	sdelay $0x1  }
0x33b: {  	v14 =	vor.u32 v4, v12;
	v12 =	vor.u32 v10, v12;
	_ =	sdelay $0x2  }
0x33c: {  	s2 =	sadd.s32 $0xFFFFFFFD, s0;
	[tilespmem:s6+$0xFFFFFF00] =	vst v13  }
0x33d: {  	[tilespmem:s6+$0xFFFFFF10] =	vst v11;
	v11 =	vmov s2  }
0x33e: {  	v13 =	vld.idx.msk [tilespmem:v14+s19+$0x0], $0xffff;
	v11 =	vand.u32 $0x7C, v11  }
0x33f: {  	v12 =	vld.idx.msk [tilespmem:v12+s19+$0x0], $0xffff;
	v11 =	vbroadcast v11, $0x0;
	_ =	sdelay $0x1  }
0x340: {  	v14 =	vor.u32 v4, v11;
	v11 =	vor.u32 v10, v11;
	_ =	sdelay $0x2  }
0x341: {  	s2 =	sadd.s32 $0xFFFFFFFE, s0;
	[tilespmem:s6+$0xFFFFFF80] =	vst v13  }
0x342: {  	[tilespmem:s6+$0xFFFFFF90] =	vst v12;
	v12 =	vmov s2  }
0x343: {  	v13 =	vld.idx.msk [tilespmem:v14+s19+$0x0], $0xffff;
	v12 =	vand.u32 $0x7D, v12  }
0x344: {  	v11 =	vld.idx.msk [tilespmem:v11+s19+$0x0], $0xffff;
	v12 =	vbroadcast v12, $0x0;
	_ =	sdelay $0x1  }
0x345: {  	v14 =	vor.u32 v4, v12;
	v12 =	vor.u32 v10, v12;
	_ =	sdelay $0x2  }
0x346: {  	s2 =	sadd.s32 $0xFFFFFFFF, s0;
	[tilespmem:s6+$0x0] =	vst v13  }
0x347: {  	[tilespmem:s6+$0x10] =	vst v11;
	v11 =	vmov s2  }
0x348: {  	v13 =	vld.idx.msk [tilespmem:v14+s19+$0x0], $0xffff;
	v11 =	vand.u32 $0x7E, v11  }
0x349: {  	v12 =	vld.idx.msk [tilespmem:v12+s19+$0x0], $0xffff;
	v11 =	vbroadcast v11, $0x0;
	_ =	sdelay $0x1  }
0x34a: {  	v14 =	vor.u32 v4, v11;
	v11 =	vor.u32 v10, v11;
	_ =	sdelay $0x2  }
0x34b: {  	[tilespmem:s6+$0x80] =	vst v13  }
0x34c: {  	[tilespmem:s6+$0x90] =	vst v12;
	v12 =	vmov s0;
	s0 =	smov.u32 s11  }
0x34d: {  	v14 =	vld.idx.msk [tilespmem:v14+s19+$0x0], $0xffff;
	v12 =	vand.u32 $0x7F, v12  }
0x34e: {  	v13 =	vld.idx.msk [tilespmem:v11+s19+$0x0], $0xffff;
	v11 =	vbroadcast v12, $0x0  }
.Ltmp5:
0x34f: {  	(pc) =	sbr.rel @p1 .LBB2_13-.Ltmp5, $2  }
0x350: {  	v12 =	vor.u32 v4, v11;
	v11 =	vor.u32 v10, v11;
	_ =	sdelay $0x2  }
0x351: {  	s11 =	sadd.s32 $0xFFFFFFF9, s0;
	[tilespmem:s6+$0x100] =	vst v14  }
0x352: {  	_ =	sdelay $0x1  }
0x353: {  	v14 =	vmov s11  }
0x354: {  	[tilespmem:s7+$0x110] =	vst v13;
	v13 =	vand.u32 $0x78, v14  }
0x355: {  	v12 =	vld.idx.msk [tilespmem:v12+s19+$0x0], $0xffff;
	v13 =	vbroadcast v13, $0x0  }
0x356: {  	v11 =	vld.idx.msk [tilespmem:v11+s19+$0x0], $0xffff  }
0x357: {  	v14 =	vor.u32 v4, v13  }
0x358: {  	v13 =	vor.u32 v10, v13  }
0x359: {  	s2 =	sadd.s32 $0xFFFFFFFA, s0  }
0x35a: {  	[tilespmem:s7+$0x180] =	vst v12;
	v12 =	vmov s2  }
0x35b: {  	[tilespmem:s7+$0x190] =	vst v11;
	v11 =	vand.u32 $0x79, v12  }
0x35c: {  	v11 =	vbroadcast v11, $0x0;
	v12 =	vld.idx.msk [tilespmem:v14+s19+$0x0], $0xffff  }
0x35d: {  	v13 =	vld.idx.msk [tilespmem:v13+s19+$0x0], $0xffff  }
0x35e: {  	v14 =	vor.u32 v4, v11  }
0x35f: {  	v11 =	vor.u32 v10, v11  }
0x360: {  	s6 =	sadd.s32 $0x400, s6;
	s29 =	sadd.s32 $0xFFFFFFFB, s0  }
0x361: {  	[tilespmem:s6+$0xFFFFFE00] =	vst v12;
	v12 =	vmov s29  }
0x362: {  	[tilespmem:s6+$0xFFFFFE10] =	vst v13;
	v12 =	vand.u32 $0x7A, v12  }
0x363: {  	v13 =	vld.idx.msk [tilespmem:v14+s19+$0x0], $0xffff;
	v12 =	vbroadcast v12, $0x0  }
0x364: {  	v11 =	vld.idx.msk [tilespmem:v11+s19+$0x0], $0xffff  }
0x365: {  	v14 =	vor.u32 v4, v12  }
0x366: {  	v12 =	vor.u32 v10, v12  }
0x367: {  	s7 =	sadd.s32 $0xFFFFFFFC, s0  }
0x368: {  	[tilespmem:s6+$0xFFFFFE80] =	vst v13;
	v13 =	vmov s7  }
0x369: {  	[tilespmem:s6+$0xFFFFFE90] =	vst v11;
	v11 =	vand.u32 $0x7B, v13  }
0x36a: {  	v11 =	vbroadcast v11, $0x0;
	v13 =	vld.idx.msk [tilespmem:v14+s19+$0x0], $0xffff  }
0x36b: {  	v12 =	vld.idx.msk [tilespmem:v12+s19+$0x0], $0xffff  }
0x36c: {  	v14 =	vor.u32 v4, v11  }
0x36d: {  	v11 =	vor.u32 v10, v11  }
0x36e: {  	s11 =	sadd.s32 $0xFFFFFFFD, s0  }
0x36f: {  	[tilespmem:s6+$0xFFFFFF00] =	vst v13;
	v13 =	vmov s11  }
0x370: {  	[tilespmem:s6+$0xFFFFFF10] =	vst v12;
	v12 =	vand.u32 $0x7C, v13  }
0x371: {  	v13 =	vld.idx.msk [tilespmem:v14+s19+$0x0], $0xffff;
	v12 =	vbroadcast v12, $0x0  }
0x372: {  	v11 =	vld.idx.msk [tilespmem:v11+s19+$0x0], $0xffff  }
0x373: {  	v14 =	vor.u32 v4, v12  }
0x374: {  	v12 =	vor.u32 v10, v12  }
0x375: {  	s15 =	sadd.s32 $0xFFFFFFFE, s0  }
0x376: {  	[tilespmem:s6+$0xFFFFFF80] =	vst v13;
	v13 =	vmov s15  }
0x377: {  	[tilespmem:s6+$0xFFFFFF90] =	vst v11;
	v11 =	vand.u32 $0x7D, v13  }
0x378: {  	v11 =	vbroadcast v11, $0x0;
	v13 =	vld.idx.msk [tilespmem:v14+s19+$0x0], $0xffff  }
0x379: {  	v12 =	vld.idx.msk [tilespmem:v12+s19+$0x0], $0xffff  }
0x37a: {  	v14 =	vor.u32 v4, v11  }
0x37b: {  	v11 =	vor.u32 v10, v11  }
0x37c: {  	s29 =	sadd.s32 $0xFFFFFFFF, s0  }
0x37d: {  	[tilespmem:s6+$0x0] =	vst v13;
	v13 =	vmov s29  }
0x37e: {  	[tilespmem:s6+$0x10] =	vst v12;
	v12 =	vand.u32 $0x7E, v13  }
0x37f: {  	v13 =	vld.idx.msk [tilespmem:v14+s19+$0x0], $0xffff;
	v12 =	vbroadcast v12, $0x0  }
0x380: {  	v11 =	vld.idx.msk [tilespmem:v11+s19+$0x0], $0xffff  }
0x381: {  	v14 =	vor.u32 v4, v12  }
0x382: {  	v12 =	vor.u32 v10, v12;
	_ =	sdelay $0x1  }
0x383: {  	[tilespmem:s6+$0x80] =	vst v13;
	v13 =	vmov s0  }
0x384: {  	[tilespmem:s6+$0x90] =	vst v11;
	v11 =	vand.u32 $0x7F, v13  }
0x385: {  	v11 =	vbroadcast v11, $0x0;
	v13 =	vld.idx.msk [tilespmem:v14+s19+$0x0], $0xffff  }
0x386: {  	v12 =	vld.idx.msk [tilespmem:v12+s19+$0x0], $0xffff  }
0x387: {  	v14 =	vor.u32 v4, v11  }
0x388: {  	v11 =	vor.u32 v10, v11;
	_ =	sdelay $0x1  }
0x389: {  	[tilespmem:s6+$0x100] =	vst v13  }
0x38a: {  	[tilespmem:s6+$0x110] =	vst v12  }
0x38b: {  	v12 =	vld.idx.msk [tilespmem:v14+s19+$0x0], $0xffff  }
0x38c: {  	v11 =	vld.idx.msk [tilespmem:v11+s19+$0x0], $0xffff;
	_ =	sdelay $0x2  }
0x38d: {  	s7 =	simm.s32 $0x0  }
0x38e: {  	[tilespmem:s6+$0x180] =	vst v12;
	v12 =	vmov s7  }
0x38f: {  	s11 =	sadd.s32 $0x700, s4;
	[tilespmem:s6+$0x190] =	vst v11;
	v11 =	vand.u32 $0x78, v12  }
0x390: {  	[spmem:s5] =	stream.indirect.scatter.add.f32 [tilespmem:s22], [sflag:$0x3], $0x80, s11, s21, $0xb8;
	v11 =	vbroadcast v11, $0x0;
	[tilespmem:$0x1FA00] =	vst v63  }
0x391: {  	_ =	swait.ge [sflag:s23], $0x1000  }
0x392: {  	[sflag:s23] =	ssyncset.done $0x0;
	v12 =	vor.u32 v4, v11  }
0x393: {  	[sflag:s23] =	ssyncadd.s32 $0xFFFFF000;
	v11 =	vor.u32 v10, v11  }
0x394: {  	s15 =	simm.s32 $0x1;
	_ =	swait.ge [sflag:s28], $0x4000  }
0x395: {  	v13 =	vmov s15;
	[sflag:s28] =	ssyncset.done $0x0  }
0x396: {  	v13 =	vand.u32 $0x79, v13;
	[sflag:s28] =	ssyncadd.s32 $0xFFFFC000  }
0x397: {  	v13 =	vbroadcast v13, $0x0;
	v12 =	vld.idx.msk [tilespmem:v12+s20+$0x0], $0xffff  }
0x398: {  	v11 =	vld.idx.msk [tilespmem:v11+s20+$0x0], $0xffff  }
0x399: {  	v14 =	vor.u32 v4, v13  }
0x39a: {  	v13 =	vor.u32 v10, v13  }
0x39b: {  	s29 =	simm.s32 $0x2;
	s7 =	simm.s32 $0x6C00  }
0x39c: {  	[tilespmem:s7+$0xFFFFFE00] =	vst v12;
	v12 =	vmov s29  }
0x39d: {  	[tilespmem:s7+$0xFFFFFE10] =	vst v11;
	v11 =	vand.u32 $0x7A, v12  }
0x39e: {  	v12 =	vld.idx.msk [tilespmem:v14+s20+$0x0], $0xffff;
	v11 =	vbroadcast v11, $0x0  }
0x39f: {  	v13 =	vld.idx.msk [tilespmem:v13+s20+$0x0], $0xffff  }
0x3a0: {  	v14 =	vor.u32 v4, v11  }
0x3a1: {  	v11 =	vor.u32 v10, v11  }
0x3a2: {  	s2 =	simm.s32 $0x3  }
0x3a3: {  	[tilespmem:s7+$0xFFFFFE80] =	vst v12;
	v12 =	vmov s2  }
0x3a4: {  	[tilespmem:s7+$0xFFFFFE90] =	vst v13;
	v12 =	vand.u32 $0x7B, v12  }
0x3a5: {  	v12 =	vbroadcast v12, $0x0;
	v13 =	vld.idx.msk [tilespmem:v14+s20+$0x0], $0xffff  }
0x3a6: {  	v11 =	vld.idx.msk [tilespmem:v11+s20+$0x0], $0xffff  }
0x3a7: {  	v14 =	vor.u32 v4, v12  }
0x3a8: {  	v12 =	vor.u32 v10, v12  }
0x3a9: {  	s6 =	simm.s32 $0x4  }
0x3aa: {  	[tilespmem:s7+$0xFFFFFF00] =	vst v13;
	v13 =	vmov s6  }
0x3ab: {  	[tilespmem:s7+$0xFFFFFF10] =	vst v11;
	v11 =	vand.u32 $0x7C, v13  }
0x3ac: {  	v13 =	vld.idx.msk [tilespmem:v14+s20+$0x0], $0xffff;
	v11 =	vbroadcast v11, $0x0  }
0x3ad: {  	v12 =	vld.idx.msk [tilespmem:v12+s20+$0x0], $0xffff  }
0x3ae: {  	v14 =	vor.u32 v4, v11  }
0x3af: {  	v11 =	vor.u32 v10, v11  }
0x3b0: {  	s11 =	simm.s32 $0x5  }
0x3b1: {  	[tilespmem:s7+$0xFFFFFF80] =	vst v13;
	v13 =	vmov s11  }
0x3b2: {  	[tilespmem:s7+$0xFFFFFF90] =	vst v12;
	v12 =	vand.u32 $0x7D, v13  }
0x3b3: {  	v12 =	vbroadcast v12, $0x0;
	v13 =	vld.idx.msk [tilespmem:v14+s20+$0x0], $0xffff  }
0x3b4: {  	v11 =	vld.idx.msk [tilespmem:v11+s20+$0x0], $0xffff  }
0x3b5: {  	v14 =	vor.u32 v4, v12  }
0x3b6: {  	v12 =	vor.u32 v10, v12  }
0x3b7: {  	s15 =	simm.s32 $0x6  }
0x3b8: {  	[tilespmem:s7+$0x0] =	vst v13;
	v13 =	vmov s15  }
0x3b9: {  	[tilespmem:s7+$0x10] =	vst v11;
	v11 =	vand.u32 $0x7E, v13  }
0x3ba: {  	v13 =	vld.idx.msk [tilespmem:v14+s20+$0x0], $0xffff;
	v11 =	vbroadcast v11, $0x0  }
0x3bb: {  	v12 =	vld.idx.msk [tilespmem:v12+s20+$0x0], $0xffff  }
0x3bc: {  	v14 =	vor.u32 v4, v11;
	_ =	sdelay $0x1  }
0x3bd: {  	v11 =	vor.u32 v10, v11  }
0x3be: {  	s29 =	simm.s32 $0x7;
	[tilespmem:s7+$0x80] =	vst v13  }
0x3bf: {  	[tilespmem:s7+$0x90] =	vst v12;
	v12 =	vmov s29  }
0x3c0: {  	v12 =	vand.u32 $0x7F, v12;
	v14 =	vld.idx.msk [tilespmem:v14+s20+$0x0], $0xffff  }
0x3c1: {  	v15 =	vbroadcast v12, $0x0  }
0x3c2: {  	v13 =	vld.idx.msk [tilespmem:v11+s20+$0x0], $0xffff  }
0x3c3: {  	v12 =	vor.u32 v4, v15  }
0x3c4: {  	s0 =	simm.s32 $0xF;
	v11 =	vor.u32 v10, v15  }
0x3c5: {  	s6 =	simm.s32 $0x6C00;
	s11 =	simm.s32 $0x8;
	s15 =	simm.s32 $0x17;
	[tilespmem:s7+$0x100] =	vst v14  }
.LBB2_15:
0x3c6: {  	p1 =	sne.s32 s15, $0x7F  }
0x3c7: {  	v14 =	vmov s11;
	[tilespmem:s7+$0x110] =	vst v13;
	s6 =	sadd.s32 $0x400, s6;
	s11 =	smov.u32 s15;
	s15 =	sadd.s32 $0x8, s15  }
0x3c8: {  	v13 =	vand.u32 $0x78, v14;
	v12 =	vld.idx.msk [tilespmem:v12+s20+$0x0], $0xffff  }
0x3c9: {  	v13 =	vbroadcast v13, $0x0;
	v11 =	vld.idx.msk [tilespmem:v11+s20+$0x0], $0xffff;
	_ =	sdelay $0x1  }
0x3ca: {  	v14 =	vor.u32 v4, v13;
	v13 =	vor.u32 v10, v13;
	_ =	sdelay $0x2  }
0x3cb: {  	s2 =	sadd.s32 $0xFFFFFFFA, s0;
	[tilespmem:s7+$0x180] =	vst v12  }
0x3cc: {  	v12 =	vmov s2;
	[tilespmem:s7+$0x190] =	vst v11;
	s7 =	smov.u32 s6  }
0x3cd: {  	v12 =	vand.u32 $0x79, v12;
	v11 =	vld.idx.msk [tilespmem:v14+s20+$0x0], $0xffff  }
0x3ce: {  	v12 =	vbroadcast v12, $0x0;
	v13 =	vld.idx.msk [tilespmem:v13+s20+$0x0], $0xffff;
	_ =	sdelay $0x1  }
0x3cf: {  	v14 =	vor.u32 v4, v12;
	v12 =	vor.u32 v10, v12;
	_ =	sdelay $0x2  }
0x3d0: {  	s2 =	sadd.s32 $0xFFFFFFFB, s0;
	[tilespmem:s6+$0xFFFFFE00] =	vst v11  }
0x3d1: {  	v11 =	vmov s2;
	[tilespmem:s6+$0xFFFFFE10] =	vst v13  }
0x3d2: {  	v11 =	vand.u32 $0x7A, v11;
	v13 =	vld.idx.msk [tilespmem:v14+s20+$0x0], $0xffff  }
0x3d3: {  	v11 =	vbroadcast v11, $0x0;
	v12 =	vld.idx.msk [tilespmem:v12+s20+$0x0], $0xffff;
	_ =	sdelay $0x1  }
0x3d4: {  	v14 =	vor.u32 v4, v11;
	v11 =	vor.u32 v10, v11;
	_ =	sdelay $0x2  }
0x3d5: {  	s2 =	sadd.s32 $0xFFFFFFFC, s0;
	[tilespmem:s6+$0xFFFFFE80] =	vst v13  }
0x3d6: {  	[tilespmem:s6+$0xFFFFFE90] =	vst v12;
	v12 =	vmov s2  }
0x3d7: {  	v13 =	vld.idx.msk [tilespmem:v14+s20+$0x0], $0xffff;
	v12 =	vand.u32 $0x7B, v12  }
0x3d8: {  	v11 =	vld.idx.msk [tilespmem:v11+s20+$0x0], $0xffff;
	v12 =	vbroadcast v12, $0x0;
	_ =	sdelay $0x1  }
0x3d9: {  	v14 =	vor.u32 v4, v12;
	v12 =	vor.u32 v10, v12;
	_ =	sdelay $0x2  }
0x3da: {  	s2 =	sadd.s32 $0xFFFFFFFD, s0;
	[tilespmem:s6+$0xFFFFFF00] =	vst v13  }
0x3db: {  	[tilespmem:s6+$0xFFFFFF10] =	vst v11;
	v11 =	vmov s2  }
0x3dc: {  	v13 =	vld.idx.msk [tilespmem:v14+s20+$0x0], $0xffff;
	v11 =	vand.u32 $0x7C, v11  }
0x3dd: {  	v12 =	vld.idx.msk [tilespmem:v12+s20+$0x0], $0xffff;
	v11 =	vbroadcast v11, $0x0;
	_ =	sdelay $0x1  }
0x3de: {  	v14 =	vor.u32 v4, v11;
	v11 =	vor.u32 v10, v11;
	_ =	sdelay $0x2  }
0x3df: {  	s2 =	sadd.s32 $0xFFFFFFFE, s0;
	[tilespmem:s6+$0xFFFFFF80] =	vst v13  }
0x3e0: {  	[tilespmem:s6+$0xFFFFFF90] =	vst v12;
	v12 =	vmov s2  }
0x3e1: {  	v13 =	vld.idx.msk [tilespmem:v14+s20+$0x0], $0xffff;
	v12 =	vand.u32 $0x7D, v12  }
0x3e2: {  	v11 =	vld.idx.msk [tilespmem:v11+s20+$0x0], $0xffff;
	v12 =	vbroadcast v12, $0x0;
	_ =	sdelay $0x1  }
0x3e3: {  	v14 =	vor.u32 v4, v12;
	v12 =	vor.u32 v10, v12;
	_ =	sdelay $0x2  }
0x3e4: {  	s2 =	sadd.s32 $0xFFFFFFFF, s0;
	[tilespmem:s6+$0x0] =	vst v13  }
0x3e5: {  	[tilespmem:s6+$0x10] =	vst v11;
	v11 =	vmov s2  }
0x3e6: {  	v13 =	vld.idx.msk [tilespmem:v14+s20+$0x0], $0xffff;
	v11 =	vand.u32 $0x7E, v11  }
0x3e7: {  	v12 =	vld.idx.msk [tilespmem:v12+s20+$0x0], $0xffff;
	v11 =	vbroadcast v11, $0x0;
	_ =	sdelay $0x1  }
0x3e8: {  	v14 =	vor.u32 v4, v11;
	v11 =	vor.u32 v10, v11;
	_ =	sdelay $0x2  }
0x3e9: {  	[tilespmem:s6+$0x80] =	vst v13  }
0x3ea: {  	[tilespmem:s6+$0x90] =	vst v12;
	v12 =	vmov s0;
	s0 =	smov.u32 s11  }
0x3eb: {  	v14 =	vld.idx.msk [tilespmem:v14+s20+$0x0], $0xffff;
	v12 =	vand.u32 $0x7F, v12  }
0x3ec: {  	v13 =	vld.idx.msk [tilespmem:v11+s20+$0x0], $0xffff;
	v11 =	vbroadcast v12, $0x0  }
.Ltmp6:
0x3ed: {  	(pc) =	sbr.rel @p1 .LBB2_15-.Ltmp6, $2  }
0x3ee: {  	v12 =	vor.u32 v4, v11;
	v11 =	vor.u32 v10, v11;
	_ =	sdelay $0x2  }
0x3ef: {  	s11 =	sadd.s32 $0xFFFFFFF9, s0;
	[tilespmem:s6+$0x100] =	vst v14  }
0x3f0: {  	_ =	sdelay $0x1  }
0x3f1: {  	v14 =	vmov s11  }
0x3f2: {  	[tilespmem:s7+$0x110] =	vst v13;
	v40 =	vand.u32 $0x78, v14  }
0x3f3: {  	v12 =	vld.idx.msk [tilespmem:v12+s20+$0x0], $0xffff;
	v13 =	vbroadcast v40, $0x0  }
0x3f4: {  	v11 =	vld.idx.msk [tilespmem:v11+s20+$0x0], $0xffff  }
0x3f5: {  	v41 =	vor.u32 v4, v13  }
0x3f6: {  	v13 =	vor.u32 v10, v13  }
0x3f7: {  	s2 =	sadd.s32 $0xFFFFFFFA, s0  }
0x3f8: {  	v42 =	vmov s2;
	[tilespmem:s7+$0x180] =	vst v12  }
0x3f9: {  	[tilespmem:s7+$0x190] =	vst v11;
	v11 =	vand.u32 $0x79, v42  }
0x3fa: {  	v11 =	vbroadcast v11, $0x0;
	v43 =	vld.idx.msk [tilespmem:v41+s20+$0x0], $0xffff  }
0x3fb: {  	v13 =	vld.idx.msk [tilespmem:v13+s20+$0x0], $0xffff  }
0x3fc: {  	v44 =	vor.u32 v4, v11  }
0x3fd: {  	v11 =	vor.u32 v10, v11  }
0x3fe: {  	s6 =	sadd.s32 $0x400, s6;
	s15 =	sadd.s32 $0xFFFFFFFB, s0  }
0x3ff: {  	v45 =	vmov s15;
	[tilespmem:s6+$0xFFFFFE00] =	vst v43  }
0x400: {  	v12 =	vand.u32 $0x7A, v45;
	[tilespmem:s6+$0xFFFFFE10] =	vst v13  }
0x401: {  	v12 =	vbroadcast v12, $0x0;
	v13 =	vld.idx.msk [tilespmem:v44+s20+$0x0], $0xffff  }
0x402: {  	v11 =	vld.idx.msk [tilespmem:v11+s20+$0x0], $0xffff  }
0x403: {  	v46 =	vor.u32 v4, v12  }
0x404: {  	v12 =	vor.u32 v10, v12  }
0x405: {  	s29 =	sadd.s32 $0xFFFFFFFC, s0  }
0x406: {  	v47 =	vmov s29;
	[tilespmem:s6+$0xFFFFFE80] =	vst v13  }
0x407: {  	[tilespmem:s6+$0xFFFFFE90] =	vst v11;
	v11 =	vand.u32 $0x7B, v47  }
0x408: {  	v48 =	vld.idx.msk [tilespmem:v46+s20+$0x0], $0xffff;
	v11 =	vbroadcast v11, $0x0  }
0x409: {  	v12 =	vld.idx.msk [tilespmem:v12+s20+$0x0], $0xffff  }
0x40a: {  	v49 =	vor.u32 v4, v11  }
0x40b: {  	v11 =	vor.u32 v10, v11  }
0x40c: {  	s7 =	sadd.s32 $0xFFFFFFFD, s0  }
0x40d: {  	v50 =	vmov s7;
	[tilespmem:s6+$0xFFFFFF00] =	vst v48  }
0x40e: {  	v51 =	vand.u32 $0x7C, v50;
	[tilespmem:s6+$0xFFFFFF10] =	vst v12  }
0x40f: {  	v12 =	vbroadcast v51, $0x0;
	v52 =	vld.idx.msk [tilespmem:v49+s20+$0x0], $0xffff  }
0x410: {  	v11 =	vld.idx.msk [tilespmem:v11+s20+$0x0], $0xffff  }
0x411: {  	v53 =	vor.u32 v4, v12  }
0x412: {  	v12 =	vor.u32 v10, v12  }
0x413: {  	s11 =	sadd.s32 $0xFFFFFFFE, s0  }
0x414: {  	v54 =	vmov s11;
	[tilespmem:s6+$0xFFFFFF80] =	vst v52  }
0x415: {  	[tilespmem:s6+$0xFFFFFF90] =	vst v11;
	v11 =	vand.u32 $0x7D, v54  }
0x416: {  	v55 =	vld.idx.msk [tilespmem:v53+s20+$0x0], $0xffff;
	v11 =	vbroadcast v11, $0x0  }
0x417: {  	v12 =	vld.idx.msk [tilespmem:v12+s20+$0x0], $0xffff  }
0x418: {  	v56 =	vor.u32 v4, v11  }
0x419: {  	v11 =	vor.u32 v10, v11  }
0x41a: {  	s15 =	sadd.s32 $0xFFFFFFFF, s0  }
0x41b: {  	v57 =	vmov s15;
	[tilespmem:s6+$0x0] =	vst v55  }
0x41c: {  	v58 =	vand.u32 $0x7E, v57;
	[tilespmem:s6+$0x10] =	vst v12  }
0x41d: {  	v12 =	vbroadcast v58, $0x0;
	v59 =	vld.idx.msk [tilespmem:v56+s20+$0x0], $0xffff  }
0x41e: {  	v11 =	vld.idx.msk [tilespmem:v11+s20+$0x0], $0xffff  }
0x41f: {  	v60 =	vor.u32 v4, v12  }
0x420: {  	v12 =	vor.u32 v10, v12;
	_ =	sdelay $0x1  }
0x421: {  	v61 =	vmov s0;
	[tilespmem:s6+$0x80] =	vst v59  }
0x422: {  	[tilespmem:s6+$0x90] =	vst v11;
	v11 =	vand.u32 $0x7F, v61  }
0x423: {  	v62 =	vld.idx.msk [tilespmem:v60+s20+$0x0], $0xffff;
	v11 =	vbroadcast v11, $0x0  }
0x424: {  	v12 =	vld.idx.msk [tilespmem:v12+s20+$0x0], $0xffff  }
0x425: {  	v63 =	vor.u32 v4, v11  }
0x426: {  	v11 =	vor.u32 v10, v11;
	_ =	sdelay $0x1  }
0x427: {  	[tilespmem:s6+$0x100] =	vst v62  }
0x428: {  	[tilespmem:s6+$0x110] =	vst v12  }
0x429: {  	v12 =	vld.idx.msk [tilespmem:v63+s20+$0x0], $0xffff  }
0x42a: {  	s31 =	sadd.s32 $0x1, s31;
	v11 =	vld.idx.msk [tilespmem:v11+s20+$0x0], $0xffff  }
0x42b: {  	p1 =	sne.s32 s31, $0x3D  }
.Ltmp7:
0x42c: {  	_ = 	snop;
	(pc) =	sbr.rel @p1 .LBB2_6-.Ltmp7, $4  }
0x42d: {  	_ = 	snop  }
0x42e: {  	[tilespmem:s6+$0x180] =	vst v12  }
0x42f: {  	p0 =	por !p0, !p0;
	s29 =	sadd.s32 $0x780, s4;
	[tilespmem:s6+$0x190] =	vst v11  }
0x430: {  	[spmem:s5] =	stream.indirect.scatter.add.f32 [tilespmem:s24], [sflag:$0x4], $0x80, s29, s21, $0xb8;
	[tilespmem:$0x1FA00] =	vst v63  }
0x431: {  	_ =	swait.ge [sflag:s25], $0x4000  }
0x432: {  	[sflag:s25] =	ssyncset.done $0x0  }
0x433: {  	[sflag:s25] =	ssyncadd.s32 $0xFFFFC000  }
0x434: {  	_ =	swait.ge [sflag:s28], $0x4000  }
0x435: {  	[sflag:s28] =	ssyncset.done $0x0  }
0x436: {  	[sflag:s28] =	ssyncadd.s32 $0xFFFFC000  }
0x437: {  	[bflag:$0x0] =	sbarrier.arrive $0xFFFF  }
0x438: {  	s6 =	simm.s32 $0xAA00;
	s0 =	rddreg [dreg:$0xe]  }
0x439: {  	[tilespmem:s6], [sflag:$0x5] =	stream.linear.gather [spmem:s0], $0x2800, $0x38;
	[tilespmem:$0x1FA00] =	vst v63  }
0x43a: {  	_ =	swait.ge [sflag:s12], $0x2800  }
0x43b: {  	[sflag:s12] =	ssyncset.done $0x0  }
0x43c: {  	s0 =	simm.s32 $0x0;
	s2 =	rddreg [dreg:$0x5];
	[sflag:s12] =	ssyncadd.s32 $0xFFFFD800  }
0x43d: {  	[hbm4b:s2+s0] =	stream.linear.scatter [tilespmem:s6], [sflag:$0x5], $0x2800, $0x38;
	[tilespmem:$0x1FA00] =	vst v63  }
0x43e: {  	_ =	swait.ge [sflag:s12], $0x2800  }
0x43f: {  	[sflag:s12] =	ssyncset.done $0x0  }
0x440: {  	s11 =	rddreg [dreg:$0xf];
	[sflag:s12] =	ssyncadd.s32 $0xFFFFD800  }
0x441: {  	[tilespmem:s6], [sflag:$0x5] =	stream.linear.gather [spmem:s11], $0x2800, $0x38;
	[tilespmem:$0x1FA00] =	vst v63  }
0x442: {  	_ =	swait.ge [sflag:s12], $0x2800  }
0x443: {  	[sflag:s12] =	ssyncset.done $0x0  }
0x444: {  	s15 =	rddreg [dreg:$0x6];
	[sflag:s12] =	ssyncadd.s32 $0xFFFFD800  }
0x445: {  	[hbm4b:s15+s0] =	stream.linear.scatter [tilespmem:s6], [sflag:$0x5], $0x2800, $0x38;
	[tilespmem:$0x1FA00] =	vst v63  }
0x446: {  	_ =	swait.ge [sflag:s12], $0x2800  }
0x447: {  	[sflag:s12] =	ssyncset.done $0x0  }
0x448: {  	s29 =	rddreg [dreg:$0x10];
	[sflag:s12] =	ssyncadd.s32 $0xFFFFD800  }
0x449: {  	[tilespmem:s6], [sflag:$0x5] =	stream.linear.gather [spmem:s29], $0x2800, $0x38;
	[tilespmem:$0x1FA00] =	vst v63  }
0x44a: {  	_ =	swait.ge [sflag:s12], $0x2800  }
0x44b: {  	[sflag:s12] =	ssyncset.done $0x0  }
0x44c: {  	s31 =	rddreg [dreg:$0x7];
	[sflag:s12] =	ssyncadd.s32 $0xFFFFD800  }
0x44d: {  	[hbm4b:s31+s0] =	stream.linear.scatter [tilespmem:s6], [sflag:$0x5], $0x2800, $0x38;
	[tilespmem:$0x1FA00] =	vst v63  }
0x44e: {  	_ =	swait.ge [sflag:s12], $0x2800  }
0x44f: {  	[sflag:s12] =	ssyncset.done $0x0  }
0x450: {  	s4 =	rddreg [dreg:$0x11];
	[sflag:s12] =	ssyncadd.s32 $0xFFFFD800  }
0x451: {  	[tilespmem:s6], [sflag:$0x5] =	stream.linear.gather [spmem:s4], $0x2800, $0x38;
	[tilespmem:$0x1FA00] =	vst v63  }
0x452: {  	_ =	swait.ge [sflag:s12], $0x2800  }
0x453: {  	[sflag:s12] =	ssyncset.done $0x0  }
0x454: {  	s7 =	rddreg [dreg:$0x8];
	[sflag:s12] =	ssyncadd.s32 $0xFFFFD800  }
0x455: {  	[hbm4b:s7+s0] =	stream.linear.scatter [tilespmem:s6], [sflag:$0x5], $0x2800, $0x38;
	[tilespmem:$0x1FA00] =	vst v63  }
0x456: {  	_ =	swait.ge [sflag:s12], $0x2800  }
0x457: {  	[sflag:s12] =	ssyncset.done $0x0  }
0x458: {  	s11 =	rddreg [dreg:$0x12];
	[sflag:s12] =	ssyncadd.s32 $0xFFFFD800  }
0x459: {  	[tilespmem:s6], [sflag:$0x5] =	stream.linear.gather [spmem:s11], $0x2800, $0x38;
	[tilespmem:$0x1FA00] =	vst v63  }
0x45a: {  	_ =	swait.ge [sflag:s12], $0x2800  }
0x45b: {  	[sflag:s12] =	ssyncset.done $0x0  }
0x45c: {  	s15 =	rddreg [dreg:$0x9];
	[sflag:s12] =	ssyncadd.s32 $0xFFFFD800  }
0x45d: {  	[hbm4b:s15+s0] =	stream.linear.scatter [tilespmem:s6], [sflag:$0x5], $0x2800, $0x38;
	[tilespmem:$0x1FA00] =	vst v63  }
0x45e: {  	_ =	swait.ge [sflag:s12], $0x2800  }
0x45f: {  	[sflag:s12] =	ssyncset.done $0x0  }
0x460: {  	s29 =	rddreg [dreg:$0x13];
	[sflag:s12] =	ssyncadd.s32 $0xFFFFD800  }
0x461: {  	[tilespmem:s6], [sflag:$0x5] =	stream.linear.gather [spmem:s29], $0x2800, $0x38;
	[tilespmem:$0x1FA00] =	vst v63  }
0x462: {  	_ =	swait.ge [sflag:s12], $0x2800  }
0x463: {  	[sflag:s12] =	ssyncset.done $0x0  }
0x464: {  	s31 =	rddreg [dreg:$0xa];
	[sflag:s12] =	ssyncadd.s32 $0xFFFFD800  }
0x465: {  	[hbm4b:s31+s0] =	stream.linear.scatter [tilespmem:s6], [sflag:$0x5], $0x2800, $0x38;
	[tilespmem:$0x1FA00] =	vst v63  }
0x466: {  	_ =	swait.ge [sflag:s12], $0x2800  }
0x467: {  	[sflag:s12] =	ssyncset.done $0x0  }
0x468: {  	s4 =	rddreg [dreg:$0x14];
	[sflag:s12] =	ssyncadd.s32 $0xFFFFD800  }
0x469: {  	[tilespmem:s6], [sflag:$0x5] =	stream.linear.gather [spmem:s4], $0x2800, $0x38;
	[tilespmem:$0x1FA00] =	vst v63  }
0x46a: {  	_ =	swait.ge [sflag:s12], $0x2800  }
0x46b: {  	[sflag:s12] =	ssyncset.done $0x0  }
0x46c: {  	s7 =	rddreg [dreg:$0xb];
	[sflag:s12] =	ssyncadd.s32 $0xFFFFD800  }
0x46d: {  	[hbm4b:s7+s0] =	stream.linear.scatter [tilespmem:s6], [sflag:$0x5], $0x2800, $0x38;
	[tilespmem:$0x1FA00] =	vst v63  }
0x46e: {  	_ =	swait.ge [sflag:s12], $0x2800  }
0x46f: {  	[sflag:s12] =	ssyncset.done $0x0  }
0x470: {  	s11 =	rddreg [dreg:$0x15];
	[sflag:s12] =	ssyncadd.s32 $0xFFFFD800  }
0x471: {  	[tilespmem:s6], [sflag:$0x5] =	stream.linear.gather [spmem:s11], $0xC00, $0x38;
	[tilespmem:$0x1FA00] =	vst v63  }
0x472: {  	_ =	swait.ge [sflag:s12], $0xC00  }
0x473: {  	[sflag:s12] =	ssyncset.done $0x0  }
0x474: {  	s15 =	rddreg [dreg:$0xc];
	[sflag:s12] =	ssyncadd.s32 $0xFFFFF400  }
0x475: {  	[hbm4b:s15+s0] =	stream.linear.scatter [tilespmem:s6], [sflag:$0x5], $0xC00, $0x38;
	[tilespmem:$0x1FA00] =	vst v63  }
0x476: {  	_ =	swait.ge [sflag:s12], $0xC00  }
0x477: {  	s29 =	rddreg [dreg:$0x1e]  }
0x478: {  	s31 =	rddreg [dreg:$0x16];
	s2 =	sadd.s32 $0x1, s29  }
0x479: {  	p0 =	sne.s32 s2, s31  }
.Ltmp8:
0x47a: {  	_ = 	snop;
	(pc) =	sbr.rel @p0 .LBB2_1-.Ltmp8, $3  }
0x47b: {  	_ =	sdelay $0x1  }
0x47c: {  	[sflag:s12] =	ssyncset.done $0x0  }
0x47d: {  	[sflag:s12] =	ssyncadd.s32 $0xFFFFF400  }
0x47e: {  	_ =	sfence.sel $0x180000  }
0x47f: {  	[bflag:$0x0] =	sbarrier.arrive $0xFFFF  }
0x480: {  	_ =	strace $0x90000047  }
0x481: {  	s0 =	stileid.u32;
	[bflag:$0x2] =	sbarrier.arrive $0xFFFF  }
0x482: {  	p0 =	sne.s32 s0, $0x0;
	s0 =	rddreg [dreg:$0x4]  }
0x483: {  	s0 =	sadd.s32 @!p0 $0x100000, s0  }
0x484: {  	[sflag:s0] =	ssyncadd.tile.s32 @!p0 $0x1;
	_ =	shalt  }
.Lfunc_end2:
_tile_overlayer_lowered:
.L_overlay_start_2:
0x485: {  	(tag) =	ssettag $0x2  }
0x486: {  	s0 =	rddreg [dreg:$0x0];
	s2 =	stileid.u32  }
0x487: {  	s1 =	rddreg [dreg:$0x1];
	p0 =	sne.s32 s2, $0x0  }
0x488: {  	s3 =	rddreg [dreg:$0x2];
	[bflag:$0x3] =	sbarrier.arrive $0xFFFF;
	s2 =	simm.s32 @!p0 $0x1C05  }
0x489: {  	[timem:s3], [sflag:s2] =	dma.local @!p0 [hbm:s0], s1  }
0x48a: {  	s0 =	simm.s32 @!p0 $0x5  }
0x48b: {  	_ =	swait.ge @!p0 [sflag:s0], s1  }
0x48c: {  	s1 =	ssub.s32 @!p0 $0x0, s1;
	[sflag:s0] =	ssyncset.done @!p0 $0x0  }
0x48d: {  	[sflag:s0] =	ssyncadd.s32 @!p0 s1  }
0x48e: {  	[bflag:$0x3] =	sbarrier.arrive $0xFFFF  }
0x48f: {  	_ =	shalt  }

</sc_bundles>
